<compile_context>
chip_gen: v7x
topology: tpu7x:2x2x1
jax: 0.10.2.dev20260603
libtpu: 0.0.44.dev20260713+nightly
codegen_flags: <defaults>
</compile_context>

<pallas_src>
import functools

import jax
import jax.numpy as jnp
from jax import lax
from jax.experimental import pallas as pl
from jax.experimental.pallas import tpu as pltpu
from jax.experimental.pallas import tpu_sc as plsc

EMBED = 64
QUAD = 4
QROWS = 96
QCOL = QUAD * EMBED
GROUP = 128
CHUNK = GROUP * QUAD
NBUF = 3


def _quad_table_body(t_ref, o_ref):
    t = t_ref[...]
    r = lax.broadcasted_iota(jnp.int32, (QROWS, EMBED), 0)
    rows = [jnp.broadcast_to(t[k:k + 1, :], (QROWS, EMBED)) for k in range(3)]
    parts = []
    for k in range(QUAD):
        digit = (r // (3 ** (QUAD - 1 - k))) % 3
        parts.append(jnp.where(digit == 0, rows[0],
                               jnp.where(digit == 1, rows[1], rows[2])))
    o_ref[...] = jnp.concatenate(parts, axis=1)


NREP = 32


def _make_quad_table(seg_table):
    return pl.pallas_call(
        _quad_table_body,
        grid=(NREP,),
        in_specs=[pl.BlockSpec((3, EMBED), lambda r: (0, 0))],
        out_specs=pl.BlockSpec((QROWS, QCOL), lambda r: (r, 0)),
        out_shape=jax.ShapeDtypeStruct((NREP * QROWS, QCOL), jnp.float32),
    )(seg_table)


@functools.cache
def _make_sc_lookup(B: int):
    info = plsc.get_sparse_core_info()
    nw = info.num_cores * info.num_subcores
    b_per_w = B // nw
    assert B % nw == 0 and b_per_w % CHUNK == 0
    assert (b_per_w // CHUNK - 2) % NBUF == 0 and b_per_w // CHUNK >= 5
    mesh = plsc.VectorSubcoreMesh(core_axis_name="c", subcore_axis_name="s")

    @functools.partial(
        pl.kernel,
        mesh=mesh,
        out_type=jax.ShapeDtypeStruct((B // QUAD, QCOL), jnp.float32),
        scratch_types=[
            [pltpu.VMEM((GROUP,), jnp.int32) for _ in range(NBUF)],
            [pltpu.VMEM((GROUP,), jnp.int32) for _ in range(NBUF)],
            [pltpu.VMEM((GROUP, QCOL), jnp.float32) for _ in range(NBUF)],
            [pltpu.SemaphoreType.DMA for _ in range(NBUF)],
            [pltpu.SemaphoreType.DMA for _ in range(NBUF)],
            [pltpu.SemaphoreType.DMA for _ in range(NBUF)],
        ],
    )
    def lookup(x_hbm, qt_hbm, out_hbm, idx_v, pidx_v, rows_v,
               sem_a, sem_g, sem_w):
        wid = lax.axis_index("s") * info.num_cores + lax.axis_index("c")
        baseq = wid * (b_per_w // QUAD)
        n_chunks = b_per_w // CHUNK

        def offq(g):
            return pl.multiple_of(baseq + g * GROUP, GROUP)

        def issue_a(g, b):
            pltpu.async_copy(x_hbm.at[pl.ds(offq(g), GROUP)],
                             idx_v[b], sem_a[b])

        def wait_a(b):
            pltpu.make_async_copy(x_hbm.at[pl.ds(0, GROUP)],
                                  idx_v[b], sem_a[b]).wait()

        rep_off = wid * QROWS

        def pack(b):
            for j in range(GROUP // 16):
                pidx_v[b][pl.ds(j * 16, 16)] = \
                    idx_v[b][pl.ds(j * 16, 16)] + rep_off

        def issue_g(b):
            pltpu.async_copy(qt_hbm.at[pidx_v[b]], rows_v[b], sem_g[b])

        def wait_g(b):
            pltpu.make_async_copy(qt_hbm.at[pidx_v[b]],
                                  rows_v[b], sem_g[b]).wait()

        def issue_w(g, b):
            pltpu.async_copy(rows_v[b],
                             out_hbm.at[pl.ds(offq(g), GROUP)], sem_w[b])

        def wait_w(b):
            pltpu.make_async_copy(rows_v[b],
                                  out_hbm.at[pl.ds(0, GROUP)],
                                  sem_w[b]).wait()

        issue_a(0, 0)
        wait_a(0)
        pack(0)
        issue_g(0)
        issue_a(1, 1)
        wait_a(1)
        pack(1)
        issue_g(1)
        issue_a(2, 2)
        wait_a(2)
        pack(2)
        issue_g(2)
        issue_a(3, 0)
        wait_g(0)
        issue_w(0, 0)

        def outer(i, carry):
            for b in range(NBUF):
                g = i * NBUF + b
                wait_a(b)
                pack(b)
                wait_w(b)
                issue_g(b)
                issue_a(g + 1, (b + 1) % NBUF)
                bw = (b + 1) % NBUF
                wait_g(bw)
                issue_w(g - 2, bw)
            return carry

        lax.fori_loop(1, (n_chunks - 2) // NBUF, outer, 0)

        n = n_chunks
        wait_a(0)
        pack(0)
        wait_w(0)
        issue_g(0)
        issue_a(n - 1, 1)
        wait_g(1)
        issue_w(n - 4, 1)

        wait_a(1)
        pack(1)
        wait_w(1)
        issue_g(1)
        wait_g(2)
        issue_w(n - 3, 2)

        wait_g(0)
        issue_w(n - 2, 0)
        wait_g(1)
        issue_w(n - 1, 1)
        wait_w(2)
        wait_w(0)
        wait_w(1)

    return lookup


def kernel(x, seg_table):
    r, c = x.shape
    B = r * c
    xi = x.astype(jnp.int32)
    quads = (xi[:, 0::4] * 27 + xi[:, 1::4] * 9
             + xi[:, 2::4] * 3 + xi[:, 3::4])
    xb = quads.reshape(B // QUAD)
    qt = _make_quad_table(seg_table)
    out = _make_sc_lookup(B)(xb, qt)
    return out.reshape(r, c, EMBED)

# --- scband reference (transcript-rebuilt; emitter-appended) ---
"""Pipeline reference for scband-segment-embedding-64407329571235 (READ-ONLY COPY).

The authoritative reference and input builder live on the scoring server;
editing this copy changes nothing except your own understanding.
"""

import jax, jax.numpy as jnp
import numpy as np

EMBED_DIM = 64

def setup_inputs(seed: int = 0) -> dict:
    key = jax.random.key(seed)
    k1, k2 = jax.random.split(key)
    x = jax.random.randint(k1, (4096, 200), 0, 3, dtype=jnp.int64)
    # Keras Embedding default init: uniform(-0.05, 0.05)
    seg_table = jax.random.uniform(k2, (3, EMBED_DIM), dtype=jnp.float32, minval=-0.05, maxval=0.05)
    return {"x": x, "seg_table": seg_table}

def reference(x, seg_table):
    # SegmentEmbedding.call: embedding lookup into 3-row segment table
    seg_embed = jnp.take(seg_table, x, axis=0)
    return seg_embed

if __name__ == "__main__":
    import jax
    _d = setup_inputs()
    print(jax.jit(kernel)(*tuple(_d.values())))

</pallas_src>

<mosaic_0001>
#map = affine_map<(d0, d1) -> (0)>
#map1 = affine_map<(d0, d1) -> (0, 0)>
module attributes {stable_mosaic.version = 14 : i64} {
  func.func @lookup(%arg0: i32, %arg1: i32, %arg2: memref<204800xi32, #tpu.memory_space<hbm>>, %arg3: memref<3072x256xf32, #tpu.memory_space<hbm>>, %arg4: memref<204800x256xf32, #tpu.memory_space<hbm>>, %arg5: memref<128xi32, #tpu.memory_space<vmem>>, %arg6: memref<128xi32, #tpu.memory_space<vmem>>, %arg7: memref<128xi32, #tpu.memory_space<vmem>>, %arg8: memref<128xi32, #tpu.memory_space<vmem>>, %arg9: memref<128xi32, #tpu.memory_space<vmem>>, %arg10: memref<128xi32, #tpu.memory_space<vmem>>, %arg11: memref<128x256xf32, #tpu.memory_space<vmem>>, %arg12: memref<128x256xf32, #tpu.memory_space<vmem>>, %arg13: memref<128x256xf32, #tpu.memory_space<vmem>>, %arg14: memref<!tpu.dma_semaphore, #tpu.memory_space<semaphore_mem>>, %arg15: memref<!tpu.dma_semaphore, #tpu.memory_space<semaphore_mem>>, %arg16: memref<!tpu.dma_semaphore, #tpu.memory_space<semaphore_mem>>, %arg17: memref<!tpu.dma_semaphore, #tpu.memory_space<semaphore_mem>>, %arg18: memref<!tpu.dma_semaphore, #tpu.memory_space<semaphore_mem>>, %arg19: memref<!tpu.dma_semaphore, #tpu.memory_space<semaphore_mem>>, %arg20: memref<!tpu.dma_semaphore, #tpu.memory_space<semaphore_mem>>, %arg21: memref<!tpu.dma_semaphore, #tpu.memory_space<semaphore_mem>>, %arg22: memref<!tpu.dma_semaphore, #tpu.memory_space<semaphore_mem>>) attributes {dimension_semantics = [#tpu.dimension_semantics<core_parallel>, #tpu.dimension_semantics<subcore_parallel>], iteration_bounds = array<i64: 2, 16>, scalar_prefetch = 0 : i64, scratch_operands = 18 : i64, tpu.core_type = #tpu.core_type<sc_vector_subcore>, window_params = [{transform_indices = #map}, {transform_indices = #map1}, {transform_indices = #map1}]} {
    %mul3A = arith.constant 2 : i32
    %mul3A_0 = arith.muli %arg1, %mul3A : i32
    %add3A = arith.addi %mul3A_0, %arg0 : i32
    %mul3A_1 = arith.constant 6400 : i32
    %mul3A_2 = arith.muli %add3A, %mul3A_1 : i32
    %mul3A_3 = arith.constant 96 : i32
    %mul3A_4 = arith.muli %add3A, %mul3A_3 : i32
    %add3A_5 = arith.constant 0 : i32
    %add3A_6 = arith.addi %mul3A_2, %add3A_5 : i32
    %multiple_of3A = tpu.assume_multiple %add3A_6, 128 : i32
    %dma_start3A = tpu.memref_slice %arg2[%multiple_of3A] : memref<204800xi32, #tpu.memory_space<hbm>> -> memref<128xi32, #tpu.memory_space<hbm>>
    %dma_start3A_7 = tpu.memref_slice %arg2[%multiple_of3A] : memref<204800xi32, #tpu.memory_space<hbm>> -> memref<128xi32, #tpu.memory_space<hbm>>
    tpu.enqueue_dma source(%dma_start3A_7 : memref<128xi32, #tpu.memory_space<hbm>>) target(%arg5 : memref<128xi32, #tpu.memory_space<vmem>>) target_semaphore(%arg14 : memref<!tpu.dma_semaphore, #tpu.memory_space<semaphore_mem>>)
    %dma_wait3A = arith.constant 0 : i32
    %dma_wait3A_8 = tpu.memref_slice %arg2[%dma_wait3A] : memref<204800xi32, #tpu.memory_space<hbm>> -> memref<128xi32, #tpu.memory_space<hbm>>
    %dma_wait3A_9 = arith.constant 0 : i32
    %dma_wait3A_10 = tpu.memref_slice %arg2[%dma_wait3A_9] : memref<204800xi32, #tpu.memory_space<hbm>> -> memref<128xi32, #tpu.memory_space<hbm>>
    tpu.wait_dma2 semaphore(%arg14 : memref<!tpu.dma_semaphore, #tpu.memory_space<semaphore_mem>>) src(%dma_wait3A_10 : memref<128xi32, #tpu.memory_space<hbm>>) dst(%arg5 : memref<128xi32, #tpu.memory_space<vmem>>)
    %get3A = arith.constant 0 : index
    %get3A_11 = tpu.vector_load %arg5[%get3A] {strides = array<i32>} : memref<128xi32, #tpu.memory_space<vmem>>, vector<16xi32>,
    %get3A_12 = vector.shape_cast %get3A_11 : vector<16xi32> to vector<16xi32>
    %add3A_13 = vector.broadcast %mul3A_4 : i32 to vector<16xi32>
    %add3A_14 = arith.addi %get3A_12, %add3A_13 : vector<16xi32>
    %swap3A = arith.constant 0 : index
    %swap3A_15 = tpu.vector_load %arg8[%swap3A] {strides = array<i32>} : memref<128xi32, #tpu.memory_space<vmem>>, vector<16xi32>,
    %swap3A_16 = vector.shape_cast %swap3A_15 : vector<16xi32> to vector<16xi32>
    %swap3A_17 = vector.shape_cast %add3A_14 : vector<16xi32> to vector<16xi32>
    tpu.vector_store %arg8[%swap3A], %swap3A_17 {strides = array<i32>} : memref<128xi32, #tpu.memory_space<vmem>>, vector<16xi32>,
    %get3A_18 = arith.constant 16 : index
    %get3A_19 = tpu.vector_load %arg5[%get3A_18] {strides = array<i32>} : memref<128xi32, #tpu.memory_space<vmem>>, vector<16xi32>,
    %get3A_20 = vector.shape_cast %get3A_19 : vector<16xi32> to vector<16xi32>
    %add3A_21 = vector.broadcast %mul3A_4 : i32 to vector<16xi32>
    %add3A_22 = arith.addi %get3A_20, %add3A_21 : vector<16xi32>
    %swap3A_23 = arith.constant 16 : index
    %swap3A_24 = tpu.vector_load %arg8[%swap3A_23] {strides = array<i32>} : memref<128xi32, #tpu.memory_space<vmem>>, vector<16xi32>,
    %swap3A_25 = vector.shape_cast %swap3A_24 : vector<16xi32> to vector<16xi32>
    %swap3A_26 = vector.shape_cast %add3A_22 : vector<16xi32> to vector<16xi32>
    tpu.vector_store %arg8[%swap3A_23], %swap3A_26 {strides = array<i32>} : memref<128xi32, #tpu.memory_space<vmem>>, vector<16xi32>,
    %get3A_27 = arith.constant 32 : index
    %get3A_28 = tpu.vector_load %arg5[%get3A_27] {strides = array<i32>} : memref<128xi32, #tpu.memory_space<vmem>>, vector<16xi32>,
    %get3A_29 = vector.shape_cast %get3A_28 : vector<16xi32> to vector<16xi32>
    %add3A_30 = vector.broadcast %mul3A_4 : i32 to vector<16xi32>
    %add3A_31 = arith.addi %get3A_29, %add3A_30 : vector<16xi32>
    %swap3A_32 = arith.constant 32 : index
    %swap3A_33 = tpu.vector_load %arg8[%swap3A_32] {strides = array<i32>} : memref<128xi32, #tpu.memory_space<vmem>>, vector<16xi32>,
    %swap3A_34 = vector.shape_cast %swap3A_33 : vector<16xi32> to vector<16xi32>
    %swap3A_35 = vector.shape_cast %add3A_31 : vector<16xi32> to vector<16xi32>
    tpu.vector_store %arg8[%swap3A_32], %swap3A_35 {strides = array<i32>} : memref<128xi32, #tpu.memory_space<vmem>>, vector<16xi32>,
    %get3A_36 = arith.constant 48 : index
    %get3A_37 = tpu.vector_load %arg5[%get3A_36] {strides = array<i32>} : memref<128xi32, #tpu.memory_space<vmem>>, vector<16xi32>,
    %get3A_38 = vector.shape_cast %get3A_37 : vector<16xi32> to vector<16xi32>
    %add3A_39 = vector.broadcast %mul3A_4 : i32 to vector<16xi32>
    %add3A_40 = arith.addi %get3A_38, %add3A_39 : vector<16xi32>
    %swap3A_41 = arith.constant 48 : index
    %swap3A_42 = tpu.vector_load %arg8[%swap3A_41] {strides = array<i32>} : memref<128xi32, #tpu.memory_space<vmem>>, vector<16xi32>,
    %swap3A_43 = vector.shape_cast %swap3A_42 : vector<16xi32> to vector<16xi32>
    %swap3A_44 = vector.shape_cast %add3A_40 : vector<16xi32> to vector<16xi32>
    tpu.vector_store %arg8[%swap3A_41], %swap3A_44 {strides = array<i32>} : memref<128xi32, #tpu.memory_space<vmem>>, vector<16xi32>,
    %get3A_45 = arith.constant 64 : index
    %get3A_46 = tpu.vector_load %arg5[%get3A_45] {strides = array<i32>} : memref<128xi32, #tpu.memory_space<vmem>>, vector<16xi32>,
    %get3A_47 = vector.shape_cast %get3A_46 : vector<16xi32> to vector<16xi32>
    %add3A_48 = vector.broadcast %mul3A_4 : i32 to vector<16xi32>
    %add3A_49 = arith.addi %get3A_47, %add3A_48 : vector<16xi32>
    %swap3A_50 = arith.constant 64 : index
    %swap3A_51 = tpu.vector_load %arg8[%swap3A_50] {strides = array<i32>} : memref<128xi32, #tpu.memory_space<vmem>>, vector<16xi32>,
    %swap3A_52 = vector.shape_cast %swap3A_51 : vector<16xi32> to vector<16xi32>
    %swap3A_53 = vector.shape_cast %add3A_49 : vector<16xi32> to vector<16xi32>
    tpu.vector_store %arg8[%swap3A_50], %swap3A_53 {strides = array<i32>} : memref<128xi32, #tpu.memory_space<vmem>>, vector<16xi32>,
    %get3A_54 = arith.constant 80 : index
    %get3A_55 = tpu.vector_load %arg5[%get3A_54] {strides = array<i32>} : memref<128xi32, #tpu.memory_space<vmem>>, vector<16xi32>,
    %get3A_56 = vector.shape_cast %get3A_55 : vector<16xi32> to vector<16xi32>
    %add3A_57 = vector.broadcast %mul3A_4 : i32 to vector<16xi32>
    %add3A_58 = arith.addi %get3A_56, %add3A_57 : vector<16xi32>
    %swap3A_59 = arith.constant 80 : index
    %swap3A_60 = tpu.vector_load %arg8[%swap3A_59] {strides = array<i32>} : memref<128xi32, #tpu.memory_space<vmem>>, vector<16xi32>,
    %swap3A_61 = vector.shape_cast %swap3A_60 : vector<16xi32> to vector<16xi32>
    %swap3A_62 = vector.shape_cast %add3A_58 : vector<16xi32> to vector<16xi32>
    tpu.vector_store %arg8[%swap3A_59], %swap3A_62 {strides = array<i32>} : memref<128xi32, #tpu.memory_space<vmem>>, vector<16xi32>,
    %get3A_63 = arith.constant 96 : index
    %get3A_64 = tpu.vector_load %arg5[%get3A_63] {strides = array<i32>} : memref<128xi32, #tpu.memory_space<vmem>>, vector<16xi32>,
    %get3A_65 = vector.shape_cast %get3A_64 : vector<16xi32> to vector<16xi32>
    %add3A_66 = vector.broadcast %mul3A_4 : i32 to vector<16xi32>
    %add3A_67 = arith.addi %get3A_65, %add3A_66 : vector<16xi32>
    %swap3A_68 = arith.constant 96 : index
    %swap3A_69 = tpu.vector_load %arg8[%swap3A_68] {strides = array<i32>} : memref<128xi32, #tpu.memory_space<vmem>>, vector<16xi32>,
    %swap3A_70 = vector.shape_cast %swap3A_69 : vector<16xi32> to vector<16xi32>
    %swap3A_71 = vector.shape_cast %add3A_67 : vector<16xi32> to vector<16xi32>
    tpu.vector_store %arg8[%swap3A_68], %swap3A_71 {strides = array<i32>} : memref<128xi32, #tpu.memory_space<vmem>>, vector<16xi32>,
    %get3A_72 = arith.constant 112 : index
    %get3A_73 = tpu.vector_load %arg5[%get3A_72] {strides = array<i32>} : memref<128xi32, #tpu.memory_space<vmem>>, vector<16xi32>,
    %get3A_74 = vector.shape_cast %get3A_73 : vector<16xi32> to vector<16xi32>
    %add3A_75 = vector.broadcast %mul3A_4 : i32 to vector<16xi32>
    %add3A_76 = arith.addi %get3A_74, %add3A_75 : vector<16xi32>
    %swap3A_77 = arith.constant 112 : index
    %swap3A_78 = tpu.vector_load %arg8[%swap3A_77] {strides = array<i32>} : memref<128xi32, #tpu.memory_space<vmem>>, vector<16xi32>,
    %swap3A_79 = vector.shape_cast %swap3A_78 : vector<16xi32> to vector<16xi32>
    %swap3A_80 = vector.shape_cast %add3A_76 : vector<16xi32> to vector<16xi32>
    tpu.vector_store %arg8[%swap3A_77], %swap3A_80 {strides = array<i32>} : memref<128xi32, #tpu.memory_space<vmem>>, vector<16xi32>,
    %dma_start3A_81 = arith.constant 0 : i32
    %dma_start3A_82 = arith.constant 0 : i32
    %dma_start3A_83 = tpu.memref_slice %arg3[%dma_start3A_81, %dma_start3A_82] : memref<3072x256xf32, #tpu.memory_space<hbm>> -> memref<3072x256xf32, #tpu.memory_space<hbm>>
    tpu.enqueue_indirect_dma source(%dma_start3A_83 : memref<3072x256xf32, #tpu.memory_space<hbm>>) target(%arg11 : memref<128x256xf32, #tpu.memory_space<vmem>>) offsets(%arg8 : memref<128xi32, #tpu.memory_space<vmem>>) semaphore(%arg17 : memref<!tpu.dma_semaphore, #tpu.memory_space<semaphore_mem>>)
    %add3A_84 = arith.constant 128 : i32
    %add3A_85 = arith.addi %mul3A_2, %add3A_84 : i32
    %multiple_of3A_86 = tpu.assume_multiple %add3A_85, 128 : i32
    %dma_start3A_87 = tpu.memref_slice %arg2[%multiple_of3A_86] : memref<204800xi32, #tpu.memory_space<hbm>> -> memref<128xi32, #tpu.memory_space<hbm>>
    %dma_start3A_88 = tpu.memref_slice %arg2[%multiple_of3A_86] : memref<204800xi32, #tpu.memory_space<hbm>> -> memref<128xi32, #tpu.memory_space<hbm>>
    tpu.enqueue_dma source(%dma_start3A_88 : memref<128xi32, #tpu.memory_space<hbm>>) target(%arg6 : memref<128xi32, #tpu.memory_space<vmem>>) target_semaphore(%arg15 : memref<!tpu.dma_semaphore, #tpu.memory_space<semaphore_mem>>)
    %dma_wait3A_89 = arith.constant 0 : i32
    %dma_wait3A_90 = tpu.memref_slice %arg2[%dma_wait3A_89] : memref<204800xi32, #tpu.memory_space<hbm>> -> memref<128xi32, #tpu.memory_space<hbm>>
    %dma_wait3A_91 = arith.constant 0 : i32
    %dma_wait3A_92 = tpu.memref_slice %arg2[%dma_wait3A_91] : memref<204800xi32, #tpu.memory_space<hbm>> -> memref<128xi32, #tpu.memory_space<hbm>>
    tpu.wait_dma2 semaphore(%arg15 : memref<!tpu.dma_semaphore, #tpu.memory_space<semaphore_mem>>) src(%dma_wait3A_92 : memref<128xi32, #tpu.memory_space<hbm>>) dst(%arg6 : memref<128xi32, #tpu.memory_space<vmem>>)
    %get3A_93 = arith.constant 0 : index
    %get3A_94 = tpu.vector_load %arg6[%get3A_93] {strides = array<i32>} : memref<128xi32, #tpu.memory_space<vmem>>, vector<16xi32>,
    %get3A_95 = vector.shape_cast %get3A_94 : vector<16xi32> to vector<16xi32>
    %add3A_96 = vector.broadcast %mul3A_4 : i32 to vector<16xi32>
    %add3A_97 = arith.addi %get3A_95, %add3A_96 : vector<16xi32>
    %swap3A_98 = arith.constant 0 : index
    %swap3A_99 = tpu.vector_load %arg9[%swap3A_98] {strides = array<i32>} : memref<128xi32, #tpu.memory_space<vmem>>, vector<16xi32>,
    %swap3A_100 = vector.shape_cast %swap3A_99 : vector<16xi32> to vector<16xi32>
    %swap3A_101 = vector.shape_cast %add3A_97 : vector<16xi32> to vector<16xi32>
    tpu.vector_store %arg9[%swap3A_98], %swap3A_101 {strides = array<i32>} : memref<128xi32, #tpu.memory_space<vmem>>, vector<16xi32>,
    %get3A_102 = arith.constant 16 : index
    %get3A_103 = tpu.vector_load %arg6[%get3A_102] {strides = array<i32>} : memref<128xi32, #tpu.memory_space<vmem>>, vector<16xi32>,
    %get3A_104 = vector.shape_cast %get3A_103 : vector<16xi32> to vector<16xi32>
    %add3A_105 = vector.broadcast %mul3A_4 : i32 to vector<16xi32>
    %add3A_106 = arith.addi %get3A_104, %add3A_105 : vector<16xi32>
    %swap3A_107 = arith.constant 16 : index
    %swap3A_108 = tpu.vector_load %arg9[%swap3A_107] {strides = array<i32>} : memref<128xi32, #tpu.memory_space<vmem>>, vector<16xi32>,
    %swap3A_109 = vector.shape_cast %swap3A_108 : vector<16xi32> to vector<16xi32>
    %swap3A_110 = vector.shape_cast %add3A_106 : vector<16xi32> to vector<16xi32>
    tpu.vector_store %arg9[%swap3A_107], %swap3A_110 {strides = array<i32>} : memref<128xi32, #tpu.memory_space<vmem>>, vector<16xi32>,
    %get3A_111 = arith.constant 32 : index
    %get3A_112 = tpu.vector_load %arg6[%get3A_111] {strides = array<i32>} : memref<128xi32, #tpu.memory_space<vmem>>, vector<16xi32>,
    %get3A_113 = vector.shape_cast %get3A_112 : vector<16xi32> to vector<16xi32>
    %add3A_114 = vector.broadcast %mul3A_4 : i32 to vector<16xi32>
    %add3A_115 = arith.addi %get3A_113, %add3A_114 : vector<16xi32>
    %swap3A_116 = arith.constant 32 : index
    %swap3A_117 = tpu.vector_load %arg9[%swap3A_116] {strides = array<i32>} : memref<128xi32, #tpu.memory_space<vmem>>, vector<16xi32>,
    %swap3A_118 = vector.shape_cast %swap3A_117 : vector<16xi32> to vector<16xi32>
    %swap3A_119 = vector.shape_cast %add3A_115 : vector<16xi32> to vector<16xi32>
    tpu.vector_store %arg9[%swap3A_116], %swap3A_119 {strides = array<i32>} : memref<128xi32, #tpu.memory_space<vmem>>, vector<16xi32>,
    %get3A_120 = arith.constant 48 : index
    %get3A_121 = tpu.vector_load %arg6[%get3A_120] {strides = array<i32>} : memref<128xi32, #tpu.memory_space<vmem>>, vector<16xi32>,
    %get3A_122 = vector.shape_cast %get3A_121 : vector<16xi32> to vector<16xi32>
    %add3A_123 = vector.broadcast %mul3A_4 : i32 to vector<16xi32>
    %add3A_124 = arith.addi %get3A_122, %add3A_123 : vector<16xi32>
    %swap3A_125 = arith.constant 48 : index
    %swap3A_126 = tpu.vector_load %arg9[%swap3A_125] {strides = array<i32>} : memref<128xi32, #tpu.memory_space<vmem>>, vector<16xi32>,
    %swap3A_127 = vector.shape_cast %swap3A_126 : vector<16xi32> to vector<16xi32>
    %swap3A_128 = vector.shape_cast %add3A_124 : vector<16xi32> to vector<16xi32>
    tpu.vector_store %arg9[%swap3A_125], %swap3A_128 {strides = array<i32>} : memref<128xi32, #tpu.memory_space<vmem>>, vector<16xi32>,
    %get3A_129 = arith.constant 64 : index
    %get3A_130 = tpu.vector_load %arg6[%get3A_129] {strides = array<i32>} : memref<128xi32, #tpu.memory_space<vmem>>, vector<16xi32>,
    %get3A_131 = vector.shape_cast %get3A_130 : vector<16xi32> to vector<16xi32>
    %add3A_132 = vector.broadcast %mul3A_4 : i32 to vector<16xi32>
    %add3A_133 = arith.addi %get3A_131, %add3A_132 : vector<16xi32>
    %swap3A_134 = arith.constant 64 : index
    %swap3A_135 = tpu.vector_load %arg9[%swap3A_134] {strides = array<i32>} : memref<128xi32, #tpu.memory_space<vmem>>, vector<16xi32>,
    %swap3A_136 = vector.shape_cast %swap3A_135 : vector<16xi32> to vector<16xi32>
    %swap3A_137 = vector.shape_cast %add3A_133 : vector<16xi32> to vector<16xi32>
    tpu.vector_store %arg9[%swap3A_134], %swap3A_137 {strides = array<i32>} : memref<128xi32, #tpu.memory_space<vmem>>, vector<16xi32>,
    %get3A_138 = arith.constant 80 : index
    %get3A_139 = tpu.vector_load %arg6[%get3A_138] {strides = array<i32>} : memref<128xi32, #tpu.memory_space<vmem>>, vector<16xi32>,
    %get3A_140 = vector.shape_cast %get3A_139 : vector<16xi32> to vector<16xi32>
    %add3A_141 = vector.broadcast %mul3A_4 : i32 to vector<16xi32>
    %add3A_142 = arith.addi %get3A_140, %add3A_141 : vector<16xi32>
    %swap3A_143 = arith.constant 80 : index
    %swap3A_144 = tpu.vector_load %arg9[%swap3A_143] {strides = array<i32>} : memref<128xi32, #tpu.memory_space<vmem>>, vector<16xi32>,
    %swap3A_145 = vector.shape_cast %swap3A_144 : vector<16xi32> to vector<16xi32>
    %swap3A_146 = vector.shape_cast %add3A_142 : vector<16xi32> to vector<16xi32>
    tpu.vector_store %arg9[%swap3A_143], %swap3A_146 {strides = array<i32>} : memref<128xi32, #tpu.memory_space<vmem>>, vector<16xi32>,
    %get3A_147 = arith.constant 96 : index
    %get3A_148 = tpu.vector_load %arg6[%get3A_147] {strides = array<i32>} : memref<128xi32, #tpu.memory_space<vmem>>, vector<16xi32>,
    %get3A_149 = vector.shape_cast %get3A_148 : vector<16xi32> to vector<16xi32>
    %add3A_150 = vector.broadcast %mul3A_4 : i32 to vector<16xi32>
    %add3A_151 = arith.addi %get3A_149, %add3A_150 : vector<16xi32>
    %swap3A_152 = arith.constant 96 : index
    %swap3A_153 = tpu.vector_load %arg9[%swap3A_152] {strides = array<i32>} : memref<128xi32, #tpu.memory_space<vmem>>, vector<16xi32>,
    %swap3A_154 = vector.shape_cast %swap3A_153 : vector<16xi32> to vector<16xi32>
    %swap3A_155 = vector.shape_cast %add3A_151 : vector<16xi32> to vector<16xi32>
    tpu.vector_store %arg9[%swap3A_152], %swap3A_155 {strides = array<i32>} : memref<128xi32, #tpu.memory_space<vmem>>, vector<16xi32>,
    %get3A_156 = arith.constant 112 : index
    %get3A_157 = tpu.vector_load %arg6[%get3A_156] {strides = array<i32>} : memref<128xi32, #tpu.memory_space<vmem>>, vector<16xi32>,
    %get3A_158 = vector.shape_cast %get3A_157 : vector<16xi32> to vector<16xi32>
    %add3A_159 = vector.broadcast %mul3A_4 : i32 to vector<16xi32>
    %add3A_160 = arith.addi %get3A_158, %add3A_159 : vector<16xi32>
    %swap3A_161 = arith.constant 112 : index
    %swap3A_162 = tpu.vector_load %arg9[%swap3A_161] {strides = array<i32>} : memref<128xi32, #tpu.memory_space<vmem>>, vector<16xi32>,
    %swap3A_163 = vector.shape_cast %swap3A_162 : vector<16xi32> to vector<16xi32>
    %swap3A_164 = vector.shape_cast %add3A_160 : vector<16xi32> to vector<16xi32>
    tpu.vector_store %arg9[%swap3A_161], %swap3A_164 {strides = array<i32>} : memref<128xi32, #tpu.memory_space<vmem>>, vector<16xi32>,
    %dma_start3A_165 = arith.constant 0 : i32
    %dma_start3A_166 = arith.constant 0 : i32
    %dma_start3A_167 = tpu.memref_slice %arg3[%dma_start3A_165, %dma_start3A_166] : memref<3072x256xf32, #tpu.memory_space<hbm>> -> memref<3072x256xf32, #tpu.memory_space<hbm>>
    tpu.enqueue_indirect_dma source(%dma_start3A_167 : memref<3072x256xf32, #tpu.memory_space<hbm>>) target(%arg12 : memref<128x256xf32, #tpu.memory_space<vmem>>) offsets(%arg9 : memref<128xi32, #tpu.memory_space<vmem>>) semaphore(%arg18 : memref<!tpu.dma_semaphore, #tpu.memory_space<semaphore_mem>>)
    %add3A_168 = arith.constant 256 : i32
    %add3A_169 = arith.addi %mul3A_2, %add3A_168 : i32
    %multiple_of3A_170 = tpu.assume_multiple %add3A_169, 128 : i32
    %dma_start3A_171 = tpu.memref_slice %arg2[%multiple_of3A_170] : memref<204800xi32, #tpu.memory_space<hbm>> -> memref<128xi32, #tpu.memory_space<hbm>>
    %dma_start3A_172 = tpu.memref_slice %arg2[%multiple_of3A_170] : memref<204800xi32, #tpu.memory_space<hbm>> -> memref<128xi32, #tpu.memory_space<hbm>>
    tpu.enqueue_dma source(%dma_start3A_172 : memref<128xi32, #tpu.memory_space<hbm>>) target(%arg7 : memref<128xi32, #tpu.memory_space<vmem>>) target_semaphore(%arg16 : memref<!tpu.dma_semaphore, #tpu.memory_space<semaphore_mem>>)
    %dma_wait3A_173 = arith.constant 0 : i32
    %dma_wait3A_174 = tpu.memref_slice %arg2[%dma_wait3A_173] : memref<204800xi32, #tpu.memory_space<hbm>> -> memref<128xi32, #tpu.memory_space<hbm>>
    %dma_wait3A_175 = arith.constant 0 : i32
    %dma_wait3A_176 = tpu.memref_slice %arg2[%dma_wait3A_175] : memref<204800xi32, #tpu.memory_space<hbm>> -> memref<128xi32, #tpu.memory_space<hbm>>
    tpu.wait_dma2 semaphore(%arg16 : memref<!tpu.dma_semaphore, #tpu.memory_space<semaphore_mem>>) src(%dma_wait3A_176 : memref<128xi32, #tpu.memory_space<hbm>>) dst(%arg7 : memref<128xi32, #tpu.memory_space<vmem>>)
    %get3A_177 = arith.constant 0 : index
    %get3A_178 = tpu.vector_load %arg7[%get3A_177] {strides = array<i32>} : memref<128xi32, #tpu.memory_space<vmem>>, vector<16xi32>,
    %get3A_179 = vector.shape_cast %get3A_178 : vector<16xi32> to vector<16xi32>
    %add3A_180 = vector.broadcast %mul3A_4 : i32 to vector<16xi32>
    %add3A_181 = arith.addi %get3A_179, %add3A_180 : vector<16xi32>
    %swap3A_182 = arith.constant 0 : index
    %swap3A_183 = tpu.vector_load %arg10[%swap3A_182] {strides = array<i32>} : memref<128xi32, #tpu.memory_space<vmem>>, vector<16xi32>,
    %swap3A_184 = vector.shape_cast %swap3A_183 : vector<16xi32> to vector<16xi32>
    %swap3A_185 = vector.shape_cast %add3A_181 : vector<16xi32> to vector<16xi32>
    tpu.vector_store %arg10[%swap3A_182], %swap3A_185 {strides = array<i32>} : memref<128xi32, #tpu.memory_space<vmem>>, vector<16xi32>,
    %get3A_186 = arith.constant 16 : index
    %get3A_187 = tpu.vector_load %arg7[%get3A_186] {strides = array<i32>} : memref<128xi32, #tpu.memory_space<vmem>>, vector<16xi32>,
    %get3A_188 = vector.shape_cast %get3A_187 : vector<16xi32> to vector<16xi32>
    %add3A_189 = vector.broadcast %mul3A_4 : i32 to vector<16xi32>
    %add3A_190 = arith.addi %get3A_188, %add3A_189 : vector<16xi32>
    %swap3A_191 = arith.constant 16 : index
    %swap3A_192 = tpu.vector_load %arg10[%swap3A_191] {strides = array<i32>} : memref<128xi32, #tpu.memory_space<vmem>>, vector<16xi32>,
    %swap3A_193 = vector.shape_cast %swap3A_192 : vector<16xi32> to vector<16xi32>
    %swap3A_194 = vector.shape_cast %add3A_190 : vector<16xi32> to vector<16xi32>
    tpu.vector_store %arg10[%swap3A_191], %swap3A_194 {strides = array<i32>} : memref<128xi32, #tpu.memory_space<vmem>>, vector<16xi32>,
    %get3A_195 = arith.constant 32 : index
    %get3A_196 = tpu.vector_load %arg7[%get3A_195] {strides = array<i32>} : memref<128xi32, #tpu.memory_space<vmem>>, vector<16xi32>,
    %get3A_197 = vector.shape_cast %get3A_196 : vector<16xi32> to vector<16xi32>
    %add3A_198 = vector.broadcast %mul3A_4 : i32 to vector<16xi32>
    %add3A_199 = arith.addi %get3A_197, %add3A_198 : vector<16xi32>
    %swap3A_200 = arith.constant 32 : index
    %swap3A_201 = tpu.vector_load %arg10[%swap3A_200] {strides = array<i32>} : memref<128xi32, #tpu.memory_space<vmem>>, vector<16xi32>,
    %swap3A_202 = vector.shape_cast %swap3A_201 : vector<16xi32> to vector<16xi32>
    %swap3A_203 = vector.shape_cast %add3A_199 : vector<16xi32> to vector<16xi32>
    tpu.vector_store %arg10[%swap3A_200], %swap3A_203 {strides = array<i32>} : memref<128xi32, #tpu.memory_space<vmem>>, vector<16xi32>,
    %get3A_204 = arith.constant 48 : index
    %get3A_205 = tpu.vector_load %arg7[%get3A_204] {strides = array<i32>} : memref<128xi32, #tpu.memory_space<vmem>>, vector<16xi32>,
    %get3A_206 = vector.shape_cast %get3A_205 : vector<16xi32> to vector<16xi32>
    %add3A_207 = vector.broadcast %mul3A_4 : i32 to vector<16xi32>
    %add3A_208 = arith.addi %get3A_206, %add3A_207 : vector<16xi32>
    %swap3A_209 = arith.constant 48 : index
    %swap3A_210 = tpu.vector_load %arg10[%swap3A_209] {strides = array<i32>} : memref<128xi32, #tpu.memory_space<vmem>>, vector<16xi32>,
    %swap3A_211 = vector.shape_cast %swap3A_210 : vector<16xi32> to vector<16xi32>
    %swap3A_212 = vector.shape_cast %add3A_208 : vector<16xi32> to vector<16xi32>
    tpu.vector_store %arg10[%swap3A_209], %swap3A_212 {strides = array<i32>} : memref<128xi32, #tpu.memory_space<vmem>>, vector<16xi32>,
    %get3A_213 = arith.constant 64 : index
    %get3A_214 = tpu.vector_load %arg7[%get3A_213] {strides = array<i32>} : memref<128xi32, #tpu.memory_space<vmem>>, vector<16xi32>,
    %get3A_215 = vector.shape_cast %get3A_214 : vector<16xi32> to vector<16xi32>
    %add3A_216 = vector.broadcast %mul3A_4 : i32 to vector<16xi32>
    %add3A_217 = arith.addi %get3A_215, %add3A_216 : vector<16xi32>
    %swap3A_218 = arith.constant 64 : index
    %swap3A_219 = tpu.vector_load %arg10[%swap3A_218] {strides = array<i32>} : memref<128xi32, #tpu.memory_space<vmem>>, vector<16xi32>,
    %swap3A_220 = vector.shape_cast %swap3A_219 : vector<16xi32> to vector<16xi32>
    %swap3A_221 = vector.shape_cast %add3A_217 : vector<16xi32> to vector<16xi32>
    tpu.vector_store %arg10[%swap3A_218], %swap3A_221 {strides = array<i32>} : memref<128xi32, #tpu.memory_space<vmem>>, vector<16xi32>,
    %get3A_222 = arith.constant 80 : index
    %get3A_223 = tpu.vector_load %arg7[%get3A_222] {strides = array<i32>} : memref<128xi32, #tpu.memory_space<vmem>>, vector<16xi32>,
    %get3A_224 = vector.shape_cast %get3A_223 : vector<16xi32> to vector<16xi32>
    %add3A_225 = vector.broadcast %mul3A_4 : i32 to vector<16xi32>
    %add3A_226 = arith.addi %get3A_224, %add3A_225 : vector<16xi32>
    %swap3A_227 = arith.constant 80 : index
    %swap3A_228 = tpu.vector_load %arg10[%swap3A_227] {strides = array<i32>} : memref<128xi32, #tpu.memory_space<vmem>>, vector<16xi32>,
    %swap3A_229 = vector.shape_cast %swap3A_228 : vector<16xi32> to vector<16xi32>
    %swap3A_230 = vector.shape_cast %add3A_226 : vector<16xi32> to vector<16xi32>
    tpu.vector_store %arg10[%swap3A_227], %swap3A_230 {strides = array<i32>} : memref<128xi32, #tpu.memory_space<vmem>>, vector<16xi32>,
    %get3A_231 = arith.constant 96 : index
    %get3A_232 = tpu.vector_load %arg7[%get3A_231] {strides = array<i32>} : memref<128xi32, #tpu.memory_space<vmem>>, vector<16xi32>,
    %get3A_233 = vector.shape_cast %get3A_232 : vector<16xi32> to vector<16xi32>
    %add3A_234 = vector.broadcast %mul3A_4 : i32 to vector<16xi32>
    %add3A_235 = arith.addi %get3A_233, %add3A_234 : vector<16xi32>
    %swap3A_236 = arith.constant 96 : index
    %swap3A_237 = tpu.vector_load %arg10[%swap3A_236] {strides = array<i32>} : memref<128xi32, #tpu.memory_space<vmem>>, vector<16xi32>,
    %swap3A_238 = vector.shape_cast %swap3A_237 : vector<16xi32> to vector<16xi32>
    %swap3A_239 = vector.shape_cast %add3A_235 : vector<16xi32> to vector<16xi32>
    tpu.vector_store %arg10[%swap3A_236], %swap3A_239 {strides = array<i32>} : memref<128xi32, #tpu.memory_space<vmem>>, vector<16xi32>,
    %get3A_240 = arith.constant 112 : index
    %get3A_241 = tpu.vector_load %arg7[%get3A_240] {strides = array<i32>} : memref<128xi32, #tpu.memory_space<vmem>>, vector<16xi32>,
    %get3A_242 = vector.shape_cast %get3A_241 : vector<16xi32> to vector<16xi32>
    %add3A_243 = vector.broadcast %mul3A_4 : i32 to vector<16xi32>
    %add3A_244 = arith.addi %get3A_242, %add3A_243 : vector<16xi32>
    %swap3A_245 = arith.constant 112 : index
    %swap3A_246 = tpu.vector_load %arg10[%swap3A_245] {strides = array<i32>} : memref<128xi32, #tpu.memory_space<vmem>>, vector<16xi32>,
    %swap3A_247 = vector.shape_cast %swap3A_246 : vector<16xi32> to vector<16xi32>
    %swap3A_248 = vector.shape_cast %add3A_244 : vector<16xi32> to vector<16xi32>
    tpu.vector_store %arg10[%swap3A_245], %swap3A_248 {strides = array<i32>} : memref<128xi32, #tpu.memory_space<vmem>>, vector<16xi32>,
    %dma_start3A_249 = arith.constant 0 : i32
    %dma_start3A_250 = arith.constant 0 : i32
    %dma_start3A_251 = tpu.memref_slice %arg3[%dma_start3A_249, %dma_start3A_250] : memref<3072x256xf32, #tpu.memory_space<hbm>> -> memref<3072x256xf32, #tpu.memory_space<hbm>>
    tpu.enqueue_indirect_dma source(%dma_start3A_251 : memref<3072x256xf32, #tpu.memory_space<hbm>>) target(%arg13 : memref<128x256xf32, #tpu.memory_space<vmem>>) offsets(%arg10 : memref<128xi32, #tpu.memory_space<vmem>>) semaphore(%arg19 : memref<!tpu.dma_semaphore, #tpu.memory_space<semaphore_mem>>)
    %add3A_252 = arith.constant 384 : i32
    %add3A_253 = arith.addi %mul3A_2, %add3A_252 : i32
    %multiple_of3A_254 = tpu.assume_multiple %add3A_253, 128 : i32
    %dma_start3A_255 = tpu.memref_slice %arg2[%multiple_of3A_254] : memref<204800xi32, #tpu.memory_space<hbm>> -> memref<128xi32, #tpu.memory_space<hbm>>
    %dma_start3A_256 = tpu.memref_slice %arg2[%multiple_of3A_254] : memref<204800xi32, #tpu.memory_space<hbm>> -> memref<128xi32, #tpu.memory_space<hbm>>
    tpu.enqueue_dma source(%dma_start3A_256 : memref<128xi32, #tpu.memory_space<hbm>>) target(%arg5 : memref<128xi32, #tpu.memory_space<vmem>>) target_semaphore(%arg14 : memref<!tpu.dma_semaphore, #tpu.memory_space<semaphore_mem>>)
    %dma_wait3A_257 = arith.constant 0 : i32
    %dma_wait3A_258 = arith.constant 0 : i32
    %dma_wait3A_259 = tpu.memref_slice %arg3[%dma_wait3A_257, %dma_wait3A_258] : memref<3072x256xf32, #tpu.memory_space<hbm>> -> memref<3072x256xf32, #tpu.memory_space<hbm>>
    tpu.wait_indirect_dma semaphore(%arg17 : memref<!tpu.dma_semaphore, #tpu.memory_space<semaphore_mem>>) src(%dma_wait3A_259 : memref<3072x256xf32, #tpu.memory_space<hbm>>) dst(%arg11 : memref<128x256xf32, #tpu.memory_space<vmem>>)
    %add3A_260 = arith.constant 0 : i32
    %add3A_261 = arith.addi %mul3A_2, %add3A_260 : i32
    %multiple_of3A_262 = tpu.assume_multiple %add3A_261, 128 : i32
    %dma_start3A_263 = arith.constant 0 : i32
    %dma_start3A_264 = tpu.memref_slice %arg4[%multiple_of3A_262, %dma_start3A_263] : memref<204800x256xf32, #tpu.memory_space<hbm>> -> memref<128x256xf32, #tpu.memory_space<hbm>>
    %dma_start3A_265 = arith.constant 0 : i32
    %dma_start3A_266 = tpu.memref_slice %arg4[%multiple_of3A_262, %dma_start3A_265] : memref<204800x256xf32, #tpu.memory_space<hbm>> -> memref<128x256xf32, #tpu.memory_space<hbm>>
    tpu.enqueue_dma source(%arg11 : memref<128x256xf32, #tpu.memory_space<vmem>>) target(%dma_start3A_266 : memref<128x256xf32, #tpu.memory_space<hbm>>) target_semaphore(%arg20 : memref<!tpu.dma_semaphore, #tpu.memory_space<semaphore_mem>>)
    %scan3A = arith.constant 0 : i32
    %scan3A_267 = arith.constant 1 : i32
    %scan3A_268 = arith.constant 15 : i32
    %scan3A_269 = arith.addi %scan3A_267, %scan3A_268 : i32
    %scan3A_270 = arith.constant 1 : i32
    scf.for %scan3A_505 = %scan3A_267 to %scan3A_269 step %scan3A_270  : i32 {
      %mul3A_506 = arith.constant 3 : i32
      %mul3A_507 = arith.muli %scan3A_505, %mul3A_506 : i32
      %add3A_508 = arith.constant 0 : i32
      %add3A_509 = arith.addi %mul3A_507, %add3A_508 : i32
      %dma_wait3A_510 = arith.constant 0 : i32
      %dma_wait3A_511 = tpu.memref_slice %arg2[%dma_wait3A_510] : memref<204800xi32, #tpu.memory_space<hbm>> -> memref<128xi32, #tpu.memory_space<hbm>>
      %dma_wait3A_512 = arith.constant 0 : i32
      %dma_wait3A_513 = tpu.memref_slice %arg2[%dma_wait3A_512] : memref<204800xi32, #tpu.memory_space<hbm>> -> memref<128xi32, #tpu.memory_space<hbm>>
      tpu.wait_dma2 semaphore(%arg14 : memref<!tpu.dma_semaphore, #tpu.memory_space<semaphore_mem>>) src(%dma_wait3A_513 : memref<128xi32, #tpu.memory_space<hbm>>) dst(%arg5 : memref<128xi32, #tpu.memory_space<vmem>>)
      %get3A_514 = arith.constant 0 : index
      %get3A_515 = tpu.vector_load %arg5[%get3A_514] {strides = array<i32>} : memref<128xi32, #tpu.memory_space<vmem>>, vector<16xi32>,
      %get3A_516 = vector.shape_cast %get3A_515 : vector<16xi32> to vector<16xi32>
      %add3A_517 = vector.broadcast %mul3A_4 : i32 to vector<16xi32>
      %add3A_518 = arith.addi %get3A_516, %add3A_517 : vector<16xi32>
      %swap3A_519 = arith.constant 0 : index
      %swap3A_520 = tpu.vector_load %arg8[%swap3A_519] {strides = array<i32>} : memref<128xi32, #tpu.memory_space<vmem>>, vector<16xi32>,
      %swap3A_521 = vector.shape_cast %swap3A_520 : vector<16xi32> to vector<16xi32>
      %swap3A_522 = vector.shape_cast %add3A_518 : vector<16xi32> to vector<16xi32>
      tpu.vector_store %arg8[%swap3A_519], %swap3A_522 {strides = array<i32>} : memref<128xi32, #tpu.memory_space<vmem>>, vector<16xi32>,
      %get3A_523 = arith.constant 16 : index
      %get3A_524 = tpu.vector_load %arg5[%get3A_523] {strides = array<i32>} : memref<128xi32, #tpu.memory_space<vmem>>, vector<16xi32>,
      %get3A_525 = vector.shape_cast %get3A_524 : vector<16xi32> to vector<16xi32>
      %add3A_526 = vector.broadcast %mul3A_4 : i32 to vector<16xi32>
      %add3A_527 = arith.addi %get3A_525, %add3A_526 : vector<16xi32>
      %swap3A_528 = arith.constant 16 : index
      %swap3A_529 = tpu.vector_load %arg8[%swap3A_528] {strides = array<i32>} : memref<128xi32, #tpu.memory_space<vmem>>, vector<16xi32>,
      %swap3A_530 = vector.shape_cast %swap3A_529 : vector<16xi32> to vector<16xi32>
      %swap3A_531 = vector.shape_cast %add3A_527 : vector<16xi32> to vector<16xi32>
      tpu.vector_store %arg8[%swap3A_528], %swap3A_531 {strides = array<i32>} : memref<128xi32, #tpu.memory_space<vmem>>, vector<16xi32>,
      %get3A_532 = arith.constant 32 : index
      %get3A_533 = tpu.vector_load %arg5[%get3A_532] {strides = array<i32>} : memref<128xi32, #tpu.memory_space<vmem>>, vector<16xi32>,
      %get3A_534 = vector.shape_cast %get3A_533 : vector<16xi32> to vector<16xi32>
      %add3A_535 = vector.broadcast %mul3A_4 : i32 to vector<16xi32>
      %add3A_536 = arith.addi %get3A_534, %add3A_535 : vector<16xi32>
      %swap3A_537 = arith.constant 32 : index
      %swap3A_538 = tpu.vector_load %arg8[%swap3A_537] {strides = array<i32>} : memref<128xi32, #tpu.memory_space<vmem>>, vector<16xi32>,
      %swap3A_539 = vector.shape_cast %swap3A_538 : vector<16xi32> to vector<16xi32>
      %swap3A_540 = vector.shape_cast %add3A_536 : vector<16xi32> to vector<16xi32>
      tpu.vector_store %arg8[%swap3A_537], %swap3A_540 {strides = array<i32>} : memref<128xi32, #tpu.memory_space<vmem>>, vector<16xi32>,
      %get3A_541 = arith.constant 48 : index
      %get3A_542 = tpu.vector_load %arg5[%get3A_541] {strides = array<i32>} : memref<128xi32, #tpu.memory_space<vmem>>, vector<16xi32>,
      %get3A_543 = vector.shape_cast %get3A_542 : vector<16xi32> to vector<16xi32>
      %add3A_544 = vector.broadcast %mul3A_4 : i32 to vector<16xi32>
      %add3A_545 = arith.addi %get3A_543, %add3A_544 : vector<16xi32>
      %swap3A_546 = arith.constant 48 : index
      %swap3A_547 = tpu.vector_load %arg8[%swap3A_546] {strides = array<i32>} : memref<128xi32, #tpu.memory_space<vmem>>, vector<16xi32>,
      %swap3A_548 = vector.shape_cast %swap3A_547 : vector<16xi32> to vector<16xi32>
      %swap3A_549 = vector.shape_cast %add3A_545 : vector<16xi32> to vector<16xi32>
      tpu.vector_store %arg8[%swap3A_546], %swap3A_549 {strides = array<i32>} : memref<128xi32, #tpu.memory_space<vmem>>, vector<16xi32>,
      %get3A_550 = arith.constant 64 : index
      %get3A_551 = tpu.vector_load %arg5[%get3A_550] {strides = array<i32>} : memref<128xi32, #tpu.memory_space<vmem>>, vector<16xi32>,
      %get3A_552 = vector.shape_cast %get3A_551 : vector<16xi32> to vector<16xi32>
      %add3A_553 = vector.broadcast %mul3A_4 : i32 to vector<16xi32>
      %add3A_554 = arith.addi %get3A_552, %add3A_553 : vector<16xi32>
      %swap3A_555 = arith.constant 64 : index
      %swap3A_556 = tpu.vector_load %arg8[%swap3A_555] {strides = array<i32>} : memref<128xi32, #tpu.memory_space<vmem>>, vector<16xi32>,
      %swap3A_557 = vector.shape_cast %swap3A_556 : vector<16xi32> to vector<16xi32>
      %swap3A_558 = vector.shape_cast %add3A_554 : vector<16xi32> to vector<16xi32>
      tpu.vector_store %arg8[%swap3A_555], %swap3A_558 {strides = array<i32>} : memref<128xi32, #tpu.memory_space<vmem>>, vector<16xi32>,
      %get3A_559 = arith.constant 80 : index
      %get3A_560 = tpu.vector_load %arg5[%get3A_559] {strides = array<i32>} : memref<128xi32, #tpu.memory_space<vmem>>, vector<16xi32>,
      %get3A_561 = vector.shape_cast %get3A_560 : vector<16xi32> to vector<16xi32>
      %add3A_562 = vector.broadcast %mul3A_4 : i32 to vector<16xi32>
      %add3A_563 = arith.addi %get3A_561, %add3A_562 : vector<16xi32>
      %swap3A_564 = arith.constant 80 : index
      %swap3A_565 = tpu.vector_load %arg8[%swap3A_564] {strides = array<i32>} : memref<128xi32, #tpu.memory_space<vmem>>, vector<16xi32>,
      %swap3A_566 = vector.shape_cast %swap3A_565 : vector<16xi32> to vector<16xi32>
      %swap3A_567 = vector.shape_cast %add3A_563 : vector<16xi32> to vector<16xi32>
      tpu.vector_store %arg8[%swap3A_564], %swap3A_567 {strides = array<i32>} : memref<128xi32, #tpu.memory_space<vmem>>, vector<16xi32>,
      %get3A_568 = arith.constant 96 : index
      %get3A_569 = tpu.vector_load %arg5[%get3A_568] {strides = array<i32>} : memref<128xi32, #tpu.memory_space<vmem>>, vector<16xi32>,
      %get3A_570 = vector.shape_cast %get3A_569 : vector<16xi32> to vector<16xi32>
      %add3A_571 = vector.broadcast %mul3A_4 : i32 to vector<16xi32>
      %add3A_572 = arith.addi %get3A_570, %add3A_571 : vector<16xi32>
      %swap3A_573 = arith.constant 96 : index
      %swap3A_574 = tpu.vector_load %arg8[%swap3A_573] {strides = array<i32>} : memref<128xi32, #tpu.memory_space<vmem>>, vector<16xi32>,
      %swap3A_575 = vector.shape_cast %swap3A_574 : vector<16xi32> to vector<16xi32>
      %swap3A_576 = vector.shape_cast %add3A_572 : vector<16xi32> to vector<16xi32>
      tpu.vector_store %arg8[%swap3A_573], %swap3A_576 {strides = array<i32>} : memref<128xi32, #tpu.memory_space<vmem>>, vector<16xi32>,
      %get3A_577 = arith.constant 112 : index
      %get3A_578 = tpu.vector_load %arg5[%get3A_577] {strides = array<i32>} : memref<128xi32, #tpu.memory_space<vmem>>, vector<16xi32>,
      %get3A_579 = vector.shape_cast %get3A_578 : vector<16xi32> to vector<16xi32>
      %add3A_580 = vector.broadcast %mul3A_4 : i32 to vector<16xi32>
      %add3A_581 = arith.addi %get3A_579, %add3A_580 : vector<16xi32>
      %swap3A_582 = arith.constant 112 : index
      %swap3A_583 = tpu.vector_load %arg8[%swap3A_582] {strides = array<i32>} : memref<128xi32, #tpu.memory_space<vmem>>, vector<16xi32>,
      %swap3A_584 = vector.shape_cast %swap3A_583 : vector<16xi32> to vector<16xi32>
      %swap3A_585 = vector.shape_cast %add3A_581 : vector<16xi32> to vector<16xi32>
      tpu.vector_store %arg8[%swap3A_582], %swap3A_585 {strides = array<i32>} : memref<128xi32, #tpu.memory_space<vmem>>, vector<16xi32>,
      %dma_wait3A_586 = arith.constant 0 : i32
      %dma_wait3A_587 = arith.constant 0 : i32
      %dma_wait3A_588 = tpu.memref_slice %arg4[%dma_wait3A_586, %dma_wait3A_587] : memref<204800x256xf32, #tpu.memory_space<hbm>> -> memref<128x256xf32, #tpu.memory_space<hbm>>
      %dma_wait3A_589 = arith.constant 0 : i32
      %dma_wait3A_590 = arith.constant 0 : i32
      %dma_wait3A_591 = tpu.memref_slice %arg4[%dma_wait3A_589, %dma_wait3A_590] : memref<204800x256xf32, #tpu.memory_space<hbm>> -> memref<128x256xf32, #tpu.memory_space<hbm>>
      tpu.wait_dma2 semaphore(%arg20 : memref<!tpu.dma_semaphore, #tpu.memory_space<semaphore_mem>>) src(%arg11 : memref<128x256xf32, #tpu.memory_space<vmem>>) dst(%dma_wait3A_591 : memref<128x256xf32, #tpu.memory_space<hbm>>)
      %dma_start3A_592 = arith.constant 0 : i32
      %dma_start3A_593 = arith.constant 0 : i32
      %dma_start3A_594 = tpu.memref_slice %arg3[%dma_start3A_592, %dma_start3A_593] : memref<3072x256xf32, #tpu.memory_space<hbm>> -> memref<3072x256xf32, #tpu.memory_space<hbm>>
      tpu.enqueue_indirect_dma source(%dma_start3A_594 : memref<3072x256xf32, #tpu.memory_space<hbm>>) target(%arg11 : memref<128x256xf32, #tpu.memory_space<vmem>>) offsets(%arg8 : memref<128xi32, #tpu.memory_space<vmem>>) semaphore(%arg17 : memref<!tpu.dma_semaphore, #tpu.memory_space<semaphore_mem>>)
      %add3A_595 = arith.constant 1 : i32
      %add3A_596 = arith.addi %add3A_509, %add3A_595 : i32
      %mul3A_597 = arith.constant 128 : i32
      %mul3A_598 = arith.muli %add3A_596, %mul3A_597 : i32
      %add3A_599 = arith.addi %mul3A_2, %mul3A_598 : i32
      %multiple_of3A_600 = tpu.assume_multiple %add3A_599, 128 : i32
      %dma_start3A_601 = tpu.memref_slice %arg2[%multiple_of3A_600] : memref<204800xi32, #tpu.memory_space<hbm>> -> memref<128xi32, #tpu.memory_space<hbm>>
      %dma_start3A_602 = tpu.memref_slice %arg2[%multiple_of3A_600] : memref<204800xi32, #tpu.memory_space<hbm>> -> memref<128xi32, #tpu.memory_space<hbm>>
      tpu.enqueue_dma source(%dma_start3A_602 : memref<128xi32, #tpu.memory_space<hbm>>) target(%arg6 : memref<128xi32, #tpu.memory_space<vmem>>) target_semaphore(%arg15 : memref<!tpu.dma_semaphore, #tpu.memory_space<semaphore_mem>>)
      %dma_wait3A_603 = arith.constant 0 : i32
      %dma_wait3A_604 = arith.constant 0 : i32
      %dma_wait3A_605 = tpu.memref_slice %arg3[%dma_wait3A_603, %dma_wait3A_604] : memref<3072x256xf32, #tpu.memory_space<hbm>> -> memref<3072x256xf32, #tpu.memory_space<hbm>>
      tpu.wait_indirect_dma semaphore(%arg18 : memref<!tpu.dma_semaphore, #tpu.memory_space<semaphore_mem>>) src(%dma_wait3A_605 : memref<3072x256xf32, #tpu.memory_space<hbm>>) dst(%arg12 : memref<128x256xf32, #tpu.memory_space<vmem>>)
      %sub3A = arith.constant 2 : i32
      %sub3A_606 = arith.subi %add3A_509, %sub3A : i32
      %mul3A_607 = arith.constant 128 : i32
      %mul3A_608 = arith.muli %sub3A_606, %mul3A_607 : i32
      %add3A_609 = arith.addi %mul3A_2, %mul3A_608 : i32
      %multiple_of3A_610 = tpu.assume_multiple %add3A_609, 128 : i32
      %dma_start3A_611 = arith.constant 0 : i32
      %dma_start3A_612 = tpu.memref_slice %arg4[%multiple_of3A_610, %dma_start3A_611] : memref<204800x256xf32, #tpu.memory_space<hbm>> -> memref<128x256xf32, #tpu.memory_space<hbm>>
      %dma_start3A_613 = arith.constant 0 : i32
      %dma_start3A_614 = tpu.memref_slice %arg4[%multiple_of3A_610, %dma_start3A_613] : memref<204800x256xf32, #tpu.memory_space<hbm>> -> memref<128x256xf32, #tpu.memory_space<hbm>>
      tpu.enqueue_dma source(%arg12 : memref<128x256xf32, #tpu.memory_space<vmem>>) target(%dma_start3A_614 : memref<128x256xf32, #tpu.memory_space<hbm>>) target_semaphore(%arg21 : memref<!tpu.dma_semaphore, #tpu.memory_space<semaphore_mem>>)
      %mul3A_615 = arith.constant 3 : i32
      %mul3A_616 = arith.muli %scan3A_505, %mul3A_615 : i32
      %add3A_617 = arith.constant 1 : i32
      %add3A_618 = arith.addi %mul3A_616, %add3A_617 : i32
      %dma_wait3A_619 = arith.constant 0 : i32
      %dma_wait3A_620 = tpu.memref_slice %arg2[%dma_wait3A_619] : memref<204800xi32, #tpu.memory_space<hbm>> -> memref<128xi32, #tpu.memory_space<hbm>>
      %dma_wait3A_621 = arith.constant 0 : i32
      %dma_wait3A_622 = tpu.memref_slice %arg2[%dma_wait3A_621] : memref<204800xi32, #tpu.memory_space<hbm>> -> memref<128xi32, #tpu.memory_space<hbm>>
      tpu.wait_dma2 semaphore(%arg15 : memref<!tpu.dma_semaphore, #tpu.memory_space<semaphore_mem>>) src(%dma_wait3A_622 : memref<128xi32, #tpu.memory_space<hbm>>) dst(%arg6 : memref<128xi32, #tpu.memory_space<vmem>>)
      %get3A_623 = arith.constant 0 : index
      %get3A_624 = tpu.vector_load %arg6[%get3A_623] {strides = array<i32>} : memref<128xi32, #tpu.memory_space<vmem>>, vector<16xi32>,
      %get3A_625 = vector.shape_cast %get3A_624 : vector<16xi32> to vector<16xi32>
      %add3A_626 = vector.broadcast %mul3A_4 : i32 to vector<16xi32>
      %add3A_627 = arith.addi %get3A_625, %add3A_626 : vector<16xi32>
      %swap3A_628 = arith.constant 0 : index
      %swap3A_629 = tpu.vector_load %arg9[%swap3A_628] {strides = array<i32>} : memref<128xi32, #tpu.memory_space<vmem>>, vector<16xi32>,
      %swap3A_630 = vector.shape_cast %swap3A_629 : vector<16xi32> to vector<16xi32>
      %swap3A_631 = vector.shape_cast %add3A_627 : vector<16xi32> to vector<16xi32>
      tpu.vector_store %arg9[%swap3A_628], %swap3A_631 {strides = array<i32>} : memref<128xi32, #tpu.memory_space<vmem>>, vector<16xi32>,
      %get3A_632 = arith.constant 16 : index
      %get3A_633 = tpu.vector_load %arg6[%get3A_632] {strides = array<i32>} : memref<128xi32, #tpu.memory_space<vmem>>, vector<16xi32>,
      %get3A_634 = vector.shape_cast %get3A_633 : vector<16xi32> to vector<16xi32>
      %add3A_635 = vector.broadcast %mul3A_4 : i32 to vector<16xi32>
      %add3A_636 = arith.addi %get3A_634, %add3A_635 : vector<16xi32>
      %swap3A_637 = arith.constant 16 : index
      %swap3A_638 = tpu.vector_load %arg9[%swap3A_637] {strides = array<i32>} : memref<128xi32, #tpu.memory_space<vmem>>, vector<16xi32>,
      %swap3A_639 = vector.shape_cast %swap3A_638 : vector<16xi32> to vector<16xi32>
      %swap3A_640 = vector.shape_cast %add3A_636 : vector<16xi32> to vector<16xi32>
      tpu.vector_store %arg9[%swap3A_637], %swap3A_640 {strides = array<i32>} : memref<128xi32, #tpu.memory_space<vmem>>, vector<16xi32>,
      %get3A_641 = arith.constant 32 : index
      %get3A_642 = tpu.vector_load %arg6[%get3A_641] {strides = array<i32>} : memref<128xi32, #tpu.memory_space<vmem>>, vector<16xi32>,
      %get3A_643 = vector.shape_cast %get3A_642 : vector<16xi32> to vector<16xi32>
      %add3A_644 = vector.broadcast %mul3A_4 : i32 to vector<16xi32>
      %add3A_645 = arith.addi %get3A_643, %add3A_644 : vector<16xi32>
      %swap3A_646 = arith.constant 32 : index
      %swap3A_647 = tpu.vector_load %arg9[%swap3A_646] {strides = array<i32>} : memref<128xi32, #tpu.memory_space<vmem>>, vector<16xi32>,
      %swap3A_648 = vector.shape_cast %swap3A_647 : vector<16xi32> to vector<16xi32>
      %swap3A_649 = vector.shape_cast %add3A_645 : vector<16xi32> to vector<16xi32>
      tpu.vector_store %arg9[%swap3A_646], %swap3A_649 {strides = array<i32>} : memref<128xi32, #tpu.memory_space<vmem>>, vector<16xi32>,
      %get3A_650 = arith.constant 48 : index
      %get3A_651 = tpu.vector_load %arg6[%get3A_650] {strides = array<i32>} : memref<128xi32, #tpu.memory_space<vmem>>, vector<16xi32>,
      %get3A_652 = vector.shape_cast %get3A_651 : vector<16xi32> to vector<16xi32>
      %add3A_653 = vector.broadcast %mul3A_4 : i32 to vector<16xi32>
      %add3A_654 = arith.addi %get3A_652, %add3A_653 : vector<16xi32>
      %swap3A_655 = arith.constant 48 : index
      %swap3A_656 = tpu.vector_load %arg9[%swap3A_655] {strides = array<i32>} : memref<128xi32, #tpu.memory_space<vmem>>, vector<16xi32>,
      %swap3A_657 = vector.shape_cast %swap3A_656 : vector<16xi32> to vector<16xi32>
      %swap3A_658 = vector.shape_cast %add3A_654 : vector<16xi32> to vector<16xi32>
      tpu.vector_store %arg9[%swap3A_655], %swap3A_658 {strides = array<i32>} : memref<128xi32, #tpu.memory_space<vmem>>, vector<16xi32>,
      %get3A_659 = arith.constant 64 : index
      %get3A_660 = tpu.vector_load %arg6[%get3A_659] {strides = array<i32>} : memref<128xi32, #tpu.memory_space<vmem>>, vector<16xi32>,
      %get3A_661 = vector.shape_cast %get3A_660 : vector<16xi32> to vector<16xi32>
      %add3A_662 = vector.broadcast %mul3A_4 : i32 to vector<16xi32>
      %add3A_663 = arith.addi %get3A_661, %add3A_662 : vector<16xi32>
      %swap3A_664 = arith.constant 64 : index
      %swap3A_665 = tpu.vector_load %arg9[%swap3A_664] {strides = array<i32>} : memref<128xi32, #tpu.memory_space<vmem>>, vector<16xi32>,
      %swap3A_666 = vector.shape_cast %swap3A_665 : vector<16xi32> to vector<16xi32>
      %swap3A_667 = vector.shape_cast %add3A_663 : vector<16xi32> to vector<16xi32>
      tpu.vector_store %arg9[%swap3A_664], %swap3A_667 {strides = array<i32>} : memref<128xi32, #tpu.memory_space<vmem>>, vector<16xi32>,
      %get3A_668 = arith.constant 80 : index
      %get3A_669 = tpu.vector_load %arg6[%get3A_668] {strides = array<i32>} : memref<128xi32, #tpu.memory_space<vmem>>, vector<16xi32>,
      %get3A_670 = vector.shape_cast %get3A_669 : vector<16xi32> to vector<16xi32>
      %add3A_671 = vector.broadcast %mul3A_4 : i32 to vector<16xi32>
      %add3A_672 = arith.addi %get3A_670, %add3A_671 : vector<16xi32>
      %swap3A_673 = arith.constant 80 : index
      %swap3A_674 = tpu.vector_load %arg9[%swap3A_673] {strides = array<i32>} : memref<128xi32, #tpu.memory_space<vmem>>, vector<16xi32>,
      %swap3A_675 = vector.shape_cast %swap3A_674 : vector<16xi32> to vector<16xi32>
      %swap3A_676 = vector.shape_cast %add3A_672 : vector<16xi32> to vector<16xi32>
      tpu.vector_store %arg9[%swap3A_673], %swap3A_676 {strides = array<i32>} : memref<128xi32, #tpu.memory_space<vmem>>, vector<16xi32>,
      %get3A_677 = arith.constant 96 : index
      %get3A_678 = tpu.vector_load %arg6[%get3A_677] {strides = array<i32>} : memref<128xi32, #tpu.memory_space<vmem>>, vector<16xi32>,
      %get3A_679 = vector.shape_cast %get3A_678 : vector<16xi32> to vector<16xi32>
      %add3A_680 = vector.broadcast %mul3A_4 : i32 to vector<16xi32>
      %add3A_681 = arith.addi %get3A_679, %add3A_680 : vector<16xi32>
      %swap3A_682 = arith.constant 96 : index
      %swap3A_683 = tpu.vector_load %arg9[%swap3A_682] {strides = array<i32>} : memref<128xi32, #tpu.memory_space<vmem>>, vector<16xi32>,
      %swap3A_684 = vector.shape_cast %swap3A_683 : vector<16xi32> to vector<16xi32>
      %swap3A_685 = vector.shape_cast %add3A_681 : vector<16xi32> to vector<16xi32>
      tpu.vector_store %arg9[%swap3A_682], %swap3A_685 {strides = array<i32>} : memref<128xi32, #tpu.memory_space<vmem>>, vector<16xi32>,
      %get3A_686 = arith.constant 112 : index
      %get3A_687 = tpu.vector_load %arg6[%get3A_686] {strides = array<i32>} : memref<128xi32, #tpu.memory_space<vmem>>, vector<16xi32>,
      %get3A_688 = vector.shape_cast %get3A_687 : vector<16xi32> to vector<16xi32>
      %add3A_689 = vector.broadcast %mul3A_4 : i32 to vector<16xi32>
      %add3A_690 = arith.addi %get3A_688, %add3A_689 : vector<16xi32>
      %swap3A_691 = arith.constant 112 : index
      %swap3A_692 = tpu.vector_load %arg9[%swap3A_691] {strides = array<i32>} : memref<128xi32, #tpu.memory_space<vmem>>, vector<16xi32>,
      %swap3A_693 = vector.shape_cast %swap3A_692 : vector<16xi32> to vector<16xi32>
      %swap3A_694 = vector.shape_cast %add3A_690 : vector<16xi32> to vector<16xi32>
      tpu.vector_store %arg9[%swap3A_691], %swap3A_694 {strides = array<i32>} : memref<128xi32, #tpu.memory_space<vmem>>, vector<16xi32>,
      %dma_wait3A_695 = arith.constant 0 : i32
      %dma_wait3A_696 = arith.constant 0 : i32
      %dma_wait3A_697 = tpu.memref_slice %arg4[%dma_wait3A_695, %dma_wait3A_696] : memref<204800x256xf32, #tpu.memory_space<hbm>> -> memref<128x256xf32, #tpu.memory_space<hbm>>
      %dma_wait3A_698 = arith.constant 0 : i32
      %dma_wait3A_699 = arith.constant 0 : i32
      %dma_wait3A_700 = tpu.memref_slice %arg4[%dma_wait3A_698, %dma_wait3A_699] : memref<204800x256xf32, #tpu.memory_space<hbm>> -> memref<128x256xf32, #tpu.memory_space<hbm>>
      tpu.wait_dma2 semaphore(%arg21 : memref<!tpu.dma_semaphore, #tpu.memory_space<semaphore_mem>>) src(%arg12 : memref<128x256xf32, #tpu.memory_space<vmem>>) dst(%dma_wait3A_700 : memref<128x256xf32, #tpu.memory_space<hbm>>)
      %dma_start3A_701 = arith.constant 0 : i32
      %dma_start3A_702 = arith.constant 0 : i32
      %dma_start3A_703 = tpu.memref_slice %arg3[%dma_start3A_701, %dma_start3A_702] : memref<3072x256xf32, #tpu.memory_space<hbm>> -> memref<3072x256xf32, #tpu.memory_space<hbm>>
      tpu.enqueue_indirect_dma source(%dma_start3A_703 : memref<3072x256xf32, #tpu.memory_space<hbm>>) target(%arg12 : memref<128x256xf32, #tpu.memory_space<vmem>>) offsets(%arg9 : memref<128xi32, #tpu.memory_space<vmem>>) semaphore(%arg18 : memref<!tpu.dma_semaphore, #tpu.memory_space<semaphore_mem>>)
      %add3A_704 = arith.constant 1 : i32
      %add3A_705 = arith.addi %add3A_618, %add3A_704 : i32
      %mul3A_706 = arith.constant 128 : i32
      %mul3A_707 = arith.muli %add3A_705, %mul3A_706 : i32
      %add3A_708 = arith.addi %mul3A_2, %mul3A_707 : i32
      %multiple_of3A_709 = tpu.assume_multiple %add3A_708, 128 : i32
      %dma_start3A_710 = tpu.memref_slice %arg2[%multiple_of3A_709] : memref<204800xi32, #tpu.memory_space<hbm>> -> memref<128xi32, #tpu.memory_space<hbm>>
      %dma_start3A_711 = tpu.memref_slice %arg2[%multiple_of3A_709] : memref<204800xi32, #tpu.memory_space<hbm>> -> memref<128xi32, #tpu.memory_space<hbm>>
      tpu.enqueue_dma source(%dma_start3A_711 : memref<128xi32, #tpu.memory_space<hbm>>) target(%arg7 : memref<128xi32, #tpu.memory_space<vmem>>) target_semaphore(%arg16 : memref<!tpu.dma_semaphore, #tpu.memory_space<semaphore_mem>>)
      %dma_wait3A_712 = arith.constant 0 : i32
      %dma_wait3A_713 = arith.constant 0 : i32
      %dma_wait3A_714 = tpu.memref_slice %arg3[%dma_wait3A_712, %dma_wait3A_713] : memref<3072x256xf32, #tpu.memory_space<hbm>> -> memref<3072x256xf32, #tpu.memory_space<hbm>>
      tpu.wait_indirect_dma semaphore(%arg19 : memref<!tpu.dma_semaphore, #tpu.memory_space<semaphore_mem>>) src(%dma_wait3A_714 : memref<3072x256xf32, #tpu.memory_space<hbm>>) dst(%arg13 : memref<128x256xf32, #tpu.memory_space<vmem>>)
      %sub3A_715 = arith.constant 2 : i32
      %sub3A_716 = arith.subi %add3A_618, %sub3A_715 : i32
      %mul3A_717 = arith.constant 128 : i32
      %mul3A_718 = arith.muli %sub3A_716, %mul3A_717 : i32
      %add3A_719 = arith.addi %mul3A_2, %mul3A_718 : i32
      %multiple_of3A_720 = tpu.assume_multiple %add3A_719, 128 : i32
      %dma_start3A_721 = arith.constant 0 : i32
      %dma_start3A_722 = tpu.memref_slice %arg4[%multiple_of3A_720, %dma_start3A_721] : memref<204800x256xf32, #tpu.memory_space<hbm>> -> memref<128x256xf32, #tpu.memory_space<hbm>>
      %dma_start3A_723 = arith.constant 0 : i32
      %dma_start3A_724 = tpu.memref_slice %arg4[%multiple_of3A_720, %dma_start3A_723] : memref<204800x256xf32, #tpu.memory_space<hbm>> -> memref<128x256xf32, #tpu.memory_space<hbm>>
      tpu.enqueue_dma source(%arg13 : memref<128x256xf32, #tpu.memory_space<vmem>>) target(%dma_start3A_724 : memref<128x256xf32, #tpu.memory_space<hbm>>) target_semaphore(%arg22 : memref<!tpu.dma_semaphore, #tpu.memory_space<semaphore_mem>>)
      %mul3A_725 = arith.constant 3 : i32
      %mul3A_726 = arith.muli %scan3A_505, %mul3A_725 : i32
      %add3A_727 = arith.constant 2 : i32
      %add3A_728 = arith.addi %mul3A_726, %add3A_727 : i32
      %dma_wait3A_729 = arith.constant 0 : i32
      %dma_wait3A_730 = tpu.memref_slice %arg2[%dma_wait3A_729] : memref<204800xi32, #tpu.memory_space<hbm>> -> memref<128xi32, #tpu.memory_space<hbm>>
      %dma_wait3A_731 = arith.constant 0 : i32
      %dma_wait3A_732 = tpu.memref_slice %arg2[%dma_wait3A_731] : memref<204800xi32, #tpu.memory_space<hbm>> -> memref<128xi32, #tpu.memory_space<hbm>>
      tpu.wait_dma2 semaphore(%arg16 : memref<!tpu.dma_semaphore, #tpu.memory_space<semaphore_mem>>) src(%dma_wait3A_732 : memref<128xi32, #tpu.memory_space<hbm>>) dst(%arg7 : memref<128xi32, #tpu.memory_space<vmem>>)
      %get3A_733 = arith.constant 0 : index
      %get3A_734 = tpu.vector_load %arg7[%get3A_733] {strides = array<i32>} : memref<128xi32, #tpu.memory_space<vmem>>, vector<16xi32>,
      %get3A_735 = vector.shape_cast %get3A_734 : vector<16xi32> to vector<16xi32>
      %add3A_736 = vector.broadcast %mul3A_4 : i32 to vector<16xi32>
      %add3A_737 = arith.addi %get3A_735, %add3A_736 : vector<16xi32>
      %swap3A_738 = arith.constant 0 : index
      %swap3A_739 = tpu.vector_load %arg10[%swap3A_738] {strides = array<i32>} : memref<128xi32, #tpu.memory_space<vmem>>, vector<16xi32>,
      %swap3A_740 = vector.shape_cast %swap3A_739 : vector<16xi32> to vector<16xi32>
      %swap3A_741 = vector.shape_cast %add3A_737 : vector<16xi32> to vector<16xi32>
      tpu.vector_store %arg10[%swap3A_738], %swap3A_741 {strides = array<i32>} : memref<128xi32, #tpu.memory_space<vmem>>, vector<16xi32>,
      %get3A_742 = arith.constant 16 : index
      %get3A_743 = tpu.vector_load %arg7[%get3A_742] {strides = array<i32>} : memref<128xi32, #tpu.memory_space<vmem>>, vector<16xi32>,
      %get3A_744 = vector.shape_cast %get3A_743 : vector<16xi32> to vector<16xi32>
      %add3A_745 = vector.broadcast %mul3A_4 : i32 to vector<16xi32>
      %add3A_746 = arith.addi %get3A_744, %add3A_745 : vector<16xi32>
      %swap3A_747 = arith.constant 16 : index
      %swap3A_748 = tpu.vector_load %arg10[%swap3A_747] {strides = array<i32>} : memref<128xi32, #tpu.memory_space<vmem>>, vector<16xi32>,
      %swap3A_749 = vector.shape_cast %swap3A_748 : vector<16xi32> to vector<16xi32>
      %swap3A_750 = vector.shape_cast %add3A_746 : vector<16xi32> to vector<16xi32>
      tpu.vector_store %arg10[%swap3A_747], %swap3A_750 {strides = array<i32>} : memref<128xi32, #tpu.memory_space<vmem>>, vector<16xi32>,
      %get3A_751 = arith.constant 32 : index
      %get3A_752 = tpu.vector_load %arg7[%get3A_751] {strides = array<i32>} : memref<128xi32, #tpu.memory_space<vmem>>, vector<16xi32>,
      %get3A_753 = vector.shape_cast %get3A_752 : vector<16xi32> to vector<16xi32>
      %add3A_754 = vector.broadcast %mul3A_4 : i32 to vector<16xi32>
      %add3A_755 = arith.addi %get3A_753, %add3A_754 : vector<16xi32>
      %swap3A_756 = arith.constant 32 : index
      %swap3A_757 = tpu.vector_load %arg10[%swap3A_756] {strides = array<i32>} : memref<128xi32, #tpu.memory_space<vmem>>, vector<16xi32>,
      %swap3A_758 = vector.shape_cast %swap3A_757 : vector<16xi32> to vector<16xi32>
      %swap3A_759 = vector.shape_cast %add3A_755 : vector<16xi32> to vector<16xi32>
      tpu.vector_store %arg10[%swap3A_756], %swap3A_759 {strides = array<i32>} : memref<128xi32, #tpu.memory_space<vmem>>, vector<16xi32>,
      %get3A_760 = arith.constant 48 : index
      %get3A_761 = tpu.vector_load %arg7[%get3A_760] {strides = array<i32>} : memref<128xi32, #tpu.memory_space<vmem>>, vector<16xi32>,
      %get3A_762 = vector.shape_cast %get3A_761 : vector<16xi32> to vector<16xi32>
      %add3A_763 = vector.broadcast %mul3A_4 : i32 to vector<16xi32>
      %add3A_764 = arith.addi %get3A_762, %add3A_763 : vector<16xi32>
      %swap3A_765 = arith.constant 48 : index
      %swap3A_766 = tpu.vector_load %arg10[%swap3A_765] {strides = array<i32>} : memref<128xi32, #tpu.memory_space<vmem>>, vector<16xi32>,
      %swap3A_767 = vector.shape_cast %swap3A_766 : vector<16xi32> to vector<16xi32>
      %swap3A_768 = vector.shape_cast %add3A_764 : vector<16xi32> to vector<16xi32>
      tpu.vector_store %arg10[%swap3A_765], %swap3A_768 {strides = array<i32>} : memref<128xi32, #tpu.memory_space<vmem>>, vector<16xi32>,
      %get3A_769 = arith.constant 64 : index
      %get3A_770 = tpu.vector_load %arg7[%get3A_769] {strides = array<i32>} : memref<128xi32, #tpu.memory_space<vmem>>, vector<16xi32>,
      %get3A_771 = vector.shape_cast %get3A_770 : vector<16xi32> to vector<16xi32>
      %add3A_772 = vector.broadcast %mul3A_4 : i32 to vector<16xi32>
      %add3A_773 = arith.addi %get3A_771, %add3A_772 : vector<16xi32>
      %swap3A_774 = arith.constant 64 : index
      %swap3A_775 = tpu.vector_load %arg10[%swap3A_774] {strides = array<i32>} : memref<128xi32, #tpu.memory_space<vmem>>, vector<16xi32>,
      %swap3A_776 = vector.shape_cast %swap3A_775 : vector<16xi32> to vector<16xi32>
      %swap3A_777 = vector.shape_cast %add3A_773 : vector<16xi32> to vector<16xi32>
      tpu.vector_store %arg10[%swap3A_774], %swap3A_777 {strides = array<i32>} : memref<128xi32, #tpu.memory_space<vmem>>, vector<16xi32>,
      %get3A_778 = arith.constant 80 : index
      %get3A_779 = tpu.vector_load %arg7[%get3A_778] {strides = array<i32>} : memref<128xi32, #tpu.memory_space<vmem>>, vector<16xi32>,
      %get3A_780 = vector.shape_cast %get3A_779 : vector<16xi32> to vector<16xi32>
      %add3A_781 = vector.broadcast %mul3A_4 : i32 to vector<16xi32>
      %add3A_782 = arith.addi %get3A_780, %add3A_781 : vector<16xi32>
      %swap3A_783 = arith.constant 80 : index
      %swap3A_784 = tpu.vector_load %arg10[%swap3A_783] {strides = array<i32>} : memref<128xi32, #tpu.memory_space<vmem>>, vector<16xi32>,
      %swap3A_785 = vector.shape_cast %swap3A_784 : vector<16xi32> to vector<16xi32>
      %swap3A_786 = vector.shape_cast %add3A_782 : vector<16xi32> to vector<16xi32>
      tpu.vector_store %arg10[%swap3A_783], %swap3A_786 {strides = array<i32>} : memref<128xi32, #tpu.memory_space<vmem>>, vector<16xi32>,
      %get3A_787 = arith.constant 96 : index
      %get3A_788 = tpu.vector_load %arg7[%get3A_787] {strides = array<i32>} : memref<128xi32, #tpu.memory_space<vmem>>, vector<16xi32>,
      %get3A_789 = vector.shape_cast %get3A_788 : vector<16xi32> to vector<16xi32>
      %add3A_790 = vector.broadcast %mul3A_4 : i32 to vector<16xi32>
      %add3A_791 = arith.addi %get3A_789, %add3A_790 : vector<16xi32>
      %swap3A_792 = arith.constant 96 : index
      %swap3A_793 = tpu.vector_load %arg10[%swap3A_792] {strides = array<i32>} : memref<128xi32, #tpu.memory_space<vmem>>, vector<16xi32>,
      %swap3A_794 = vector.shape_cast %swap3A_793 : vector<16xi32> to vector<16xi32>
      %swap3A_795 = vector.shape_cast %add3A_791 : vector<16xi32> to vector<16xi32>
      tpu.vector_store %arg10[%swap3A_792], %swap3A_795 {strides = array<i32>} : memref<128xi32, #tpu.memory_space<vmem>>, vector<16xi32>,
      %get3A_796 = arith.constant 112 : index
      %get3A_797 = tpu.vector_load %arg7[%get3A_796] {strides = array<i32>} : memref<128xi32, #tpu.memory_space<vmem>>, vector<16xi32>,
      %get3A_798 = vector.shape_cast %get3A_797 : vector<16xi32> to vector<16xi32>
      %add3A_799 = vector.broadcast %mul3A_4 : i32 to vector<16xi32>
      %add3A_800 = arith.addi %get3A_798, %add3A_799 : vector<16xi32>
      %swap3A_801 = arith.constant 112 : index
      %swap3A_802 = tpu.vector_load %arg10[%swap3A_801] {strides = array<i32>} : memref<128xi32, #tpu.memory_space<vmem>>, vector<16xi32>,
      %swap3A_803 = vector.shape_cast %swap3A_802 : vector<16xi32> to vector<16xi32>
      %swap3A_804 = vector.shape_cast %add3A_800 : vector<16xi32> to vector<16xi32>
      tpu.vector_store %arg10[%swap3A_801], %swap3A_804 {strides = array<i32>} : memref<128xi32, #tpu.memory_space<vmem>>, vector<16xi32>,
      %dma_wait3A_805 = arith.constant 0 : i32
      %dma_wait3A_806 = arith.constant 0 : i32
      %dma_wait3A_807 = tpu.memref_slice %arg4[%dma_wait3A_805, %dma_wait3A_806] : memref<204800x256xf32, #tpu.memory_space<hbm>> -> memref<128x256xf32, #tpu.memory_space<hbm>>
      %dma_wait3A_808 = arith.constant 0 : i32
      %dma_wait3A_809 = arith.constant 0 : i32
      %dma_wait3A_810 = tpu.memref_slice %arg4[%dma_wait3A_808, %dma_wait3A_809] : memref<204800x256xf32, #tpu.memory_space<hbm>> -> memref<128x256xf32, #tpu.memory_space<hbm>>
      tpu.wait_dma2 semaphore(%arg22 : memref<!tpu.dma_semaphore, #tpu.memory_space<semaphore_mem>>) src(%arg13 : memref<128x256xf32, #tpu.memory_space<vmem>>) dst(%dma_wait3A_810 : memref<128x256xf32, #tpu.memory_space<hbm>>)
      %dma_start3A_811 = arith.constant 0 : i32
      %dma_start3A_812 = arith.constant 0 : i32
      %dma_start3A_813 = tpu.memref_slice %arg3[%dma_start3A_811, %dma_start3A_812] : memref<3072x256xf32, #tpu.memory_space<hbm>> -> memref<3072x256xf32, #tpu.memory_space<hbm>>
      tpu.enqueue_indirect_dma source(%dma_start3A_813 : memref<3072x256xf32, #tpu.memory_space<hbm>>) target(%arg13 : memref<128x256xf32, #tpu.memory_space<vmem>>) offsets(%arg10 : memref<128xi32, #tpu.memory_space<vmem>>) semaphore(%arg19 : memref<!tpu.dma_semaphore, #tpu.memory_space<semaphore_mem>>)
      %add3A_814 = arith.constant 1 : i32
      %add3A_815 = arith.addi %add3A_728, %add3A_814 : i32
      %mul3A_816 = arith.constant 128 : i32
      %mul3A_817 = arith.muli %add3A_815, %mul3A_816 : i32
      %add3A_818 = arith.addi %mul3A_2, %mul3A_817 : i32
      %multiple_of3A_819 = tpu.assume_multiple %add3A_818, 128 : i32
      %dma_start3A_820 = tpu.memref_slice %arg2[%multiple_of3A_819] : memref<204800xi32, #tpu.memory_space<hbm>> -> memref<128xi32, #tpu.memory_space<hbm>>
      %dma_start3A_821 = tpu.memref_slice %arg2[%multiple_of3A_819] : memref<204800xi32, #tpu.memory_space<hbm>> -> memref<128xi32, #tpu.memory_space<hbm>>
      tpu.enqueue_dma source(%dma_start3A_821 : memref<128xi32, #tpu.memory_space<hbm>>) target(%arg5 : memref<128xi32, #tpu.memory_space<vmem>>) target_semaphore(%arg14 : memref<!tpu.dma_semaphore, #tpu.memory_space<semaphore_mem>>)
      %dma_wait3A_822 = arith.constant 0 : i32
      %dma_wait3A_823 = arith.constant 0 : i32
      %dma_wait3A_824 = tpu.memref_slice %arg3[%dma_wait3A_822, %dma_wait3A_823] : memref<3072x256xf32, #tpu.memory_space<hbm>> -> memref<3072x256xf32, #tpu.memory_space<hbm>>
      tpu.wait_indirect_dma semaphore(%arg17 : memref<!tpu.dma_semaphore, #tpu.memory_space<semaphore_mem>>) src(%dma_wait3A_824 : memref<3072x256xf32, #tpu.memory_space<hbm>>) dst(%arg11 : memref<128x256xf32, #tpu.memory_space<vmem>>)
      %sub3A_825 = arith.constant 2 : i32
      %sub3A_826 = arith.subi %add3A_728, %sub3A_825 : i32
      %mul3A_827 = arith.constant 128 : i32
      %mul3A_828 = arith.muli %sub3A_826, %mul3A_827 : i32
      %add3A_829 = arith.addi %mul3A_2, %mul3A_828 : i32
      %multiple_of3A_830 = tpu.assume_multiple %add3A_829, 128 : i32
      %dma_start3A_831 = arith.constant 0 : i32
      %dma_start3A_832 = tpu.memref_slice %arg4[%multiple_of3A_830, %dma_start3A_831] : memref<204800x256xf32, #tpu.memory_space<hbm>> -> memref<128x256xf32, #tpu.memory_space<hbm>>
      %dma_start3A_833 = arith.constant 0 : i32
      %dma_start3A_834 = tpu.memref_slice %arg4[%multiple_of3A_830, %dma_start3A_833] : memref<204800x256xf32, #tpu.memory_space<hbm>> -> memref<128x256xf32, #tpu.memory_space<hbm>>
      tpu.enqueue_dma source(%arg11 : memref<128x256xf32, #tpu.memory_space<vmem>>) target(%dma_start3A_834 : memref<128x256xf32, #tpu.memory_space<hbm>>) target_semaphore(%arg20 : memref<!tpu.dma_semaphore, #tpu.memory_space<semaphore_mem>>)
    }
    %scan3A_271 = arith.constant 15 : i32
    %dma_wait3A_272 = arith.constant 0 : i32
    %dma_wait3A_273 = tpu.memref_slice %arg2[%dma_wait3A_272] : memref<204800xi32, #tpu.memory_space<hbm>> -> memref<128xi32, #tpu.memory_space<hbm>>
    %dma_wait3A_274 = arith.constant 0 : i32
    %dma_wait3A_275 = tpu.memref_slice %arg2[%dma_wait3A_274] : memref<204800xi32, #tpu.memory_space<hbm>> -> memref<128xi32, #tpu.memory_space<hbm>>
    tpu.wait_dma2 semaphore(%arg14 : memref<!tpu.dma_semaphore, #tpu.memory_space<semaphore_mem>>) src(%dma_wait3A_275 : memref<128xi32, #tpu.memory_space<hbm>>) dst(%arg5 : memref<128xi32, #tpu.memory_space<vmem>>)
    %get3A_276 = arith.constant 0 : index
    %get3A_277 = tpu.vector_load %arg5[%get3A_276] {strides = array<i32>} : memref<128xi32, #tpu.memory_space<vmem>>, vector<16xi32>,
    %get3A_278 = vector.shape_cast %get3A_277 : vector<16xi32> to vector<16xi32>
    %add3A_279 = vector.broadcast %mul3A_4 : i32 to vector<16xi32>
    %add3A_280 = arith.addi %get3A_278, %add3A_279 : vector<16xi32>
    %swap3A_281 = arith.constant 0 : index
    %swap3A_282 = tpu.vector_load %arg8[%swap3A_281] {strides = array<i32>} : memref<128xi32, #tpu.memory_space<vmem>>, vector<16xi32>,
    %swap3A_283 = vector.shape_cast %swap3A_282 : vector<16xi32> to vector<16xi32>
    %swap3A_284 = vector.shape_cast %add3A_280 : vector<16xi32> to vector<16xi32>
    tpu.vector_store %arg8[%swap3A_281], %swap3A_284 {strides = array<i32>} : memref<128xi32, #tpu.memory_space<vmem>>, vector<16xi32>,
    %get3A_285 = arith.constant 16 : index
    %get3A_286 = tpu.vector_load %arg5[%get3A_285] {strides = array<i32>} : memref<128xi32, #tpu.memory_space<vmem>>, vector<16xi32>,
    %get3A_287 = vector.shape_cast %get3A_286 : vector<16xi32> to vector<16xi32>
    %add3A_288 = vector.broadcast %mul3A_4 : i32 to vector<16xi32>
    %add3A_289 = arith.addi %get3A_287, %add3A_288 : vector<16xi32>
    %swap3A_290 = arith.constant 16 : index
    %swap3A_291 = tpu.vector_load %arg8[%swap3A_290] {strides = array<i32>} : memref<128xi32, #tpu.memory_space<vmem>>, vector<16xi32>,
    %swap3A_292 = vector.shape_cast %swap3A_291 : vector<16xi32> to vector<16xi32>
    %swap3A_293 = vector.shape_cast %add3A_289 : vector<16xi32> to vector<16xi32>
    tpu.vector_store %arg8[%swap3A_290], %swap3A_293 {strides = array<i32>} : memref<128xi32, #tpu.memory_space<vmem>>, vector<16xi32>,
    %get3A_294 = arith.constant 32 : index
    %get3A_295 = tpu.vector_load %arg5[%get3A_294] {strides = array<i32>} : memref<128xi32, #tpu.memory_space<vmem>>, vector<16xi32>,
    %get3A_296 = vector.shape_cast %get3A_295 : vector<16xi32> to vector<16xi32>
    %add3A_297 = vector.broadcast %mul3A_4 : i32 to vector<16xi32>
    %add3A_298 = arith.addi %get3A_296, %add3A_297 : vector<16xi32>
    %swap3A_299 = arith.constant 32 : index
    %swap3A_300 = tpu.vector_load %arg8[%swap3A_299] {strides = array<i32>} : memref<128xi32, #tpu.memory_space<vmem>>, vector<16xi32>,
    %swap3A_301 = vector.shape_cast %swap3A_300 : vector<16xi32> to vector<16xi32>
    %swap3A_302 = vector.shape_cast %add3A_298 : vector<16xi32> to vector<16xi32>
    tpu.vector_store %arg8[%swap3A_299], %swap3A_302 {strides = array<i32>} : memref<128xi32, #tpu.memory_space<vmem>>, vector<16xi32>,
    %get3A_303 = arith.constant 48 : index
    %get3A_304 = tpu.vector_load %arg5[%get3A_303] {strides = array<i32>} : memref<128xi32, #tpu.memory_space<vmem>>, vector<16xi32>,
    %get3A_305 = vector.shape_cast %get3A_304 : vector<16xi32> to vector<16xi32>
    %add3A_306 = vector.broadcast %mul3A_4 : i32 to vector<16xi32>
    %add3A_307 = arith.addi %get3A_305, %add3A_306 : vector<16xi32>
    %swap3A_308 = arith.constant 48 : index
    %swap3A_309 = tpu.vector_load %arg8[%swap3A_308] {strides = array<i32>} : memref<128xi32, #tpu.memory_space<vmem>>, vector<16xi32>,
    %swap3A_310 = vector.shape_cast %swap3A_309 : vector<16xi32> to vector<16xi32>
    %swap3A_311 = vector.shape_cast %add3A_307 : vector<16xi32> to vector<16xi32>
    tpu.vector_store %arg8[%swap3A_308], %swap3A_311 {strides = array<i32>} : memref<128xi32, #tpu.memory_space<vmem>>, vector<16xi32>,
    %get3A_312 = arith.constant 64 : index
    %get3A_313 = tpu.vector_load %arg5[%get3A_312] {strides = array<i32>} : memref<128xi32, #tpu.memory_space<vmem>>, vector<16xi32>,
    %get3A_314 = vector.shape_cast %get3A_313 : vector<16xi32> to vector<16xi32>
    %add3A_315 = vector.broadcast %mul3A_4 : i32 to vector<16xi32>
    %add3A_316 = arith.addi %get3A_314, %add3A_315 : vector<16xi32>
    %swap3A_317 = arith.constant 64 : index
    %swap3A_318 = tpu.vector_load %arg8[%swap3A_317] {strides = array<i32>} : memref<128xi32, #tpu.memory_space<vmem>>, vector<16xi32>,
    %swap3A_319 = vector.shape_cast %swap3A_318 : vector<16xi32> to vector<16xi32>
    %swap3A_320 = vector.shape_cast %add3A_316 : vector<16xi32> to vector<16xi32>
    tpu.vector_store %arg8[%swap3A_317], %swap3A_320 {strides = array<i32>} : memref<128xi32, #tpu.memory_space<vmem>>, vector<16xi32>,
    %get3A_321 = arith.constant 80 : index
    %get3A_322 = tpu.vector_load %arg5[%get3A_321] {strides = array<i32>} : memref<128xi32, #tpu.memory_space<vmem>>, vector<16xi32>,
    %get3A_323 = vector.shape_cast %get3A_322 : vector<16xi32> to vector<16xi32>
    %add3A_324 = vector.broadcast %mul3A_4 : i32 to vector<16xi32>
    %add3A_325 = arith.addi %get3A_323, %add3A_324 : vector<16xi32>
    %swap3A_326 = arith.constant 80 : index
    %swap3A_327 = tpu.vector_load %arg8[%swap3A_326] {strides = array<i32>} : memref<128xi32, #tpu.memory_space<vmem>>, vector<16xi32>,
    %swap3A_328 = vector.shape_cast %swap3A_327 : vector<16xi32> to vector<16xi32>
    %swap3A_329 = vector.shape_cast %add3A_325 : vector<16xi32> to vector<16xi32>
    tpu.vector_store %arg8[%swap3A_326], %swap3A_329 {strides = array<i32>} : memref<128xi32, #tpu.memory_space<vmem>>, vector<16xi32>,
    %get3A_330 = arith.constant 96 : index
    %get3A_331 = tpu.vector_load %arg5[%get3A_330] {strides = array<i32>} : memref<128xi32, #tpu.memory_space<vmem>>, vector<16xi32>,
    %get3A_332 = vector.shape_cast %get3A_331 : vector<16xi32> to vector<16xi32>
    %add3A_333 = vector.broadcast %mul3A_4 : i32 to vector<16xi32>
    %add3A_334 = arith.addi %get3A_332, %add3A_333 : vector<16xi32>
    %swap3A_335 = arith.constant 96 : index
    %swap3A_336 = tpu.vector_load %arg8[%swap3A_335] {strides = array<i32>} : memref<128xi32, #tpu.memory_space<vmem>>, vector<16xi32>,
    %swap3A_337 = vector.shape_cast %swap3A_336 : vector<16xi32> to vector<16xi32>
    %swap3A_338 = vector.shape_cast %add3A_334 : vector<16xi32> to vector<16xi32>
    tpu.vector_store %arg8[%swap3A_335], %swap3A_338 {strides = array<i32>} : memref<128xi32, #tpu.memory_space<vmem>>, vector<16xi32>,
    %get3A_339 = arith.constant 112 : index
    %get3A_340 = tpu.vector_load %arg5[%get3A_339] {strides = array<i32>} : memref<128xi32, #tpu.memory_space<vmem>>, vector<16xi32>,
    %get3A_341 = vector.shape_cast %get3A_340 : vector<16xi32> to vector<16xi32>
    %add3A_342 = vector.broadcast %mul3A_4 : i32 to vector<16xi32>
    %add3A_343 = arith.addi %get3A_341, %add3A_342 : vector<16xi32>
    %swap3A_344 = arith.constant 112 : index
    %swap3A_345 = tpu.vector_load %arg8[%swap3A_344] {strides = array<i32>} : memref<128xi32, #tpu.memory_space<vmem>>, vector<16xi32>,
    %swap3A_346 = vector.shape_cast %swap3A_345 : vector<16xi32> to vector<16xi32>
    %swap3A_347 = vector.shape_cast %add3A_343 : vector<16xi32> to vector<16xi32>
    tpu.vector_store %arg8[%swap3A_344], %swap3A_347 {strides = array<i32>} : memref<128xi32, #tpu.memory_space<vmem>>, vector<16xi32>,
    %dma_wait3A_348 = arith.constant 0 : i32
    %dma_wait3A_349 = arith.constant 0 : i32
    %dma_wait3A_350 = tpu.memref_slice %arg4[%dma_wait3A_348, %dma_wait3A_349] : memref<204800x256xf32, #tpu.memory_space<hbm>> -> memref<128x256xf32, #tpu.memory_space<hbm>>
    %dma_wait3A_351 = arith.constant 0 : i32
    %dma_wait3A_352 = arith.constant 0 : i32
    %dma_wait3A_353 = tpu.memref_slice %arg4[%dma_wait3A_351, %dma_wait3A_352] : memref<204800x256xf32, #tpu.memory_space<hbm>> -> memref<128x256xf32, #tpu.memory_space<hbm>>
    tpu.wait_dma2 semaphore(%arg20 : memref<!tpu.dma_semaphore, #tpu.memory_space<semaphore_mem>>) src(%arg11 : memref<128x256xf32, #tpu.memory_space<vmem>>) dst(%dma_wait3A_353 : memref<128x256xf32, #tpu.memory_space<hbm>>)
    %dma_start3A_354 = arith.constant 0 : i32
    %dma_start3A_355 = arith.constant 0 : i32
    %dma_start3A_356 = tpu.memref_slice %arg3[%dma_start3A_354, %dma_start3A_355] : memref<3072x256xf32, #tpu.memory_space<hbm>> -> memref<3072x256xf32, #tpu.memory_space<hbm>>
    tpu.enqueue_indirect_dma source(%dma_start3A_356 : memref<3072x256xf32, #tpu.memory_space<hbm>>) target(%arg11 : memref<128x256xf32, #tpu.memory_space<vmem>>) offsets(%arg8 : memref<128xi32, #tpu.memory_space<vmem>>) semaphore(%arg17 : memref<!tpu.dma_semaphore, #tpu.memory_space<semaphore_mem>>)
    %add3A_357 = arith.constant 6272 : i32
    %add3A_358 = arith.addi %mul3A_2, %add3A_357 : i32
    %multiple_of3A_359 = tpu.assume_multiple %add3A_358, 128 : i32
    %dma_start3A_360 = tpu.memref_slice %arg2[%multiple_of3A_359] : memref<204800xi32, #tpu.memory_space<hbm>> -> memref<128xi32, #tpu.memory_space<hbm>>
    %dma_start3A_361 = tpu.memref_slice %arg2[%multiple_of3A_359] : memref<204800xi32, #tpu.memory_space<hbm>> -> memref<128xi32, #tpu.memory_space<hbm>>
    tpu.enqueue_dma source(%dma_start3A_361 : memref<128xi32, #tpu.memory_space<hbm>>) target(%arg6 : memref<128xi32, #tpu.memory_space<vmem>>) target_semaphore(%arg15 : memref<!tpu.dma_semaphore, #tpu.memory_space<semaphore_mem>>)
    %dma_wait3A_362 = arith.constant 0 : i32
    %dma_wait3A_363 = arith.constant 0 : i32
    %dma_wait3A_364 = tpu.memref_slice %arg3[%dma_wait3A_362, %dma_wait3A_363] : memref<3072x256xf32, #tpu.memory_space<hbm>> -> memref<3072x256xf32, #tpu.memory_space<hbm>>
    tpu.wait_indirect_dma semaphore(%arg18 : memref<!tpu.dma_semaphore, #tpu.memory_space<semaphore_mem>>) src(%dma_wait3A_364 : memref<3072x256xf32, #tpu.memory_space<hbm>>) dst(%arg12 : memref<128x256xf32, #tpu.memory_space<vmem>>)
    %add3A_365 = arith.constant 5888 : i32
    %add3A_366 = arith.addi %mul3A_2, %add3A_365 : i32
    %multiple_of3A_367 = tpu.assume_multiple %add3A_366, 128 : i32
    %dma_start3A_368 = arith.constant 0 : i32
    %dma_start3A_369 = tpu.memref_slice %arg4[%multiple_of3A_367, %dma_start3A_368] : memref<204800x256xf32, #tpu.memory_space<hbm>> -> memref<128x256xf32, #tpu.memory_space<hbm>>
    %dma_start3A_370 = arith.constant 0 : i32
    %dma_start3A_371 = tpu.memref_slice %arg4[%multiple_of3A_367, %dma_start3A_370] : memref<204800x256xf32, #tpu.memory_space<hbm>> -> memref<128x256xf32, #tpu.memory_space<hbm>>
    tpu.enqueue_dma source(%arg12 : memref<128x256xf32, #tpu.memory_space<vmem>>) target(%dma_start3A_371 : memref<128x256xf32, #tpu.memory_space<hbm>>) target_semaphore(%arg21 : memref<!tpu.dma_semaphore, #tpu.memory_space<semaphore_mem>>)
    %dma_wait3A_372 = arith.constant 0 : i32
    %dma_wait3A_373 = tpu.memref_slice %arg2[%dma_wait3A_372] : memref<204800xi32, #tpu.memory_space<hbm>> -> memref<128xi32, #tpu.memory_space<hbm>>
    %dma_wait3A_374 = arith.constant 0 : i32
    %dma_wait3A_375 = tpu.memref_slice %arg2[%dma_wait3A_374] : memref<204800xi32, #tpu.memory_space<hbm>> -> memref<128xi32, #tpu.memory_space<hbm>>
    tpu.wait_dma2 semaphore(%arg15 : memref<!tpu.dma_semaphore, #tpu.memory_space<semaphore_mem>>) src(%dma_wait3A_375 : memref<128xi32, #tpu.memory_space<hbm>>) dst(%arg6 : memref<128xi32, #tpu.memory_space<vmem>>)
    %get3A_376 = arith.constant 0 : index
    %get3A_377 = tpu.vector_load %arg6[%get3A_376] {strides = array<i32>} : memref<128xi32, #tpu.memory_space<vmem>>, vector<16xi32>,
    %get3A_378 = vector.shape_cast %get3A_377 : vector<16xi32> to vector<16xi32>
    %add3A_379 = vector.broadcast %mul3A_4 : i32 to vector<16xi32>
    %add3A_380 = arith.addi %get3A_378, %add3A_379 : vector<16xi32>
    %swap3A_381 = arith.constant 0 : index
    %swap3A_382 = tpu.vector_load %arg9[%swap3A_381] {strides = array<i32>} : memref<128xi32, #tpu.memory_space<vmem>>, vector<16xi32>,
    %swap3A_383 = vector.shape_cast %swap3A_382 : vector<16xi32> to vector<16xi32>
    %swap3A_384 = vector.shape_cast %add3A_380 : vector<16xi32> to vector<16xi32>
    tpu.vector_store %arg9[%swap3A_381], %swap3A_384 {strides = array<i32>} : memref<128xi32, #tpu.memory_space<vmem>>, vector<16xi32>,
    %get3A_385 = arith.constant 16 : index
    %get3A_386 = tpu.vector_load %arg6[%get3A_385] {strides = array<i32>} : memref<128xi32, #tpu.memory_space<vmem>>, vector<16xi32>,
    %get3A_387 = vector.shape_cast %get3A_386 : vector<16xi32> to vector<16xi32>
    %add3A_388 = vector.broadcast %mul3A_4 : i32 to vector<16xi32>
    %add3A_389 = arith.addi %get3A_387, %add3A_388 : vector<16xi32>
    %swap3A_390 = arith.constant 16 : index
    %swap3A_391 = tpu.vector_load %arg9[%swap3A_390] {strides = array<i32>} : memref<128xi32, #tpu.memory_space<vmem>>, vector<16xi32>,
    %swap3A_392 = vector.shape_cast %swap3A_391 : vector<16xi32> to vector<16xi32>
    %swap3A_393 = vector.shape_cast %add3A_389 : vector<16xi32> to vector<16xi32>
    tpu.vector_store %arg9[%swap3A_390], %swap3A_393 {strides = array<i32>} : memref<128xi32, #tpu.memory_space<vmem>>, vector<16xi32>,
    %get3A_394 = arith.constant 32 : index
    %get3A_395 = tpu.vector_load %arg6[%get3A_394] {strides = array<i32>} : memref<128xi32, #tpu.memory_space<vmem>>, vector<16xi32>,
    %get3A_396 = vector.shape_cast %get3A_395 : vector<16xi32> to vector<16xi32>
    %add3A_397 = vector.broadcast %mul3A_4 : i32 to vector<16xi32>
    %add3A_398 = arith.addi %get3A_396, %add3A_397 : vector<16xi32>
    %swap3A_399 = arith.constant 32 : index
    %swap3A_400 = tpu.vector_load %arg9[%swap3A_399] {strides = array<i32>} : memref<128xi32, #tpu.memory_space<vmem>>, vector<16xi32>,
    %swap3A_401 = vector.shape_cast %swap3A_400 : vector<16xi32> to vector<16xi32>
    %swap3A_402 = vector.shape_cast %add3A_398 : vector<16xi32> to vector<16xi32>
    tpu.vector_store %arg9[%swap3A_399], %swap3A_402 {strides = array<i32>} : memref<128xi32, #tpu.memory_space<vmem>>, vector<16xi32>,
    %get3A_403 = arith.constant 48 : index
    %get3A_404 = tpu.vector_load %arg6[%get3A_403] {strides = array<i32>} : memref<128xi32, #tpu.memory_space<vmem>>, vector<16xi32>,
    %get3A_405 = vector.shape_cast %get3A_404 : vector<16xi32> to vector<16xi32>
    %add3A_406 = vector.broadcast %mul3A_4 : i32 to vector<16xi32>
    %add3A_407 = arith.addi %get3A_405, %add3A_406 : vector<16xi32>
    %swap3A_408 = arith.constant 48 : index
    %swap3A_409 = tpu.vector_load %arg9[%swap3A_408] {strides = array<i32>} : memref<128xi32, #tpu.memory_space<vmem>>, vector<16xi32>,
    %swap3A_410 = vector.shape_cast %swap3A_409 : vector<16xi32> to vector<16xi32>
    %swap3A_411 = vector.shape_cast %add3A_407 : vector<16xi32> to vector<16xi32>
    tpu.vector_store %arg9[%swap3A_408], %swap3A_411 {strides = array<i32>} : memref<128xi32, #tpu.memory_space<vmem>>, vector<16xi32>,
    %get3A_412 = arith.constant 64 : index
    %get3A_413 = tpu.vector_load %arg6[%get3A_412] {strides = array<i32>} : memref<128xi32, #tpu.memory_space<vmem>>, vector<16xi32>,
    %get3A_414 = vector.shape_cast %get3A_413 : vector<16xi32> to vector<16xi32>
    %add3A_415 = vector.broadcast %mul3A_4 : i32 to vector<16xi32>
    %add3A_416 = arith.addi %get3A_414, %add3A_415 : vector<16xi32>
    %swap3A_417 = arith.constant 64 : index
    %swap3A_418 = tpu.vector_load %arg9[%swap3A_417] {strides = array<i32>} : memref<128xi32, #tpu.memory_space<vmem>>, vector<16xi32>,
    %swap3A_419 = vector.shape_cast %swap3A_418 : vector<16xi32> to vector<16xi32>
    %swap3A_420 = vector.shape_cast %add3A_416 : vector<16xi32> to vector<16xi32>
    tpu.vector_store %arg9[%swap3A_417], %swap3A_420 {strides = array<i32>} : memref<128xi32, #tpu.memory_space<vmem>>, vector<16xi32>,
    %get3A_421 = arith.constant 80 : index
    %get3A_422 = tpu.vector_load %arg6[%get3A_421] {strides = array<i32>} : memref<128xi32, #tpu.memory_space<vmem>>, vector<16xi32>,
    %get3A_423 = vector.shape_cast %get3A_422 : vector<16xi32> to vector<16xi32>
    %add3A_424 = vector.broadcast %mul3A_4 : i32 to vector<16xi32>
    %add3A_425 = arith.addi %get3A_423, %add3A_424 : vector<16xi32>
    %swap3A_426 = arith.constant 80 : index
    %swap3A_427 = tpu.vector_load %arg9[%swap3A_426] {strides = array<i32>} : memref<128xi32, #tpu.memory_space<vmem>>, vector<16xi32>,
    %swap3A_428 = vector.shape_cast %swap3A_427 : vector<16xi32> to vector<16xi32>
    %swap3A_429 = vector.shape_cast %add3A_425 : vector<16xi32> to vector<16xi32>
    tpu.vector_store %arg9[%swap3A_426], %swap3A_429 {strides = array<i32>} : memref<128xi32, #tpu.memory_space<vmem>>, vector<16xi32>,
    %get3A_430 = arith.constant 96 : index
    %get3A_431 = tpu.vector_load %arg6[%get3A_430] {strides = array<i32>} : memref<128xi32, #tpu.memory_space<vmem>>, vector<16xi32>,
    %get3A_432 = vector.shape_cast %get3A_431 : vector<16xi32> to vector<16xi32>
    %add3A_433 = vector.broadcast %mul3A_4 : i32 to vector<16xi32>
    %add3A_434 = arith.addi %get3A_432, %add3A_433 : vector<16xi32>
    %swap3A_435 = arith.constant 96 : index
    %swap3A_436 = tpu.vector_load %arg9[%swap3A_435] {strides = array<i32>} : memref<128xi32, #tpu.memory_space<vmem>>, vector<16xi32>,
    %swap3A_437 = vector.shape_cast %swap3A_436 : vector<16xi32> to vector<16xi32>
    %swap3A_438 = vector.shape_cast %add3A_434 : vector<16xi32> to vector<16xi32>
    tpu.vector_store %arg9[%swap3A_435], %swap3A_438 {strides = array<i32>} : memref<128xi32, #tpu.memory_space<vmem>>, vector<16xi32>,
    %get3A_439 = arith.constant 112 : index
    %get3A_440 = tpu.vector_load %arg6[%get3A_439] {strides = array<i32>} : memref<128xi32, #tpu.memory_space<vmem>>, vector<16xi32>,
    %get3A_441 = vector.shape_cast %get3A_440 : vector<16xi32> to vector<16xi32>
    %add3A_442 = vector.broadcast %mul3A_4 : i32 to vector<16xi32>
    %add3A_443 = arith.addi %get3A_441, %add3A_442 : vector<16xi32>
    %swap3A_444 = arith.constant 112 : index
    %swap3A_445 = tpu.vector_load %arg9[%swap3A_444] {strides = array<i32>} : memref<128xi32, #tpu.memory_space<vmem>>, vector<16xi32>,
    %swap3A_446 = vector.shape_cast %swap3A_445 : vector<16xi32> to vector<16xi32>
    %swap3A_447 = vector.shape_cast %add3A_443 : vector<16xi32> to vector<16xi32>
    tpu.vector_store %arg9[%swap3A_444], %swap3A_447 {strides = array<i32>} : memref<128xi32, #tpu.memory_space<vmem>>, vector<16xi32>,
    %dma_wait3A_448 = arith.constant 0 : i32
    %dma_wait3A_449 = arith.constant 0 : i32
    %dma_wait3A_450 = tpu.memref_slice %arg4[%dma_wait3A_448, %dma_wait3A_449] : memref<204800x256xf32, #tpu.memory_space<hbm>> -> memref<128x256xf32, #tpu.memory_space<hbm>>
    %dma_wait3A_451 = arith.constant 0 : i32
    %dma_wait3A_452 = arith.constant 0 : i32
    %dma_wait3A_453 = tpu.memref_slice %arg4[%dma_wait3A_451, %dma_wait3A_452] : memref<204800x256xf32, #tpu.memory_space<hbm>> -> memref<128x256xf32, #tpu.memory_space<hbm>>
    tpu.wait_dma2 semaphore(%arg21 : memref<!tpu.dma_semaphore, #tpu.memory_space<semaphore_mem>>) src(%arg12 : memref<128x256xf32, #tpu.memory_space<vmem>>) dst(%dma_wait3A_453 : memref<128x256xf32, #tpu.memory_space<hbm>>)
    %dma_start3A_454 = arith.constant 0 : i32
    %dma_start3A_455 = arith.constant 0 : i32
    %dma_start3A_456 = tpu.memref_slice %arg3[%dma_start3A_454, %dma_start3A_455] : memref<3072x256xf32, #tpu.memory_space<hbm>> -> memref<3072x256xf32, #tpu.memory_space<hbm>>
    tpu.enqueue_indirect_dma source(%dma_start3A_456 : memref<3072x256xf32, #tpu.memory_space<hbm>>) target(%arg12 : memref<128x256xf32, #tpu.memory_space<vmem>>) offsets(%arg9 : memref<128xi32, #tpu.memory_space<vmem>>) semaphore(%arg18 : memref<!tpu.dma_semaphore, #tpu.memory_space<semaphore_mem>>)
    %dma_wait3A_457 = arith.constant 0 : i32
    %dma_wait3A_458 = arith.constant 0 : i32
    %dma_wait3A_459 = tpu.memref_slice %arg3[%dma_wait3A_457, %dma_wait3A_458] : memref<3072x256xf32, #tpu.memory_space<hbm>> -> memref<3072x256xf32, #tpu.memory_space<hbm>>
    tpu.wait_indirect_dma semaphore(%arg19 : memref<!tpu.dma_semaphore, #tpu.memory_space<semaphore_mem>>) src(%dma_wait3A_459 : memref<3072x256xf32, #tpu.memory_space<hbm>>) dst(%arg13 : memref<128x256xf32, #tpu.memory_space<vmem>>)
    %add3A_460 = arith.constant 6016 : i32
    %add3A_461 = arith.addi %mul3A_2, %add3A_460 : i32
    %multiple_of3A_462 = tpu.assume_multiple %add3A_461, 128 : i32
    %dma_start3A_463 = arith.constant 0 : i32
    %dma_start3A_464 = tpu.memref_slice %arg4[%multiple_of3A_462, %dma_start3A_463] : memref<204800x256xf32, #tpu.memory_space<hbm>> -> memref<128x256xf32, #tpu.memory_space<hbm>>
    %dma_start3A_465 = arith.constant 0 : i32
    %dma_start3A_466 = tpu.memref_slice %arg4[%multiple_of3A_462, %dma_start3A_465] : memref<204800x256xf32, #tpu.memory_space<hbm>> -> memref<128x256xf32, #tpu.memory_space<hbm>>
    tpu.enqueue_dma source(%arg13 : memref<128x256xf32, #tpu.memory_space<vmem>>) target(%dma_start3A_466 : memref<128x256xf32, #tpu.memory_space<hbm>>) target_semaphore(%arg22 : memref<!tpu.dma_semaphore, #tpu.memory_space<semaphore_mem>>)
    %dma_wait3A_467 = arith.constant 0 : i32
    %dma_wait3A_468 = arith.constant 0 : i32
    %dma_wait3A_469 = tpu.memref_slice %arg3[%dma_wait3A_467, %dma_wait3A_468] : memref<3072x256xf32, #tpu.memory_space<hbm>> -> memref<3072x256xf32, #tpu.memory_space<hbm>>
    tpu.wait_indirect_dma semaphore(%arg17 : memref<!tpu.dma_semaphore, #tpu.memory_space<semaphore_mem>>) src(%dma_wait3A_469 : memref<3072x256xf32, #tpu.memory_space<hbm>>) dst(%arg11 : memref<128x256xf32, #tpu.memory_space<vmem>>)
    %add3A_470 = arith.constant 6144 : i32
    %add3A_471 = arith.addi %mul3A_2, %add3A_470 : i32
    %multiple_of3A_472 = tpu.assume_multiple %add3A_471, 128 : i32
    %dma_start3A_473 = arith.constant 0 : i32
    %dma_start3A_474 = tpu.memref_slice %arg4[%multiple_of3A_472, %dma_start3A_473] : memref<204800x256xf32, #tpu.memory_space<hbm>> -> memref<128x256xf32, #tpu.memory_space<hbm>>
    %dma_start3A_475 = arith.constant 0 : i32
    %dma_start3A_476 = tpu.memref_slice %arg4[%multiple_of3A_472, %dma_start3A_475] : memref<204800x256xf32, #tpu.memory_space<hbm>> -> memref<128x256xf32, #tpu.memory_space<hbm>>
    tpu.enqueue_dma source(%arg11 : memref<128x256xf32, #tpu.memory_space<vmem>>) target(%dma_start3A_476 : memref<128x256xf32, #tpu.memory_space<hbm>>) target_semaphore(%arg20 : memref<!tpu.dma_semaphore, #tpu.memory_space<semaphore_mem>>)
    %dma_wait3A_477 = arith.constant 0 : i32
    %dma_wait3A_478 = arith.constant 0 : i32
    %dma_wait3A_479 = tpu.memref_slice %arg3[%dma_wait3A_477, %dma_wait3A_478] : memref<3072x256xf32, #tpu.memory_space<hbm>> -> memref<3072x256xf32, #tpu.memory_space<hbm>>
    tpu.wait_indirect_dma semaphore(%arg18 : memref<!tpu.dma_semaphore, #tpu.memory_space<semaphore_mem>>) src(%dma_wait3A_479 : memref<3072x256xf32, #tpu.memory_space<hbm>>) dst(%arg12 : memref<128x256xf32, #tpu.memory_space<vmem>>)
    %add3A_480 = arith.constant 6272 : i32
    %add3A_481 = arith.addi %mul3A_2, %add3A_480 : i32
    %multiple_of3A_482 = tpu.assume_multiple %add3A_481, 128 : i32
    %dma_start3A_483 = arith.constant 0 : i32
    %dma_start3A_484 = tpu.memref_slice %arg4[%multiple_of3A_482, %dma_start3A_483] : memref<204800x256xf32, #tpu.memory_space<hbm>> -> memref<128x256xf32, #tpu.memory_space<hbm>>
    %dma_start3A_485 = arith.constant 0 : i32
    %dma_start3A_486 = tpu.memref_slice %arg4[%multiple_of3A_482, %dma_start3A_485] : memref<204800x256xf32, #tpu.memory_space<hbm>> -> memref<128x256xf32, #tpu.memory_space<hbm>>
    tpu.enqueue_dma source(%arg12 : memref<128x256xf32, #tpu.memory_space<vmem>>) target(%dma_start3A_486 : memref<128x256xf32, #tpu.memory_space<hbm>>) target_semaphore(%arg21 : memref<!tpu.dma_semaphore, #tpu.memory_space<semaphore_mem>>)
    %dma_wait3A_487 = arith.constant 0 : i32
    %dma_wait3A_488 = arith.constant 0 : i32
    %dma_wait3A_489 = tpu.memref_slice %arg4[%dma_wait3A_487, %dma_wait3A_488] : memref<204800x256xf32, #tpu.memory_space<hbm>> -> memref<128x256xf32, #tpu.memory_space<hbm>>
    %dma_wait3A_490 = arith.constant 0 : i32
    %dma_wait3A_491 = arith.constant 0 : i32
    %dma_wait3A_492 = tpu.memref_slice %arg4[%dma_wait3A_490, %dma_wait3A_491] : memref<204800x256xf32, #tpu.memory_space<hbm>> -> memref<128x256xf32, #tpu.memory_space<hbm>>
    tpu.wait_dma2 semaphore(%arg22 : memref<!tpu.dma_semaphore, #tpu.memory_space<semaphore_mem>>) src(%arg13 : memref<128x256xf32, #tpu.memory_space<vmem>>) dst(%dma_wait3A_492 : memref<128x256xf32, #tpu.memory_space<hbm>>)
    %dma_wait3A_493 = arith.constant 0 : i32
    %dma_wait3A_494 = arith.constant 0 : i32
    %dma_wait3A_495 = tpu.memref_slice %arg4[%dma_wait3A_493, %dma_wait3A_494] : memref<204800x256xf32, #tpu.memory_space<hbm>> -> memref<128x256xf32, #tpu.memory_space<hbm>>
    %dma_wait3A_496 = arith.constant 0 : i32
    %dma_wait3A_497 = arith.constant 0 : i32
    %dma_wait3A_498 = tpu.memref_slice %arg4[%dma_wait3A_496, %dma_wait3A_497] : memref<204800x256xf32, #tpu.memory_space<hbm>> -> memref<128x256xf32, #tpu.memory_space<hbm>>
    tpu.wait_dma2 semaphore(%arg20 : memref<!tpu.dma_semaphore, #tpu.memory_space<semaphore_mem>>) src(%arg11 : memref<128x256xf32, #tpu.memory_space<vmem>>) dst(%dma_wait3A_498 : memref<128x256xf32, #tpu.memory_space<hbm>>)
    %dma_wait3A_499 = arith.constant 0 : i32
    %dma_wait3A_500 = arith.constant 0 : i32
    %dma_wait3A_501 = tpu.memref_slice %arg4[%dma_wait3A_499, %dma_wait3A_500] : memref<204800x256xf32, #tpu.memory_space<hbm>> -> memref<128x256xf32, #tpu.memory_space<hbm>>
    %dma_wait3A_502 = arith.constant 0 : i32
    %dma_wait3A_503 = arith.constant 0 : i32
    %dma_wait3A_504 = tpu.memref_slice %arg4[%dma_wait3A_502, %dma_wait3A_503] : memref<204800x256xf32, #tpu.memory_space<hbm>> -> memref<128x256xf32, #tpu.memory_space<hbm>>
    tpu.wait_dma2 semaphore(%arg21 : memref<!tpu.dma_semaphore, #tpu.memory_space<semaphore_mem>>) src(%arg12 : memref<128x256xf32, #tpu.memory_space<vmem>>) dst(%dma_wait3A_504 : memref<128x256xf32, #tpu.memory_space<hbm>>)
    return
  }
}

module attributes {stable_mosaic.version = 14 : i64} {
  func.func @_quad_table_body(%arg0: i32, %arg1: memref<3x64xf32, #tpu.memory_space<vmem>>, %arg2: memref<96x256xf32, #tpu.memory_space<vmem>>) attributes {dimension_semantics = [#tpu.dimension_semantics<arbitrary>], iteration_bounds = array<i64: 32>, scalar_prefetch = 0 : i64, scratch_operands = 0 : i64, tpu.core_type = #tpu.core_type<tc>, window_params = [{pipeline_mode = #tpu.pipeline_mode<synchronous>, transform_indices = @transform_0, window_bounds = array<i64: 3, 64>}, {transform_indices = @transform_1, window_bounds = array<i64: 96, 256>}]} {
    %get3A = arith.constant 0 : index
    %get3A_0 = arith.constant 0 : index
    %get3A_1 = vector.load %arg1[%get3A, %get3A_0] : memref<3x64xf32, #tpu.memory_space<vmem>>, vector<3x64xf32>
    %iota3A = tpu.iota {dimensions = array<i32: 0>} : vector<96x64xi32>
    %slice3A = vector.extract_strided_slice %get3A_1 {offsets = [0, 0], sizes = [1, 64], strides = [1, 1]} : vector<3x64xf32> to vector<1x64xf32>
    %broadcast_in_dim3A = vector.shape_cast %slice3A : vector<1x64xf32> to vector<1x64xf32>
    %broadcast_in_dim3A_2 = vector.broadcast %broadcast_in_dim3A : vector<1x64xf32> to vector<96x64xf32>
    %slice3A_3 = vector.extract_strided_slice %get3A_1 {offsets = [1, 0], sizes = [1, 64], strides = [1, 1]} : vector<3x64xf32> to vector<1x64xf32>
    %broadcast_in_dim3A_4 = vector.shape_cast %slice3A_3 : vector<1x64xf32> to vector<1x64xf32>
    %broadcast_in_dim3A_5 = vector.broadcast %broadcast_in_dim3A_4 : vector<1x64xf32> to vector<96x64xf32>
    %slice3A_6 = vector.extract_strided_slice %get3A_1 {offsets = [2, 0], sizes = [1, 64], strides = [1, 1]} : vector<3x64xf32> to vector<1x64xf32>
    %broadcast_in_dim3A_7 = vector.shape_cast %slice3A_6 : vector<1x64xf32> to vector<1x64xf32>
    %broadcast_in_dim3A_8 = vector.broadcast %broadcast_in_dim3A_7 : vector<1x64xf32> to vector<96x64xf32>
    %jit3A = arith.constant 27 : i32
    %div3A = vector.broadcast %jit3A : i32 to vector<96x64xi32>
    %div3A_9 = arith.divsi %iota3A, %div3A : vector<96x64xi32>
    %sign3A = arith.constant 0 : i32
    %sign3A_10 = vector.broadcast %sign3A : i32 to vector<96x64xi32>
    %sign3A_11 = arith.cmpi sgt, %iota3A, %sign3A_10 : vector<96x64xi32>
    %sign3A_12 = arith.extui %sign3A_11 : vector<96x64xi1> to vector<96x64xi32>
    %sign3A_13 = arith.constant 0 : i32
    %sign3A_14 = vector.broadcast %sign3A_13 : i32 to vector<96x64xi32>
    %sign3A_15 = arith.cmpi slt, %iota3A, %sign3A_14 : vector<96x64xi32>
    %sign3A_16 = arith.extui %sign3A_15 : vector<96x64xi1> to vector<96x64xi32>
    %sign3A_17 = arith.subi %sign3A_12, %sign3A_16 : vector<96x64xi32>
    %sign3A_18 = arith.constant 0 : i32
    %sign3A_19 = arith.cmpi sgt, %jit3A, %sign3A_18 : i32
    %sign3A_20 = arith.extui %sign3A_19 : i1 to i32
    %sign3A_21 = arith.constant 0 : i32
    %sign3A_22 = arith.cmpi slt, %jit3A, %sign3A_21 : i32
    %sign3A_23 = arith.extui %sign3A_22 : i1 to i32
    %sign3A_24 = arith.subi %sign3A_20, %sign3A_23 : i32
    %ne3A = vector.broadcast %sign3A_24 : i32 to vector<96x64xi32>
    %ne3A_25 = arith.cmpi ne, %sign3A_17, %ne3A : vector<96x64xi32>
    %rem3A = vector.broadcast %jit3A : i32 to vector<96x64xi32>
    %rem3A_26 = arith.remsi %iota3A, %rem3A : vector<96x64xi32>
    %ne3A_27 = arith.constant 0 : i32
    %ne3A_28 = vector.broadcast %ne3A_27 : i32 to vector<96x64xi32>
    %ne3A_29 = arith.cmpi ne, %rem3A_26, %ne3A_28 : vector<96x64xi32>
    %and3A = arith.andi %ne3A_25, %ne3A_29 : vector<96x64xi1>
    %sub3A = arith.constant 1 : i32
    %sub3A_30 = vector.broadcast %sub3A : i32 to vector<96x64xi32>
    %sub3A_31 = arith.subi %div3A_9, %sub3A_30 : vector<96x64xi32>
    %select_n3A = arith.select %and3A, %sub3A_31, %div3A_9 : vector<96x64xi1>, vector<96x64xi32>
    %jit3A_32 = arith.constant 3 : i32
    %eq3A = arith.constant 0 : i32
    %eq3A_33 = arith.cmpi eq, %jit3A_32, %eq3A : i32
    %jit3A_34 = arith.constant 1 : i32
    %select_n3A_35 = arith.select %eq3A_33, %jit3A_34, %jit3A_32 : i32
    %rem3A_36 = vector.broadcast %select_n3A_35 : i32 to vector<96x64xi32>
    %rem3A_37 = arith.remsi %select_n3A, %rem3A_36 : vector<96x64xi32>
    %ne3A_38 = arith.constant 0 : i32
    %ne3A_39 = vector.broadcast %ne3A_38 : i32 to vector<96x64xi32>
    %ne3A_40 = arith.cmpi ne, %rem3A_37, %ne3A_39 : vector<96x64xi32>
    %lt3A = arith.constant 0 : i32
    %lt3A_41 = vector.broadcast %lt3A : i32 to vector<96x64xi32>
    %lt3A_42 = arith.cmpi slt, %rem3A_37, %lt3A_41 : vector<96x64xi32>
    %lt3A_43 = arith.constant 0 : i32
    %lt3A_44 = arith.cmpi slt, %select_n3A_35, %lt3A_43 : i32
    %ne3A_45 = vector.broadcast %lt3A_44 : i1 to vector<96x64xi1>
    %ne3A_46 = vector.broadcast %ne3A_45 : vector<96x64xi1> to vector<96x64xi1>
    %ne3A_47 = arith.xori %lt3A_42, %ne3A_46 : vector<96x64xi1>
    %and3A_48 = arith.andi %ne3A_47, %ne3A_40 : vector<96x64xi1>
    %add3A = vector.broadcast %select_n3A_35 : i32 to vector<96x64xi32>
    %add3A_49 = arith.addi %rem3A_37, %add3A : vector<96x64xi32>
    %select_n3A_50 = arith.select %and3A_48, %add3A_49, %rem3A_37 : vector<96x64xi1>, vector<96x64xi32>
    %eq3A_51 = arith.constant 0 : i32
    %eq3A_52 = vector.broadcast %eq3A_51 : i32 to vector<96x64xi32>
    %eq3A_53 = arith.cmpi eq, %select_n3A_50, %eq3A_52 : vector<96x64xi32>
    %eq3A_54 = arith.constant 1 : i32
    %eq3A_55 = vector.broadcast %eq3A_54 : i32 to vector<96x64xi32>
    %eq3A_56 = arith.cmpi eq, %select_n3A_50, %eq3A_55 : vector<96x64xi32>
    %select_n3A_57 = arith.select %eq3A_56, %broadcast_in_dim3A_5, %broadcast_in_dim3A_8 : vector<96x64xi1>, vector<96x64xf32>
    %select_n3A_58 = arith.select %eq3A_53, %broadcast_in_dim3A_2, %select_n3A_57 : vector<96x64xi1>, vector<96x64xf32>
    %jit3A_59 = arith.constant 9 : i32
    %div3A_60 = vector.broadcast %jit3A_59 : i32 to vector<96x64xi32>
    %div3A_61 = arith.divsi %iota3A, %div3A_60 : vector<96x64xi32>
    %sign3A_62 = arith.constant 0 : i32
    %sign3A_63 = vector.broadcast %sign3A_62 : i32 to vector<96x64xi32>
    %sign3A_64 = arith.cmpi sgt, %iota3A, %sign3A_63 : vector<96x64xi32>
    %sign3A_65 = arith.extui %sign3A_64 : vector<96x64xi1> to vector<96x64xi32>
    %sign3A_66 = arith.constant 0 : i32
    %sign3A_67 = vector.broadcast %sign3A_66 : i32 to vector<96x64xi32>
    %sign3A_68 = arith.cmpi slt, %iota3A, %sign3A_67 : vector<96x64xi32>
    %sign3A_69 = arith.extui %sign3A_68 : vector<96x64xi1> to vector<96x64xi32>
    %sign3A_70 = arith.subi %sign3A_65, %sign3A_69 : vector<96x64xi32>
    %sign3A_71 = arith.constant 0 : i32
    %sign3A_72 = arith.cmpi sgt, %jit3A_59, %sign3A_71 : i32
    %sign3A_73 = arith.extui %sign3A_72 : i1 to i32
    %sign3A_74 = arith.constant 0 : i32
    %sign3A_75 = arith.cmpi slt, %jit3A_59, %sign3A_74 : i32
    %sign3A_76 = arith.extui %sign3A_75 : i1 to i32
    %sign3A_77 = arith.subi %sign3A_73, %sign3A_76 : i32
    %ne3A_78 = vector.broadcast %sign3A_77 : i32 to vector<96x64xi32>
    %ne3A_79 = arith.cmpi ne, %sign3A_70, %ne3A_78 : vector<96x64xi32>
    %rem3A_80 = vector.broadcast %jit3A_59 : i32 to vector<96x64xi32>
    %rem3A_81 = arith.remsi %iota3A, %rem3A_80 : vector<96x64xi32>
    %ne3A_82 = arith.constant 0 : i32
    %ne3A_83 = vector.broadcast %ne3A_82 : i32 to vector<96x64xi32>
    %ne3A_84 = arith.cmpi ne, %rem3A_81, %ne3A_83 : vector<96x64xi32>
    %and3A_85 = arith.andi %ne3A_79, %ne3A_84 : vector<96x64xi1>
    %sub3A_86 = arith.constant 1 : i32
    %sub3A_87 = vector.broadcast %sub3A_86 : i32 to vector<96x64xi32>
    %sub3A_88 = arith.subi %div3A_61, %sub3A_87 : vector<96x64xi32>
    %select_n3A_89 = arith.select %and3A_85, %sub3A_88, %div3A_61 : vector<96x64xi1>, vector<96x64xi32>
    %jit3A_90 = arith.constant 3 : i32
    %eq3A_91 = arith.constant 0 : i32
    %eq3A_92 = arith.cmpi eq, %jit3A_90, %eq3A_91 : i32
    %jit3A_93 = arith.constant 1 : i32
    %select_n3A_94 = arith.select %eq3A_92, %jit3A_93, %jit3A_90 : i32
    %rem3A_95 = vector.broadcast %select_n3A_94 : i32 to vector<96x64xi32>
    %rem3A_96 = arith.remsi %select_n3A_89, %rem3A_95 : vector<96x64xi32>
    %ne3A_97 = arith.constant 0 : i32
    %ne3A_98 = vector.broadcast %ne3A_97 : i32 to vector<96x64xi32>
    %ne3A_99 = arith.cmpi ne, %rem3A_96, %ne3A_98 : vector<96x64xi32>
    %lt3A_100 = arith.constant 0 : i32
    %lt3A_101 = vector.broadcast %lt3A_100 : i32 to vector<96x64xi32>
    %lt3A_102 = arith.cmpi slt, %rem3A_96, %lt3A_101 : vector<96x64xi32>
    %lt3A_103 = arith.constant 0 : i32
    %lt3A_104 = arith.cmpi slt, %select_n3A_94, %lt3A_103 : i32
    %ne3A_105 = vector.broadcast %lt3A_104 : i1 to vector<96x64xi1>
    %ne3A_106 = vector.broadcast %ne3A_105 : vector<96x64xi1> to vector<96x64xi1>
    %ne3A_107 = arith.xori %lt3A_102, %ne3A_106 : vector<96x64xi1>
    %and3A_108 = arith.andi %ne3A_107, %ne3A_99 : vector<96x64xi1>
    %add3A_109 = vector.broadcast %select_n3A_94 : i32 to vector<96x64xi32>
    %add3A_110 = arith.addi %rem3A_96, %add3A_109 : vector<96x64xi32>
    %select_n3A_111 = arith.select %and3A_108, %add3A_110, %rem3A_96 : vector<96x64xi1>, vector<96x64xi32>
    %eq3A_112 = arith.constant 0 : i32
    %eq3A_113 = vector.broadcast %eq3A_112 : i32 to vector<96x64xi32>
    %eq3A_114 = arith.cmpi eq, %select_n3A_111, %eq3A_113 : vector<96x64xi32>
    %eq3A_115 = arith.constant 1 : i32
    %eq3A_116 = vector.broadcast %eq3A_115 : i32 to vector<96x64xi32>
    %eq3A_117 = arith.cmpi eq, %select_n3A_111, %eq3A_116 : vector<96x64xi32>
    %select_n3A_118 = arith.select %eq3A_117, %broadcast_in_dim3A_5, %broadcast_in_dim3A_8 : vector<96x64xi1>, vector<96x64xf32>
    %select_n3A_119 = arith.select %eq3A_114, %broadcast_in_dim3A_2, %select_n3A_118 : vector<96x64xi1>, vector<96x64xf32>
    %jit3A_120 = arith.constant 3 : i32
    %div3A_121 = vector.broadcast %jit3A_120 : i32 to vector<96x64xi32>
    %div3A_122 = arith.divsi %iota3A, %div3A_121 : vector<96x64xi32>
    %sign3A_123 = arith.constant 0 : i32
    %sign3A_124 = vector.broadcast %sign3A_123 : i32 to vector<96x64xi32>
    %sign3A_125 = arith.cmpi sgt, %iota3A, %sign3A_124 : vector<96x64xi32>
    %sign3A_126 = arith.extui %sign3A_125 : vector<96x64xi1> to vector<96x64xi32>
    %sign3A_127 = arith.constant 0 : i32
    %sign3A_128 = vector.broadcast %sign3A_127 : i32 to vector<96x64xi32>
    %sign3A_129 = arith.cmpi slt, %iota3A, %sign3A_128 : vector<96x64xi32>
    %sign3A_130 = arith.extui %sign3A_129 : vector<96x64xi1> to vector<96x64xi32>
    %sign3A_131 = arith.subi %sign3A_126, %sign3A_130 : vector<96x64xi32>
    %sign3A_132 = arith.constant 0 : i32
    %sign3A_133 = arith.cmpi sgt, %jit3A_120, %sign3A_132 : i32
    %sign3A_134 = arith.extui %sign3A_133 : i1 to i32
    %sign3A_135 = arith.constant 0 : i32
    %sign3A_136 = arith.cmpi slt, %jit3A_120, %sign3A_135 : i32
    %sign3A_137 = arith.extui %sign3A_136 : i1 to i32
    %sign3A_138 = arith.subi %sign3A_134, %sign3A_137 : i32
    %ne3A_139 = vector.broadcast %sign3A_138 : i32 to vector<96x64xi32>
    %ne3A_140 = arith.cmpi ne, %sign3A_131, %ne3A_139 : vector<96x64xi32>
    %rem3A_141 = vector.broadcast %jit3A_120 : i32 to vector<96x64xi32>
    %rem3A_142 = arith.remsi %iota3A, %rem3A_141 : vector<96x64xi32>
    %ne3A_143 = arith.constant 0 : i32
    %ne3A_144 = vector.broadcast %ne3A_143 : i32 to vector<96x64xi32>
    %ne3A_145 = arith.cmpi ne, %rem3A_142, %ne3A_144 : vector<96x64xi32>
    %and3A_146 = arith.andi %ne3A_140, %ne3A_145 : vector<96x64xi1>
    %sub3A_147 = arith.constant 1 : i32
    %sub3A_148 = vector.broadcast %sub3A_147 : i32 to vector<96x64xi32>
    %sub3A_149 = arith.subi %div3A_122, %sub3A_148 : vector<96x64xi32>
    %select_n3A_150 = arith.select %and3A_146, %sub3A_149, %div3A_122 : vector<96x64xi1>, vector<96x64xi32>
    %jit3A_151 = arith.constant 3 : i32
    %eq3A_152 = arith.constant 0 : i32
    %eq3A_153 = arith.cmpi eq, %jit3A_151, %eq3A_152 : i32
    %jit3A_154 = arith.constant 1 : i32
    %select_n3A_155 = arith.select %eq3A_153, %jit3A_154, %jit3A_151 : i32
    %rem3A_156 = vector.broadcast %select_n3A_155 : i32 to vector<96x64xi32>
    %rem3A_157 = arith.remsi %select_n3A_150, %rem3A_156 : vector<96x64xi32>
    %ne3A_158 = arith.constant 0 : i32
    %ne3A_159 = vector.broadcast %ne3A_158 : i32 to vector<96x64xi32>
    %ne3A_160 = arith.cmpi ne, %rem3A_157, %ne3A_159 : vector<96x64xi32>
    %lt3A_161 = arith.constant 0 : i32
    %lt3A_162 = vector.broadcast %lt3A_161 : i32 to vector<96x64xi32>
    %lt3A_163 = arith.cmpi slt, %rem3A_157, %lt3A_162 : vector<96x64xi32>
    %lt3A_164 = arith.constant 0 : i32
    %lt3A_165 = arith.cmpi slt, %select_n3A_155, %lt3A_164 : i32
    %ne3A_166 = vector.broadcast %lt3A_165 : i1 to vector<96x64xi1>
    %ne3A_167 = vector.broadcast %ne3A_166 : vector<96x64xi1> to vector<96x64xi1>
    %ne3A_168 = arith.xori %lt3A_163, %ne3A_167 : vector<96x64xi1>
    %and3A_169 = arith.andi %ne3A_168, %ne3A_160 : vector<96x64xi1>
    %add3A_170 = vector.broadcast %select_n3A_155 : i32 to vector<96x64xi32>
    %add3A_171 = arith.addi %rem3A_157, %add3A_170 : vector<96x64xi32>
    %select_n3A_172 = arith.select %and3A_169, %add3A_171, %rem3A_157 : vector<96x64xi1>, vector<96x64xi32>
    %eq3A_173 = arith.constant 0 : i32
    %eq3A_174 = vector.broadcast %eq3A_173 : i32 to vector<96x64xi32>
    %eq3A_175 = arith.cmpi eq, %select_n3A_172, %eq3A_174 : vector<96x64xi32>
    %eq3A_176 = arith.constant 1 : i32
    %eq3A_177 = vector.broadcast %eq3A_176 : i32 to vector<96x64xi32>
    %eq3A_178 = arith.cmpi eq, %select_n3A_172, %eq3A_177 : vector<96x64xi32>
    %select_n3A_179 = arith.select %eq3A_178, %broadcast_in_dim3A_5, %broadcast_in_dim3A_8 : vector<96x64xi1>, vector<96x64xf32>
    %select_n3A_180 = arith.select %eq3A_175, %broadcast_in_dim3A_2, %select_n3A_179 : vector<96x64xi1>, vector<96x64xf32>
    %jit3A_181 = arith.constant 1 : i32
    %div3A_182 = vector.broadcast %jit3A_181 : i32 to vector<96x64xi32>
    %div3A_183 = arith.divsi %iota3A, %div3A_182 : vector<96x64xi32>
    %sign3A_184 = arith.constant 0 : i32
    %sign3A_185 = vector.broadcast %sign3A_184 : i32 to vector<96x64xi32>
    %sign3A_186 = arith.cmpi sgt, %iota3A, %sign3A_185 : vector<96x64xi32>
    %sign3A_187 = arith.extui %sign3A_186 : vector<96x64xi1> to vector<96x64xi32>
    %sign3A_188 = arith.constant 0 : i32
    %sign3A_189 = vector.broadcast %sign3A_188 : i32 to vector<96x64xi32>
    %sign3A_190 = arith.cmpi slt, %iota3A, %sign3A_189 : vector<96x64xi32>
    %sign3A_191 = arith.extui %sign3A_190 : vector<96x64xi1> to vector<96x64xi32>
    %sign3A_192 = arith.subi %sign3A_187, %sign3A_191 : vector<96x64xi32>
    %sign3A_193 = arith.constant 0 : i32
    %sign3A_194 = arith.cmpi sgt, %jit3A_181, %sign3A_193 : i32
    %sign3A_195 = arith.extui %sign3A_194 : i1 to i32
    %sign3A_196 = arith.constant 0 : i32
    %sign3A_197 = arith.cmpi slt, %jit3A_181, %sign3A_196 : i32
    %sign3A_198 = arith.extui %sign3A_197 : i1 to i32
    %sign3A_199 = arith.subi %sign3A_195, %sign3A_198 : i32
    %ne3A_200 = vector.broadcast %sign3A_199 : i32 to vector<96x64xi32>
    %ne3A_201 = arith.cmpi ne, %sign3A_192, %ne3A_200 : vector<96x64xi32>
    %rem3A_202 = vector.broadcast %jit3A_181 : i32 to vector<96x64xi32>
    %rem3A_203 = arith.remsi %iota3A, %rem3A_202 : vector<96x64xi32>
    %ne3A_204 = arith.constant 0 : i32
    %ne3A_205 = vector.broadcast %ne3A_204 : i32 to vector<96x64xi32>
    %ne3A_206 = arith.cmpi ne, %rem3A_203, %ne3A_205 : vector<96x64xi32>
    %and3A_207 = arith.andi %ne3A_201, %ne3A_206 : vector<96x64xi1>
    %sub3A_208 = arith.constant 1 : i32
    %sub3A_209 = vector.broadcast %sub3A_208 : i32 to vector<96x64xi32>
    %sub3A_210 = arith.subi %div3A_183, %sub3A_209 : vector<96x64xi32>
    %select_n3A_211 = arith.select %and3A_207, %sub3A_210, %div3A_183 : vector<96x64xi1>, vector<96x64xi32>
    %jit3A_212 = arith.constant 3 : i32
    %eq3A_213 = arith.constant 0 : i32
    %eq3A_214 = arith.cmpi eq, %jit3A_212, %eq3A_213 : i32
    %jit3A_215 = arith.constant 1 : i32
    %select_n3A_216 = arith.select %eq3A_214, %jit3A_215, %jit3A_212 : i32
    %rem3A_217 = vector.broadcast %select_n3A_216 : i32 to vector<96x64xi32>
    %rem3A_218 = arith.remsi %select_n3A_211, %rem3A_217 : vector<96x64xi32>
    %ne3A_219 = arith.constant 0 : i32
    %ne3A_220 = vector.broadcast %ne3A_219 : i32 to vector<96x64xi32>
    %ne3A_221 = arith.cmpi ne, %rem3A_218, %ne3A_220 : vector<96x64xi32>
    %lt3A_222 = arith.constant 0 : i32
    %lt3A_223 = vector.broadcast %lt3A_222 : i32 to vector<96x64xi32>
    %lt3A_224 = arith.cmpi slt, %rem3A_218, %lt3A_223 : vector<96x64xi32>
    %lt3A_225 = arith.constant 0 : i32
    %lt3A_226 = arith.cmpi slt, %select_n3A_216, %lt3A_225 : i32
    %ne3A_227 = vector.broadcast %lt3A_226 : i1 to vector<96x64xi1>
    %ne3A_228 = vector.broadcast %ne3A_227 : vector<96x64xi1> to vector<96x64xi1>
    %ne3A_229 = arith.xori %lt3A_224, %ne3A_228 : vector<96x64xi1>
    %and3A_230 = arith.andi %ne3A_229, %ne3A_221 : vector<96x64xi1>
    %add3A_231 = vector.broadcast %select_n3A_216 : i32 to vector<96x64xi32>
    %add3A_232 = arith.addi %rem3A_218, %add3A_231 : vector<96x64xi32>
    %select_n3A_233 = arith.select %and3A_230, %add3A_232, %rem3A_218 : vector<96x64xi1>, vector<96x64xi32>
    %eq3A_234 = arith.constant 0 : i32
    %eq3A_235 = vector.broadcast %eq3A_234 : i32 to vector<96x64xi32>
    %eq3A_236 = arith.cmpi eq, %select_n3A_233, %eq3A_235 : vector<96x64xi32>
    %eq3A_237 = arith.constant 1 : i32
    %eq3A_238 = vector.broadcast %eq3A_237 : i32 to vector<96x64xi32>
    %eq3A_239 = arith.cmpi eq, %select_n3A_233, %eq3A_238 : vector<96x64xi32>
    %select_n3A_240 = arith.select %eq3A_239, %broadcast_in_dim3A_5, %broadcast_in_dim3A_8 : vector<96x64xi1>, vector<96x64xf32>
    %select_n3A_241 = arith.select %eq3A_236, %broadcast_in_dim3A_2, %select_n3A_240 : vector<96x64xi1>, vector<96x64xf32>
    %concatenate3A = tpu.concatenate %select_n3A_58, %select_n3A_119, %select_n3A_180, %select_n3A_241 in 1 : vector<96x64xf32>, vector<96x64xf32>, vector<96x64xf32>, vector<96x64xf32> -> vector<96x256xf32>
    %swap3A = arith.constant 0 : index
    %swap3A_242 = arith.constant 0 : index
    %swap3A_243 = vector.load %arg2[%swap3A, %swap3A_242] : memref<96x256xf32, #tpu.memory_space<vmem>>, vector<96x256xf32>
    tpu.vector_store %arg2[%swap3A, %swap3A_242], %concatenate3A {strides = array<i32>} : memref<96x256xf32, #tpu.memory_space<vmem>>, vector<96x256xf32>,
    return
  }
  func.func @transform_0(%arg0: i32) -> (i32, i32) {
    %c0_i32 = arith.constant 0 : i32
    %c0_i32_0 = arith.constant 0 : i32
    %c0_i32_1 = arith.constant 0 : i32
    return %c0_i32, %c0_i32_0 : i32, i32
  }
  func.func @transform_1(%arg0: i32) -> (i32, i32) {
    %c0_i32 = arith.constant 0 : i32
    %c0_i32_0 = arith.constant 0 : i32
    return %arg0, %c0_i32 : i32, i32
  }
}

</mosaic_0001>

<sc_bundles>
// kernel: kernel.4.cloned.1.call-start
scs
__scs_entry_jumppad:
0x0: {  	(pc) =	sbr.rel $0x88, $3  }
0x1: {  	(tag) =	ssettag $0x0;
	lr =	simm.s32 $0x1  }
0x2: {  	[smem:$0x3F9F] =	sst lr;
	_ =	strace $0xD0000000  }
0x3: {  	_ = 	snop  }
0x4: {  	_ = 	snop  }
0x5: {  	_ = 	snop  }
0x6: {  	_ = 	snop  }
0x7: {  	_ = 	snop  }
__scs_overlays_trampoline_lowered:
0x8: {  	[smem:$0x3FAE] =	sst s0  }
0x9: {  	[smem:$0x3FAF] =	sst s1  }
0xa: {  	[smem:$0x3FB0] =	sst s2  }
0xb: {  	[smem:$0x3FB1] =	sst s3  }
0xc: {  	[smem:$0x3FB2] =	sst s4  }
0xd: {  	[smem:$0x3FB3] =	sst s5  }
0xe: {  	[smem:$0x3FB4] =	sst s6  }
0xf: {  	[smem:$0x3FB5] =	sst s7  }
0x10: {  	[smem:$0x3FB6] =	sst s8  }
0x11: {  	[smem:$0x3FB7] =	sst s9;
	s0 =	simm.s32 @!p0 $0x0  }
0x12: {  	s1 =	sld [smem:$0x3F9D];
	s0 =	simm.s32 @p0 $0x1  }
0x13: {  	[smem:$0x3FB8] =	sst s0;
	s0 =	simm.s32 @!p1 $0x0  }
0x14: {  	s2 =	sld [smem:$0x3F9C];
	s0 =	simm.s32 @p1 $0x1  }
0x15: {  	[smem:$0x3FB9] =	sst s0;
	s0 =	simm.s32 @!p2 $0x0  }
0x16: {  	s3 =	sld [smem:$0x3FDB];
	s0 =	simm.s32 @p2 $0x1  }
0x17: {  	s4 =	simm.s32 $0x1BF5;
	[smem:$0x3FBB] =	sst s0  }
0x18: {  	s0 =	sld [smem:$0x3F9E];
	_ =	swait.ge [sflag:s4], $0x0  }
0x19: {  	s7 =	sld [smem:$0x3F9F]  }
0x1a: {  	s8 =	sadd.s32 $0xFFFFE003, lr  }
0x1b: {  	s9 =	sadd.s32 $0xFFFFFEF7, lr;
	s5 =	simm.s32 $0xFFFFFFFF;
	p2 =	slt.u32 s8, $0xFFFFF086  }
0x1c: {  	p1 =	slt.u32 s9, $0xF7A;
	s5 =	simm.s32 @!p2 $0x0  }
0x1d: {  	s5 =	simm.s32 @p1 $0x1;
	p0 =	seq.s32 s7, s2  }
0x1e: {  	s7 =	smul.u32 @!p0 $0xF7A, s2;
	p2 =	seq.s32 @!p0 s5, $0x0  }
0x1f: {  	s9 =	smul.u32 $0xF7A, s1;
	s8 =	simm.s32 @!p0 $0x1BF5;
	p2 =	por !p2, p0  }
0x20: {  	[sflag:s8] =	ssyncset.s32 @!p0 $0xFFFFF086;
	s6 =	sadd.s32 @!p0 s3, s7;
	s7 =	simm.s32 @!p0 $0x108  }
0x21: {  	s3 =	sadd.s32 s3, s9;
	s6 =	sadd.s32 @!p0 $0x88, s6;
	s7 =	simm.s32 @p2 $0x1082  }
0x22: {  	[simem:s7], [sflag:s8] =	dma.local @!p0 [hbm:s6], $0xF7A  }
0x23: {  	s9 =	sor.u32 $0xD0000000, s2;
	s6 =	simm.s32 $0x108;
	_ =	swait.ge @!p0 [sflag:s8], $0x0  }
0x24: {  	s3 =	sadd.s32 $0x88, s3;
	s6 =	simm.s32 @!p1 $0x1082;
	[sflag:s4] =	ssyncset.s32 $0xFFFFF086  }
0x25: {  	[simem:s6], [sflag:s4] =	dma.local [hbm:s3], $0xF7A  }
0x26: {  	[smem:$0x3F9F] =	sst s1;
	(tag) =	ssettag s2;
	_ =	strace s9  }
0x27: {  	s1 =	sld [smem:$0x3FAF]  }
0x28: {  	s2 =	sld [smem:$0x3FB0]  }
0x29: {  	s4 =	sld [smem:$0x3FB2]  }
0x2a: {  	p0 =	seq.s32 s5, $0x0;
	s5 =	sld [smem:$0x3FB3]  }
0x2b: {  	s6 =	sld [smem:$0x3FB4]  }
0x2c: {  	s7 =	sld [smem:$0x3FB5]  }
0x2d: {  	s3 =	simm.s32 $0x108;
	s8 =	sld [smem:$0x3FB6]  }
0x2e: {  	s3 =	simm.s32 @!p0 $0x1082;
	s9 =	sld [smem:$0x3FB7]  }
0x2f: {  	lr =	sadd.s32 s0, s3;
	s0 =	sld [smem:$0x3FAE]  }
0x30: {  	s3 =	sld [smem:$0x3FB1]  }
0x31: {  	[smem:$0x3FBA] =	sst s10  }
0x32: {  	s10 =	sld [smem:$0x3FB8];
	_ =	sdelay $0x3  }
0x33: {  	p0 =	seq.s32 s10, $0x1;
	s10 =	sld [smem:$0x3FBA];
	_ =	sdelay $0x3  }
0x34: {  	[smem:$0x3FBA] =	sst s10  }
0x35: {  	s10 =	sld [smem:$0x3FB9];
	_ =	sdelay $0x3  }
0x36: {  	p1 =	seq.s32 s10, $0x1;
	s10 =	sld [smem:$0x3FBA];
	_ =	sdelay $0x3  }
0x37: {  	[smem:$0x3FBA] =	sst s10  }
0x38: {  	s10 =	sld [smem:$0x3FBB]  }
0x39: {  	_ = 	snop;
	(pc) =	sbr.ind lr, $3  }
0x3a: {  	_ = 	snop  }
0x3b: {  	_ = 	snop  }
0x3c: {  	p2 =	seq.s32 s10, $0x1;
	s10 =	sld [smem:$0x3FBA]  }
0x3d: {  	_ =	shalt  }
0x3e: {  	_ =	shalt  }
0x3f: {  	_ =	shalt  }
0x40: {  	_ =	shalt  }
0x41: {  	_ =	shalt  }
0x42: {  	_ =	shalt  }
0x43: {  	_ =	shalt  }
0x44: {  	_ =	shalt  }
0x45: {  	_ =	shalt  }
0x46: {  	_ =	shalt  }
0x47: {  	_ =	shalt  }
0x48: {  	_ =	shalt  }
0x49: {  	_ =	shalt  }
0x4a: {  	_ =	shalt  }
0x4b: {  	_ =	shalt  }
0x4c: {  	_ =	shalt  }
0x4d: {  	_ =	shalt  }
0x4e: {  	_ =	shalt  }
0x4f: {  	_ =	shalt  }
0x50: {  	_ =	shalt  }
0x51: {  	_ =	shalt  }
0x52: {  	_ =	shalt  }
0x53: {  	_ =	shalt  }
0x54: {  	_ =	shalt  }
0x55: {  	_ =	shalt  }
0x56: {  	_ =	shalt  }
0x57: {  	_ =	shalt  }
0x58: {  	_ =	shalt  }
0x59: {  	_ =	shalt  }
0x5a: {  	_ =	shalt  }
0x5b: {  	_ =	shalt  }
0x5c: {  	_ =	shalt  }
0x5d: {  	_ =	shalt  }
0x5e: {  	_ =	shalt  }
0x5f: {  	_ =	shalt  }
0x60: {  	_ =	shalt  }
0x61: {  	_ =	shalt  }
0x62: {  	_ =	shalt  }
0x63: {  	_ =	shalt  }
0x64: {  	_ =	shalt  }
0x65: {  	_ =	shalt  }
0x66: {  	_ =	shalt  }
0x67: {  	_ =	shalt  }
0x68: {  	_ =	shalt  }
0x69: {  	_ =	shalt  }
0x6a: {  	_ =	shalt  }
0x6b: {  	_ =	shalt  }
0x6c: {  	_ =	shalt  }
0x6d: {  	_ =	shalt  }
0x6e: {  	_ =	shalt  }
0x6f: {  	_ =	shalt  }
0x70: {  	_ =	shalt  }
0x71: {  	_ =	shalt  }
0x72: {  	_ =	shalt  }
0x73: {  	_ =	shalt  }
0x74: {  	_ =	shalt  }
0x75: {  	_ =	shalt  }
0x76: {  	_ =	shalt  }
0x77: {  	_ =	shalt  }
0x78: {  	_ =	shalt  }
0x79: {  	_ =	shalt  }
0x7a: {  	_ =	shalt  }
0x7b: {  	_ =	shalt  }
0x7c: {  	_ =	shalt  }
0x7d: {  	_ =	shalt  }
0x7e: {  	_ =	shalt  }
0x7f: {  	_ =	shalt  }
0x80: {  	_ =	shalt  }
0x81: {  	_ =	shalt  }
0x82: {  	_ =	shalt  }
0x83: {  	_ =	shalt  }
0x84: {  	_ =	shalt  }
0x85: {  	_ =	shalt  }
0x86: {  	_ =	shalt  }
0x87: {  	_ =	shalt  }
.Lfunc_end0:
.L_simem_size_0:
called_computation.1_lowered:
.L_overlay_start_0:
0x88: {  	s2 =	sld [smem:$0x3FD9]  }
0x89: {  	s3 =	sld [smem:$0x3FFE];
	_ =	sdelay $0x1  }
0x8a: {  	s1 =	srdreg.scid  }
0x8b: {  	s0 =	sand.u32 $0x1, s1  }
0x8c: {  	s17 =	sshll.u32 s0, $0xA;
	s2 =	sadd.s32 s3, s2  }
0x8d: {  	s2 =	sadd.s32 s2, s17  }
0x8e: {  	[smem:$0x3FC6] =	sst s2  }
0x8f: {  	_ = 	snop  }
0x90: {  	s2 =	sld [smem:$0x3FD0];
	(tm) =	ssettm $0x1  }
0x91: {  	s18 =	sld [smem:$0x3FFB];
	_ =	sdelay $0x3  }
0x92: {  	_ =	strace s18  }
0x93: {  	s3 =	sld [smem:$0x3FFC];
	_ =	sdelay $0x3  }
0x94: {  	_ =	strace s3  }
0x95: {  	s3 =	sld [smem:$0x3FFD];
	_ =	sdelay $0x3  }
0x96: {  	_ =	strace s3  }
0x97: {  	_ =	strace $0x8FFFFFFF  }
0x98: {  	s19 =	sld [smem:$0x3FDB];
	_ =	sdelay $0x1  }
0x99: {  	s4 =	simm.s32 $_scs_section_size  }
0x9a: {  	s5 =	simm.s32 $_size__tile_overlayer_lowered;
	s6 =	simm.s32 $_tile_overlayer_lowered  }
0x9b: {  	s22 =	simm.s32 $0x1BFF;
	s21 =	sshll.u32 s6, $0x1;
	s3 =	sadd.s32 s4, s19  }
0x9c: {  	s7 =	simm.s32 $0x0;
	s20 =	sshll.u32 s5, $0x1;
	s5 =	sadd.s32 s21, s3  }
0x9d: {  	[timem:s7], [sflag:s22] =	dma.local [hbm:s5], s20  }
0x9e: {  	_ =	swait.ge [sflag:s22], s20  }
0x9f: {  	s4 =	ssub.s32 $0x0, s20;
	[sflag:s22] =	ssyncset.done $0x0  }
0xa0: {  	[sflag:s22] =	ssyncadd.s32 s4;
	_ =	sdelay $0x1  }
0xa1: {  	s23 =	simm.s32 $0x1B8B  }
0xa2: {  	_ =	swait.ge [sflag:s23], $0x1  }
0xa3: {  	[sflag:s23] =	ssyncset.done $0x0  }
0xa4: {  	s25 =	simm.s32 $0x1B8E;
	s24 =	sld [smem:$0x3FFE];
	[sflag:s23] =	ssyncadd.s32 $0xFFFFFFFF  }
0xa5: {  	s26 =	simm.s32 $execute0_lowered;
	[smem:$0x3FD2] =	sst s25  }
0xa6: {  	s5 =	sshll.u32 s26, $0x1;
	_ =	strace $0x80000046;
	[dreg:$0x1] =	wrdreg $0xFFFFFFFF  }
0xa7: {  	s28 =	simm.s32 $_size_execute0_lowered;
	s3 =	sadd.s32 s3, s5;
	[dreg:$0x0] =	wrdreg $0x0  }
0xa8: {  	s5 =	sshll.u32 s28, $0x1;
	[dreg:$0x2] =	wrdreg s3  }
0xa9: {  	[dreg:$0x3] =	wrdreg s5  }
0xaa: {  	[dreg:$0x4] =	wrdreg $0xC0  }
0xab: {  	_ =	task [dreg:s7], $0x5FFFF  }
0xac: {  	[dreg:$0x1] =	wrdreg $0xFFFFFFFF  }
0xad: {  	[dreg:$0x0] =	wrdreg $0x60  }
0xae: {  	[dreg:$0x2] =	wrdreg s24  }
0xaf: {  	[dreg:$0x3] =	wrdreg s2  }
0xb0: {  	[dreg:$0x4] =	wrdreg $0x9  }
0xb1: {  	_ =	task.clear_ibuf [dreg:s7], $0x5FFFF;
	_ =	strace $0x90000046  }
0xb2: {  	s29 =	simm.s32 $0x9;
	_ =	strace $0x80000048  }
0xb3: {  	_ =	swait.ge [sflag:s29], $0x1  }
0xb4: {  	[sflag:s29] =	ssyncadd.s32 $0xFFFFFFFF  }
0xb5: {  	_ =	strace $0x90000048  }
0xb6: {  	_ =	sfence  }
0xb7: {  	s30 =	sld [smem:$0x0];
	_ =	sdelay $0x2  }
0xb8: {  	s31 =	sshll.u32 s1, $0xD;
	s1 =	sshrl.u32 s1, $0x2  }
0xb9: {  	s3 =	sand.u32 $0x4000, s31;
	s1 =	sadd.s32 s1, s30  }
0xba: {  	s0 =	sor.u32 s3, s0;
	s1 =	sshll.u32 s1, $0x11  }
0xbb: {  	s0 =	sor.u32 s1, s0  }
0xbc: {  	s0 =	sadd.s32 $0x8F2B, s0  }
0xbd: {  	[sflag:s0] =	ssyncadd.remote.s32 $0x1  }
0xbe: {  	_ =	sfence.sel $0xFFFF  }
0xbf: {  	[dreg:$0x0] =	wrdreg $0xFFFFFFFF;
	(pc) =	sbr.abs _section_cstart, $3  }
0xc0: {  	[dreg:$0x1] =	wrdreg $0xFFFFFFFF  }
0xc1: {  	_ =	task.clear_ibuf [dreg:s7], $0x2FFFF;
	_ =	strace $0x9FFFFFFF  }
0xc2: {  	(tm) =	ssettm $0x7FFFFFFF  }
0xc3: {  	_ =	shalt  }
tec
execute0_lowered:
.L_overlay_start_1:
0x0: {  	(tag) =	ssettag $0x1  }
0x1: {  	s0 =	rddreg [dreg:$0x0]  }
0x2: {  	s4 =	rddreg [dreg:$0x1]  }
0x3: {  	s1 =	srdreg.scid;
	s12 =	stileid.u32;
	s2 =	simm.s32 $0x0  }
0x4: {  	s29 =	simm.s32 $0x17300;
	s28 =	simm.s32 $0x4;
	s25 =	smul.u32 $0x3200, s12  }
0x5: {  	s30 =	simm.s32 $0x5;
	s5 =	sand.u32 $0x1, s1;
	s21 =	smul.u32 $0x64000, s12  }
0x6: {  	s31 =	simm.s32 $0x9;
	s23 =	sshll.u32 s12, $0x1;
	s14 =	smul.u32 $0x1900, s5  }
0x7: {  	s6 =	sor.u32 s5, s23;
	s24 =	ssub.s32 $0x2, s5;
	s5 =	smul.u32 $0x32000, s5  }
0x8: {  	[smem:$0x7FF] =	sst s2;
	s8 =	sadd.s32 $0xC00, s0;
	s7 =	smul.u32 $0x1900, s6  }
0x9: {  	s3 =	sadd.s32 $0x7000, s0;
	s12 =	simm.s32 $0x11B00;
	s1 =	smul.u32 $0x60, s6  }
0xa: {  	_ =	strace $0x80000047;
	s10 =	smul.u32 $0x32000, s6;
	s11 =	sshrl.u32 s24, $0x1  }
0xb: {  	s6 =	smul.u32 $0x190000, s6;
	s0 =	ssub.s32 s24, s11;
	s11 =	simm.s32 $0x11300  }
0xc: {  	s9 =	sshrl.u32 s7, $0x3;
	s10 =	sadd.s32 s4, s10;
	s7 =	sadd.s32 $0x1880, s7  }
0xd: {  	s6 =	sshrl.u32 s6, $0x3;
	s0 =	smax.u32 s0, $0x1;
	[dreg:$0xa] =	wrdreg s10  }
0xe: {  	v0 =	vmov s1;
	s1 =	simm.s32 $0x7;
	s13 =	sadd.s32 s8, s9;
	[dreg:$0x10] =	wrdreg s0  }
0xf: {  	s15 =	sshrl.u32 s7, $0x3;
	s9 =	sadd.s32 $0x10, s13;
	[dreg:$0x6] =	wrdreg s13  }
0x10: {  	s6 =	sadd.s32 s4, s6;
	s26 =	sadd.s32 $0x20, s13;
	[dreg:$0x7] =	wrdreg s9  }
0x11: {  	s7 =	sshll.u32 s7, $0x5;
	s13 =	sadd.s32 $0x30, s13;
	[dreg:$0x8] =	wrdreg s26  }
0x12: {  	s0 =	simm.s32 $0x0;
	s10 =	sadd.s32 s8, s15;
	[dreg:$0x9] =	wrdreg s13  }
0x13: {  	s16 =	sadd.s32 $0x2E000, s6;
	s18 =	sadd.s32 $0x2F000, s6;
	[dreg:$0xb] =	wrdreg s10  }
0x14: {  	s6 =	sadd.s32 $0x30000, s6;
	s19 =	sadd.s32 s4, s7;
	[dreg:$0xc] =	wrdreg s16  }
0x15: {  	s4 =	sadd.s32 s21, s4;
	s15 =	simm.s32 $0x13B00;
	[dreg:$0xd] =	wrdreg s18  }
0x16: {  	s21 =	simm.s32 $0x15B00;
	s9 =	sadd.s32 s14, s25;
	[dreg:$0xe] =	wrdreg s6  }
0x17: {  	[dreg:$0xf] =	wrdreg s19;
	s4 =	sadd.s32 s5, s4;
	s16 =	simm.s32 $0x1  }
0x18: {  	s6 =	simm.s32 $0x2;
	s13 =	simm.s32 $0x12300;
	s14 =	simm.s32 $0x12B00  }
0x19: {  	s18 =	simm.s32 $0x14300;
	s19 =	simm.s32 $0x14B00;
	s5 =	simm.s32 $0x8  }
0x1a: {  	s17 =	sadd.s32 $0x300, s9;
	s22 =	sadd.s32 $0x280, s9;
	s9 =	sadd.s32 $0x200, s9  }
0x1b: {  	s26 =	sadd.s32 $0x2000, s4;
	s4 =	simm.s32 $0x13300;
	s10 =	sshrl.u32 s17, $0x3  }
0x1c: {  	s7 =	sshrl.u32 s22, $0x3;
	s24 =	sshrl.u32 s9, $0x3;
	[dreg:$0x11] =	wrdreg s26  }
0x1d: {  	s9 =	simm.s32 $0x100;
	s22 =	simm.s32 $0x16300;
	s17 =	simm.s32 $0x16B00  }
0x1e: {  	s26 =	simm.s32 $0x6;
	s20 =	sadd.s32 s10, s8;
	s23 =	sadd.s32 s7, s8  }
0x1f: {  	v3 =	vlaneseq.u32;
	s25 =	sadd.s32 s24, s8;
	s24 =	simm.s32 $0x3;
	[dreg:$0x3] =	wrdreg s20  }
0x20: {  	vm0 =	vmmov $0xffff;
	v2 =	vshrl.u32 v3, $0x3;
	s7 =	simm.s32 $0x10300;
	s10 =	simm.s32 $0x10B00;
	[dreg:$0x4] =	wrdreg s23  }
0x21: {  	v1 =	vand.u32 $0x7, v3;
	v3 =	vor.u32 $0x8, v3;
	v2 =	vmul.u32 $0x8, v2;
	[dreg:$0x5] =	wrdreg s25;
	s25 =	simm.s32 $0x8300;
	s20 =	simm.s32 $0x15300  }
.LBB2_1:
0x22: {  	[dreg:$0x12] =	wrdreg s0  }
0x23: {  	s8 =	rddreg [dreg:$0x6]  }
0x24: {  	[tilespmem:s2], [sflag:$0x1] =	stream.linear.gather [hbm4b:s8+s2], $0x80, $0x38;
	[tilespmem:$0x18300] =	vst v63  }
0x25: {  	_ =	swait.ge [sflag:s16], $0x80  }
0x26: {  	[sflag:s16] =	ssyncset.done $0x0  }
0x27: {  	[sflag:s16] =	ssyncadd.s32 $0xFFFFFF80  }
0x28: {  	v4 =	vld [tilespmem:$0x0];
	_ =	sdelay $0x2  }
0x29: {  	v5 =	vld [tilespmem:$0x10]  }
0x2a: {  	v6 =	vld [tilespmem:$0x20]  }
0x2b: {  	v8 =	vld [tilespmem:$0x30];
	v7 =	vadd.s32 v0, v4  }
0x2c: {  	v9 =	vld [tilespmem:$0x40];
	v10 =	vshll.u32 v7, $0x1  }
0x2d: {  	v11 =	vld [tilespmem:$0x50];
	v4 =	vand.u32 $0x7, v4;
	v10 =	vand.u32 $0xFFFFFFF0, v10  }
0x2e: {  	v43 =	vld [tilespmem:$0x60];
	v5 =	vadd.s32 v0, v5;
	[tilespmem:$0x180] =	vst v7;
	v4 =	vor.u32 v4, v10  }
0x2f: {  	v44 =	vld [tilespmem:$0x70];
	[tilespmem:$0x190] =	vst v5;
	v5 =	vadd.s32 v0, v6;
	v10 =	vperm.xlane v4, v1  }
0x30: {  	[tilespmem:$0x1A0] =	vst v5;
	v5 =	vadd.s32 v0, v8  }
0x31: {  	[tilespmem:$0x1B0] =	vst v5;
	v5 =	vadd.s32 v0, v9;
	v4 =	vperm.xlane v4, v3;
	v45 =	vadd.s32 v2, v10  }
0x32: {  	[tilespmem:$0x1C0] =	vst v5;
	v5 =	vadd.s32 v0, v11  }
0x33: {  	[tilespmem:$0x1D0] =	vst v5;
	v5 =	vadd.s32 v0, v43;
	v4 =	vadd.s32 v2, v4  }
0x34: {  	[tilespmem:$0x1E0] =	vst v5;
	v5 =	vadd.s32 v0, v44  }
0x35: {  	s23 =	simm.s32 $0x300;
	[tilespmem:$0x1F0] =	vst v5  }
0x36: {  	[tilespmem:s23], [sflag:$0x4] =	stream.indirect_vreg.gather [hbm4b:s3+s2], $0x80, v45, vm0, $0xb8;
	[tilespmem:$0x18300] =	vst v63  }
0x37: {  	s0 =	simm.s32 $0xB00  }
0x38: {  	[tilespmem:s0], [sflag:$0x4] =	stream.indirect_vreg.gather [hbm4b:s3+s2], $0x80, v4, vm0, $0xb8;
	[tilespmem:$0x18300] =	vst v63  }
0x39: {  	v4 =	vld [tilespmem:$0x190];
	_ =	sdelay $0x4  }
0x3a: {  	v5 =	vshll.u32 v4, $0x1  }
0x3b: {  	v4 =	vand.u32 $0x7, v4;
	v5 =	vand.u32 $0xFFFFFFF0, v5  }
0x3c: {  	v4 =	vor.u32 v4, v5  }
0x3d: {  	v5 =	vperm.xlane v4, v1;
	_ =	sdelay $0x1  }
0x3e: {  	v4 =	vperm.xlane v4, v3;
	v5 =	vadd.s32 v2, v5;
	_ =	sdelay $0x1  }
0x3f: {  	v4 =	vadd.s32 v2, v4;
	_ =	sdelay $0x1  }
0x40: {  	s0 =	simm.s32 $0x1300  }
0x41: {  	[tilespmem:s0], [sflag:$0x4] =	stream.indirect_vreg.gather [hbm4b:s3+s2], $0x80, v5, vm0, $0xb8;
	[tilespmem:$0x18300] =	vst v63  }
0x42: {  	s0 =	simm.s32 $0x1B00  }
0x43: {  	[tilespmem:s0], [sflag:$0x4] =	stream.indirect_vreg.gather [hbm4b:s3+s2], $0x80, v4, vm0, $0xb8;
	[tilespmem:$0x18300] =	vst v63  }
0x44: {  	v4 =	vld [tilespmem:$0x1A0];
	_ =	sdelay $0x4  }
0x45: {  	v5 =	vshll.u32 v4, $0x1  }
0x46: {  	v4 =	vand.u32 $0x7, v4;
	v5 =	vand.u32 $0xFFFFFFF0, v5  }
0x47: {  	v4 =	vor.u32 v4, v5  }
0x48: {  	v5 =	vperm.xlane v4, v1;
	_ =	sdelay $0x1  }
0x49: {  	v4 =	vperm.xlane v4, v3;
	v5 =	vadd.s32 v2, v5;
	_ =	sdelay $0x1  }
0x4a: {  	v4 =	vadd.s32 v2, v4;
	_ =	sdelay $0x1  }
0x4b: {  	s0 =	simm.s32 $0x2300  }
0x4c: {  	[tilespmem:s0], [sflag:$0x4] =	stream.indirect_vreg.gather [hbm4b:s3+s2], $0x80, v5, vm0, $0xb8;
	[tilespmem:$0x18300] =	vst v63  }
0x4d: {  	s0 =	simm.s32 $0x2B00  }
0x4e: {  	[tilespmem:s0], [sflag:$0x4] =	stream.indirect_vreg.gather [hbm4b:s3+s2], $0x80, v4, vm0, $0xb8;
	[tilespmem:$0x18300] =	vst v63  }
0x4f: {  	v4 =	vld [tilespmem:$0x1B0];
	_ =	sdelay $0x4  }
0x50: {  	v5 =	vshll.u32 v4, $0x1  }
0x51: {  	v4 =	vand.u32 $0x7, v4;
	v5 =	vand.u32 $0xFFFFFFF0, v5  }
0x52: {  	v4 =	vor.u32 v4, v5  }
0x53: {  	v5 =	vperm.xlane v4, v1;
	_ =	sdelay $0x1  }
0x54: {  	v4 =	vperm.xlane v4, v3;
	v5 =	vadd.s32 v2, v5;
	_ =	sdelay $0x1  }
0x55: {  	v4 =	vadd.s32 v2, v4;
	_ =	sdelay $0x1  }
0x56: {  	s0 =	simm.s32 $0x3300  }
0x57: {  	[tilespmem:s0], [sflag:$0x4] =	stream.indirect_vreg.gather [hbm4b:s3+s2], $0x80, v5, vm0, $0xb8;
	[tilespmem:$0x18300] =	vst v63  }
0x58: {  	s0 =	simm.s32 $0x3B00  }
0x59: {  	[tilespmem:s0], [sflag:$0x4] =	stream.indirect_vreg.gather [hbm4b:s3+s2], $0x80, v4, vm0, $0xb8;
	[tilespmem:$0x18300] =	vst v63  }
0x5a: {  	v4 =	vld [tilespmem:$0x1C0];
	_ =	sdelay $0x4  }
0x5b: {  	v5 =	vshll.u32 v4, $0x1  }
0x5c: {  	v4 =	vand.u32 $0x7, v4;
	v5 =	vand.u32 $0xFFFFFFF0, v5  }
0x5d: {  	v4 =	vor.u32 v4, v5  }
0x5e: {  	v5 =	vperm.xlane v4, v1;
	_ =	sdelay $0x1  }
0x5f: {  	v4 =	vperm.xlane v4, v3;
	v5 =	vadd.s32 v2, v5;
	_ =	sdelay $0x1  }
0x60: {  	v4 =	vadd.s32 v2, v4;
	_ =	sdelay $0x1  }
0x61: {  	s0 =	simm.s32 $0x4300  }
0x62: {  	[tilespmem:s0], [sflag:$0x4] =	stream.indirect_vreg.gather [hbm4b:s3+s2], $0x80, v5, vm0, $0xb8;
	[tilespmem:$0x18300] =	vst v63  }
0x63: {  	s0 =	simm.s32 $0x4B00  }
0x64: {  	[tilespmem:s0], [sflag:$0x4] =	stream.indirect_vreg.gather [hbm4b:s3+s2], $0x80, v4, vm0, $0xb8;
	[tilespmem:$0x18300] =	vst v63  }
0x65: {  	v4 =	vld [tilespmem:$0x1D0];
	_ =	sdelay $0x4  }
0x66: {  	v5 =	vshll.u32 v4, $0x1  }
0x67: {  	v4 =	vand.u32 $0x7, v4;
	v5 =	vand.u32 $0xFFFFFFF0, v5  }
0x68: {  	v4 =	vor.u32 v4, v5  }
0x69: {  	v5 =	vperm.xlane v4, v1;
	_ =	sdelay $0x1  }
0x6a: {  	v4 =	vperm.xlane v4, v3;
	v5 =	vadd.s32 v2, v5;
	_ =	sdelay $0x1  }
0x6b: {  	v4 =	vadd.s32 v2, v4;
	_ =	sdelay $0x1  }
0x6c: {  	s0 =	simm.s32 $0x5300  }
0x6d: {  	[tilespmem:s0], [sflag:$0x4] =	stream.indirect_vreg.gather [hbm4b:s3+s2], $0x80, v5, vm0, $0xb8;
	[tilespmem:$0x18300] =	vst v63  }
0x6e: {  	s0 =	simm.s32 $0x5B00  }
0x6f: {  	[tilespmem:s0], [sflag:$0x4] =	stream.indirect_vreg.gather [hbm4b:s3+s2], $0x80, v4, vm0, $0xb8;
	[tilespmem:$0x18300] =	vst v63  }
0x70: {  	v4 =	vld [tilespmem:$0x1E0];
	_ =	sdelay $0x4  }
0x71: {  	v5 =	vshll.u32 v4, $0x1  }
0x72: {  	v4 =	vand.u32 $0x7, v4;
	v5 =	vand.u32 $0xFFFFFFF0, v5  }
0x73: {  	v4 =	vor.u32 v4, v5  }
0x74: {  	v5 =	vperm.xlane v4, v1;
	_ =	sdelay $0x1  }
0x75: {  	v4 =	vperm.xlane v4, v3;
	v5 =	vadd.s32 v2, v5;
	_ =	sdelay $0x1  }
0x76: {  	v4 =	vadd.s32 v2, v4;
	_ =	sdelay $0x1  }
0x77: {  	s0 =	simm.s32 $0x6300  }
0x78: {  	[tilespmem:s0], [sflag:$0x4] =	stream.indirect_vreg.gather [hbm4b:s3+s2], $0x80, v5, vm0, $0xb8;
	[tilespmem:$0x18300] =	vst v63  }
0x79: {  	s0 =	simm.s32 $0x6B00  }
0x7a: {  	[tilespmem:s0], [sflag:$0x4] =	stream.indirect_vreg.gather [hbm4b:s3+s2], $0x80, v4, vm0, $0xb8;
	[tilespmem:$0x18300] =	vst v63  }
0x7b: {  	v4 =	vld [tilespmem:$0x1F0];
	_ =	sdelay $0x4  }
0x7c: {  	v5 =	vshll.u32 v4, $0x1  }
0x7d: {  	v4 =	vand.u32 $0x7, v4;
	v5 =	vand.u32 $0xFFFFFFF0, v5  }
0x7e: {  	v4 =	vor.u32 v4, v5  }
0x7f: {  	v5 =	vperm.xlane v4, v1;
	_ =	sdelay $0x1  }
0x80: {  	v4 =	vperm.xlane v4, v3;
	v5 =	vadd.s32 v2, v5;
	_ =	sdelay $0x1  }
0x81: {  	v4 =	vadd.s32 v2, v4;
	_ =	sdelay $0x1  }
0x82: {  	s0 =	simm.s32 $0x7300  }
0x83: {  	[tilespmem:s0], [sflag:$0x4] =	stream.indirect_vreg.gather [hbm4b:s3+s2], $0x80, v5, vm0, $0xb8;
	[tilespmem:$0x18300] =	vst v63  }
0x84: {  	s0 =	simm.s32 $0x7B00  }
0x85: {  	[tilespmem:s0], [sflag:$0x4] =	stream.indirect_vreg.gather [hbm4b:s3+s2], $0x80, v4, vm0, $0xb8;
	[tilespmem:$0x18300] =	vst v63  }
0x86: {  	s8 =	rddreg [dreg:$0x7];
	s0 =	simm.s32 $0x80  }
0x87: {  	[tilespmem:s0], [sflag:$0x2] =	stream.linear.gather [hbm4b:s8+s2], $0x80, $0x38;
	[tilespmem:$0x18300] =	vst v63  }
0x88: {  	_ =	swait.ge [sflag:s6], $0x80  }
0x89: {  	[sflag:s6] =	ssyncset.done $0x0  }
0x8a: {  	[sflag:s6] =	ssyncadd.s32 $0xFFFFFF80  }
0x8b: {  	v4 =	vld [tilespmem:$0x80];
	_ =	sdelay $0x2  }
0x8c: {  	v5 =	vld [tilespmem:$0x90]  }
0x8d: {  	v46 =	vld [tilespmem:$0xA0]  }
0x8e: {  	v48 =	vld [tilespmem:$0xB0];
	v47 =	vadd.s32 v0, v4  }
0x8f: {  	v49 =	vld [tilespmem:$0xC0];
	v50 =	vshll.u32 v47, $0x1  }
0x90: {  	v51 =	vld [tilespmem:$0xD0];
	v4 =	vand.u32 $0x7, v4;
	v10 =	vand.u32 $0xFFFFFFF0, v50  }
0x91: {  	v52 =	vld [tilespmem:$0xE0];
	v5 =	vadd.s32 v0, v5;
	[tilespmem:$0x200] =	vst v47;
	v4 =	vor.u32 v4, v10  }
0x92: {  	v53 =	vld [tilespmem:$0xF0];
	[tilespmem:$0x210] =	vst v5;
	v5 =	vadd.s32 v0, v46;
	v10 =	vperm.xlane v4, v1  }
0x93: {  	[tilespmem:$0x220] =	vst v5;
	v5 =	vadd.s32 v0, v48  }
0x94: {  	[tilespmem:$0x230] =	vst v5;
	v5 =	vadd.s32 v0, v49;
	v4 =	vperm.xlane v4, v3;
	v54 =	vadd.s32 v2, v10  }
0x95: {  	[tilespmem:$0x240] =	vst v5;
	v5 =	vadd.s32 v0, v51  }
0x96: {  	[tilespmem:$0x250] =	vst v5;
	v5 =	vadd.s32 v0, v52;
	v4 =	vadd.s32 v2, v4  }
0x97: {  	[tilespmem:$0x260] =	vst v5;
	v5 =	vadd.s32 v0, v53  }
0x98: {  	[tilespmem:$0x270] =	vst v5  }
0x99: {  	[tilespmem:s25], [sflag:$0x5] =	stream.indirect_vreg.gather [hbm4b:s3+s2], $0x80, v54, vm0, $0xb8;
	[tilespmem:$0x18300] =	vst v63  }
0x9a: {  	s25 =	simm.s32 $0x8B00  }
0x9b: {  	[tilespmem:s25], [sflag:$0x5] =	stream.indirect_vreg.gather [hbm4b:s3+s2], $0x80, v4, vm0, $0xb8;
	[tilespmem:$0x18300] =	vst v63  }
0x9c: {  	v4 =	vld [tilespmem:$0x210];
	_ =	sdelay $0x4  }
0x9d: {  	v5 =	vshll.u32 v4, $0x1  }
0x9e: {  	v4 =	vand.u32 $0x7, v4;
	v5 =	vand.u32 $0xFFFFFFF0, v5  }
0x9f: {  	v4 =	vor.u32 v4, v5  }
0xa0: {  	v5 =	vperm.xlane v4, v1;
	_ =	sdelay $0x1  }
0xa1: {  	v4 =	vperm.xlane v4, v3;
	v5 =	vadd.s32 v2, v5;
	_ =	sdelay $0x1  }
0xa2: {  	v4 =	vadd.s32 v2, v4;
	_ =	sdelay $0x1  }
0xa3: {  	s8 =	simm.s32 $0x9300  }
0xa4: {  	[tilespmem:s8], [sflag:$0x5] =	stream.indirect_vreg.gather [hbm4b:s3+s2], $0x80, v5, vm0, $0xb8;
	[tilespmem:$0x18300] =	vst v63  }
0xa5: {  	s25 =	simm.s32 $0x9B00  }
0xa6: {  	[tilespmem:s25], [sflag:$0x5] =	stream.indirect_vreg.gather [hbm4b:s3+s2], $0x80, v4, vm0, $0xb8;
	[tilespmem:$0x18300] =	vst v63  }
0xa7: {  	v4 =	vld [tilespmem:$0x220];
	_ =	sdelay $0x4  }
0xa8: {  	v5 =	vshll.u32 v4, $0x1  }
0xa9: {  	v4 =	vand.u32 $0x7, v4;
	v5 =	vand.u32 $0xFFFFFFF0, v5  }
0xaa: {  	v4 =	vor.u32 v4, v5  }
0xab: {  	v5 =	vperm.xlane v4, v1;
	_ =	sdelay $0x1  }
0xac: {  	v4 =	vperm.xlane v4, v3;
	v5 =	vadd.s32 v2, v5;
	_ =	sdelay $0x1  }
0xad: {  	v4 =	vadd.s32 v2, v4;
	_ =	sdelay $0x1  }
0xae: {  	s8 =	simm.s32 $0xA300  }
0xaf: {  	[tilespmem:s8], [sflag:$0x5] =	stream.indirect_vreg.gather [hbm4b:s3+s2], $0x80, v5, vm0, $0xb8;
	[tilespmem:$0x18300] =	vst v63  }
0xb0: {  	s25 =	simm.s32 $0xAB00  }
0xb1: {  	[tilespmem:s25], [sflag:$0x5] =	stream.indirect_vreg.gather [hbm4b:s3+s2], $0x80, v4, vm0, $0xb8;
	[tilespmem:$0x18300] =	vst v63  }
0xb2: {  	v4 =	vld [tilespmem:$0x230];
	_ =	sdelay $0x4  }
0xb3: {  	v5 =	vshll.u32 v4, $0x1  }
0xb4: {  	v4 =	vand.u32 $0x7, v4;
	v5 =	vand.u32 $0xFFFFFFF0, v5  }
0xb5: {  	v4 =	vor.u32 v4, v5  }
0xb6: {  	v5 =	vperm.xlane v4, v1;
	_ =	sdelay $0x1  }
0xb7: {  	v4 =	vperm.xlane v4, v3;
	v5 =	vadd.s32 v2, v5;
	_ =	sdelay $0x1  }
0xb8: {  	v4 =	vadd.s32 v2, v4;
	_ =	sdelay $0x1  }
0xb9: {  	s8 =	simm.s32 $0xB300  }
0xba: {  	[tilespmem:s8], [sflag:$0x5] =	stream.indirect_vreg.gather [hbm4b:s3+s2], $0x80, v5, vm0, $0xb8;
	[tilespmem:$0x18300] =	vst v63  }
0xbb: {  	s25 =	simm.s32 $0xBB00  }
0xbc: {  	[tilespmem:s25], [sflag:$0x5] =	stream.indirect_vreg.gather [hbm4b:s3+s2], $0x80, v4, vm0, $0xb8;
	[tilespmem:$0x18300] =	vst v63  }
0xbd: {  	v4 =	vld [tilespmem:$0x240];
	_ =	sdelay $0x4  }
0xbe: {  	v5 =	vshll.u32 v4, $0x1  }
0xbf: {  	v4 =	vand.u32 $0x7, v4;
	v5 =	vand.u32 $0xFFFFFFF0, v5  }
0xc0: {  	v4 =	vor.u32 v4, v5  }
0xc1: {  	v5 =	vperm.xlane v4, v1;
	_ =	sdelay $0x1  }
0xc2: {  	v4 =	vperm.xlane v4, v3;
	v5 =	vadd.s32 v2, v5;
	_ =	sdelay $0x1  }
0xc3: {  	v4 =	vadd.s32 v2, v4;
	_ =	sdelay $0x1  }
0xc4: {  	s8 =	simm.s32 $0xC300  }
0xc5: {  	[tilespmem:s8], [sflag:$0x5] =	stream.indirect_vreg.gather [hbm4b:s3+s2], $0x80, v5, vm0, $0xb8;
	[tilespmem:$0x18300] =	vst v63  }
0xc6: {  	s25 =	simm.s32 $0xCB00  }
0xc7: {  	[tilespmem:s25], [sflag:$0x5] =	stream.indirect_vreg.gather [hbm4b:s3+s2], $0x80, v4, vm0, $0xb8;
	[tilespmem:$0x18300] =	vst v63  }
0xc8: {  	v4 =	vld [tilespmem:$0x250];
	_ =	sdelay $0x4  }
0xc9: {  	v5 =	vshll.u32 v4, $0x1  }
0xca: {  	v4 =	vand.u32 $0x7, v4;
	v5 =	vand.u32 $0xFFFFFFF0, v5  }
0xcb: {  	v4 =	vor.u32 v4, v5  }
0xcc: {  	v5 =	vperm.xlane v4, v1;
	_ =	sdelay $0x1  }
0xcd: {  	v4 =	vperm.xlane v4, v3;
	v5 =	vadd.s32 v2, v5;
	_ =	sdelay $0x1  }
0xce: {  	v4 =	vadd.s32 v2, v4;
	_ =	sdelay $0x1  }
0xcf: {  	s8 =	simm.s32 $0xD300  }
0xd0: {  	[tilespmem:s8], [sflag:$0x5] =	stream.indirect_vreg.gather [hbm4b:s3+s2], $0x80, v5, vm0, $0xb8;
	[tilespmem:$0x18300] =	vst v63  }
0xd1: {  	s25 =	simm.s32 $0xDB00  }
0xd2: {  	[tilespmem:s25], [sflag:$0x5] =	stream.indirect_vreg.gather [hbm4b:s3+s2], $0x80, v4, vm0, $0xb8;
	[tilespmem:$0x18300] =	vst v63  }
0xd3: {  	v4 =	vld [tilespmem:$0x260];
	_ =	sdelay $0x4  }
0xd4: {  	v5 =	vshll.u32 v4, $0x1  }
0xd5: {  	v4 =	vand.u32 $0x7, v4;
	v5 =	vand.u32 $0xFFFFFFF0, v5  }
0xd6: {  	v4 =	vor.u32 v4, v5  }
0xd7: {  	v5 =	vperm.xlane v4, v1;
	_ =	sdelay $0x1  }
0xd8: {  	v4 =	vperm.xlane v4, v3;
	v5 =	vadd.s32 v2, v5;
	_ =	sdelay $0x1  }
0xd9: {  	v4 =	vadd.s32 v2, v4;
	_ =	sdelay $0x1  }
0xda: {  	s8 =	simm.s32 $0xE300  }
0xdb: {  	[tilespmem:s8], [sflag:$0x5] =	stream.indirect_vreg.gather [hbm4b:s3+s2], $0x80, v5, vm0, $0xb8;
	[tilespmem:$0x18300] =	vst v63  }
0xdc: {  	s25 =	simm.s32 $0xEB00  }
0xdd: {  	[tilespmem:s25], [sflag:$0x5] =	stream.indirect_vreg.gather [hbm4b:s3+s2], $0x80, v4, vm0, $0xb8;
	[tilespmem:$0x18300] =	vst v63  }
0xde: {  	v4 =	vld [tilespmem:$0x270];
	_ =	sdelay $0x4  }
0xdf: {  	v5 =	vshll.u32 v4, $0x1  }
0xe0: {  	v4 =	vand.u32 $0x7, v4;
	v5 =	vand.u32 $0xFFFFFFF0, v5  }
0xe1: {  	v4 =	vor.u32 v4, v5  }
0xe2: {  	v5 =	vperm.xlane v4, v1;
	_ =	sdelay $0x1  }
0xe3: {  	v4 =	vperm.xlane v4, v3;
	v5 =	vadd.s32 v2, v5;
	_ =	sdelay $0x1  }
0xe4: {  	v4 =	vadd.s32 v2, v4;
	_ =	sdelay $0x1  }
0xe5: {  	s8 =	simm.s32 $0xF300  }
0xe6: {  	[tilespmem:s8], [sflag:$0x5] =	stream.indirect_vreg.gather [hbm4b:s3+s2], $0x80, v5, vm0, $0xb8;
	[tilespmem:$0x18300] =	vst v63  }
0xe7: {  	s25 =	simm.s32 $0xFB00  }
0xe8: {  	[tilespmem:s25], [sflag:$0x5] =	stream.indirect_vreg.gather [hbm4b:s3+s2], $0x80, v4, vm0, $0xb8;
	[tilespmem:$0x18300] =	vst v63  }
0xe9: {  	s0 =	rddreg [dreg:$0x8]  }
0xea: {  	[tilespmem:s9], [sflag:$0x3] =	stream.linear.gather [hbm4b:s0+s2], $0x80, $0x38;
	[tilespmem:$0x18300] =	vst v63  }
0xeb: {  	_ =	swait.ge [sflag:s24], $0x80  }
0xec: {  	[sflag:s24] =	ssyncset.done $0x0  }
0xed: {  	[sflag:s24] =	ssyncadd.s32 $0xFFFFFF80  }
0xee: {  	v4 =	vld [tilespmem:$0x100];
	_ =	sdelay $0x2  }
0xef: {  	v5 =	vld [tilespmem:$0x110]  }
0xf0: {  	v55 =	vld [tilespmem:$0x120]  }
0xf1: {  	v57 =	vld [tilespmem:$0x130];
	v56 =	vadd.s32 v0, v4  }
0xf2: {  	v58 =	vld [tilespmem:$0x140];
	v59 =	vshll.u32 v56, $0x1  }
0xf3: {  	v60 =	vld [tilespmem:$0x150];
	v4 =	vand.u32 $0x7, v4;
	v10 =	vand.u32 $0xFFFFFFF0, v59  }
0xf4: {  	v61 =	vld [tilespmem:$0x160];
	v5 =	vadd.s32 v0, v5;
	[tilespmem:$0x280] =	vst v56;
	v4 =	vor.u32 v4, v10  }
0xf5: {  	v62 =	vld [tilespmem:$0x170];
	[tilespmem:$0x290] =	vst v5;
	v5 =	vadd.s32 v0, v55;
	v10 =	vperm.xlane v4, v1  }
0xf6: {  	[tilespmem:$0x2A0] =	vst v5;
	v5 =	vadd.s32 v0, v57  }
0xf7: {  	[tilespmem:$0x2B0] =	vst v5;
	v5 =	vadd.s32 v0, v58;
	v4 =	vperm.xlane v4, v3;
	v63 =	vadd.s32 v2, v10  }
0xf8: {  	[tilespmem:$0x2C0] =	vst v5;
	v5 =	vadd.s32 v0, v60  }
0xf9: {  	[tilespmem:$0x2D0] =	vst v5;
	v5 =	vadd.s32 v0, v61;
	v4 =	vadd.s32 v2, v4  }
0xfa: {  	[tilespmem:$0x2E0] =	vst v5;
	v5 =	vadd.s32 v0, v62  }
0xfb: {  	[tilespmem:$0x2F0] =	vst v5  }
0xfc: {  	[tilespmem:s7], [sflag:$0x6] =	stream.indirect_vreg.gather [hbm4b:s3+s2], $0x80, v63, vm0, $0xb8;
	[tilespmem:$0x18300] =	vst v63  }
0xfd: {  	_ = 	snop  }
0xfe: {  	[tilespmem:s10], [sflag:$0x6] =	stream.indirect_vreg.gather [hbm4b:s3+s2], $0x80, v4, vm0, $0xb8;
	[tilespmem:$0x18300] =	vst v63  }
0xff: {  	v4 =	vld [tilespmem:$0x290];
	_ =	sdelay $0x4  }
0x100: {  	v5 =	vshll.u32 v4, $0x1  }
0x101: {  	v4 =	vand.u32 $0x7, v4;
	v5 =	vand.u32 $0xFFFFFFF0, v5  }
0x102: {  	v4 =	vor.u32 v4, v5  }
0x103: {  	v5 =	vperm.xlane v4, v1;
	_ =	sdelay $0x1  }
0x104: {  	v4 =	vperm.xlane v4, v3;
	v5 =	vadd.s32 v2, v5;
	_ =	sdelay $0x1  }
0x105: {  	v4 =	vadd.s32 v2, v4;
	_ =	sdelay $0x2  }
0x106: {  	[tilespmem:s11], [sflag:$0x6] =	stream.indirect_vreg.gather [hbm4b:s3+s2], $0x80, v5, vm0, $0xb8;
	[tilespmem:$0x18300] =	vst v63  }
0x107: {  	_ = 	snop  }
0x108: {  	[tilespmem:s12], [sflag:$0x6] =	stream.indirect_vreg.gather [hbm4b:s3+s2], $0x80, v4, vm0, $0xb8;
	[tilespmem:$0x18300] =	vst v63  }
0x109: {  	v4 =	vld [tilespmem:$0x2A0];
	_ =	sdelay $0x4  }
0x10a: {  	v5 =	vshll.u32 v4, $0x1  }
0x10b: {  	v4 =	vand.u32 $0x7, v4;
	v5 =	vand.u32 $0xFFFFFFF0, v5  }
0x10c: {  	v4 =	vor.u32 v4, v5  }
0x10d: {  	v5 =	vperm.xlane v4, v1;
	_ =	sdelay $0x1  }
0x10e: {  	v4 =	vperm.xlane v4, v3;
	v5 =	vadd.s32 v2, v5;
	_ =	sdelay $0x1  }
0x10f: {  	v4 =	vadd.s32 v2, v4;
	_ =	sdelay $0x2  }
0x110: {  	[tilespmem:s13], [sflag:$0x6] =	stream.indirect_vreg.gather [hbm4b:s3+s2], $0x80, v5, vm0, $0xb8;
	[tilespmem:$0x18300] =	vst v63  }
0x111: {  	_ = 	snop  }
0x112: {  	[tilespmem:s14], [sflag:$0x6] =	stream.indirect_vreg.gather [hbm4b:s3+s2], $0x80, v4, vm0, $0xb8;
	[tilespmem:$0x18300] =	vst v63  }
0x113: {  	v4 =	vld [tilespmem:$0x2B0];
	_ =	sdelay $0x4  }
0x114: {  	v5 =	vshll.u32 v4, $0x1  }
0x115: {  	v4 =	vand.u32 $0x7, v4;
	v5 =	vand.u32 $0xFFFFFFF0, v5  }
0x116: {  	v4 =	vor.u32 v4, v5  }
0x117: {  	v5 =	vperm.xlane v4, v1;
	_ =	sdelay $0x1  }
0x118: {  	v4 =	vperm.xlane v4, v3;
	v5 =	vadd.s32 v2, v5;
	_ =	sdelay $0x1  }
0x119: {  	v4 =	vadd.s32 v2, v4;
	_ =	sdelay $0x2  }
0x11a: {  	[tilespmem:s4], [sflag:$0x6] =	stream.indirect_vreg.gather [hbm4b:s3+s2], $0x80, v5, vm0, $0xb8;
	[tilespmem:$0x18300] =	vst v63  }
0x11b: {  	_ = 	snop  }
0x11c: {  	[tilespmem:s15], [sflag:$0x6] =	stream.indirect_vreg.gather [hbm4b:s3+s2], $0x80, v4, vm0, $0xb8;
	[tilespmem:$0x18300] =	vst v63  }
0x11d: {  	v4 =	vld [tilespmem:$0x2C0];
	_ =	sdelay $0x4  }
0x11e: {  	v5 =	vshll.u32 v4, $0x1  }
0x11f: {  	v4 =	vand.u32 $0x7, v4;
	v5 =	vand.u32 $0xFFFFFFF0, v5  }
0x120: {  	v4 =	vor.u32 v4, v5  }
0x121: {  	v5 =	vperm.xlane v4, v1;
	_ =	sdelay $0x1  }
0x122: {  	v4 =	vperm.xlane v4, v3;
	v5 =	vadd.s32 v2, v5;
	_ =	sdelay $0x1  }
0x123: {  	v4 =	vadd.s32 v2, v4;
	_ =	sdelay $0x2  }
0x124: {  	[tilespmem:s18], [sflag:$0x6] =	stream.indirect_vreg.gather [hbm4b:s3+s2], $0x80, v5, vm0, $0xb8;
	[tilespmem:$0x18300] =	vst v63  }
0x125: {  	_ = 	snop  }
0x126: {  	[tilespmem:s19], [sflag:$0x6] =	stream.indirect_vreg.gather [hbm4b:s3+s2], $0x80, v4, vm0, $0xb8;
	[tilespmem:$0x18300] =	vst v63  }
0x127: {  	v4 =	vld [tilespmem:$0x2D0];
	_ =	sdelay $0x4  }
0x128: {  	v5 =	vshll.u32 v4, $0x1  }
0x129: {  	v4 =	vand.u32 $0x7, v4;
	v5 =	vand.u32 $0xFFFFFFF0, v5  }
0x12a: {  	v4 =	vor.u32 v4, v5  }
0x12b: {  	v5 =	vperm.xlane v4, v1;
	_ =	sdelay $0x1  }
0x12c: {  	v4 =	vperm.xlane v4, v3;
	v5 =	vadd.s32 v2, v5;
	_ =	sdelay $0x1  }
0x12d: {  	v4 =	vadd.s32 v2, v4;
	_ =	sdelay $0x2  }
0x12e: {  	[tilespmem:s20], [sflag:$0x6] =	stream.indirect_vreg.gather [hbm4b:s3+s2], $0x80, v5, vm0, $0xb8;
	[tilespmem:$0x18300] =	vst v63  }
0x12f: {  	_ = 	snop  }
0x130: {  	[tilespmem:s21], [sflag:$0x6] =	stream.indirect_vreg.gather [hbm4b:s3+s2], $0x80, v4, vm0, $0xb8;
	[tilespmem:$0x18300] =	vst v63  }
0x131: {  	v4 =	vld [tilespmem:$0x2E0];
	_ =	sdelay $0x4  }
0x132: {  	v5 =	vshll.u32 v4, $0x1  }
0x133: {  	v4 =	vand.u32 $0x7, v4;
	v5 =	vand.u32 $0xFFFFFFF0, v5  }
0x134: {  	v4 =	vor.u32 v4, v5  }
0x135: {  	v5 =	vperm.xlane v4, v1;
	_ =	sdelay $0x1  }
0x136: {  	v4 =	vperm.xlane v4, v3;
	v5 =	vadd.s32 v2, v5;
	_ =	sdelay $0x1  }
0x137: {  	v4 =	vadd.s32 v2, v4;
	_ =	sdelay $0x2  }
0x138: {  	[tilespmem:s22], [sflag:$0x6] =	stream.indirect_vreg.gather [hbm4b:s3+s2], $0x80, v5, vm0, $0xb8;
	[tilespmem:$0x18300] =	vst v63  }
0x139: {  	_ = 	snop  }
0x13a: {  	[tilespmem:s17], [sflag:$0x6] =	stream.indirect_vreg.gather [hbm4b:s3+s2], $0x80, v4, vm0, $0xb8;
	[tilespmem:$0x18300] =	vst v63  }
0x13b: {  	v4 =	vld [tilespmem:$0x2F0];
	_ =	sdelay $0x4  }
0x13c: {  	v5 =	vshll.u32 v4, $0x1  }
0x13d: {  	v4 =	vand.u32 $0x7, v4;
	v5 =	vand.u32 $0xFFFFFFF0, v5  }
0x13e: {  	v4 =	vor.u32 v4, v5  }
0x13f: {  	v5 =	vperm.xlane v4, v1;
	_ =	sdelay $0x1  }
0x140: {  	v4 =	vperm.xlane v4, v3;
	v5 =	vadd.s32 v2, v5;
	_ =	sdelay $0x1  }
0x141: {  	v4 =	vadd.s32 v2, v4;
	_ =	sdelay $0x1  }
0x142: {  	s10 =	simm.s32 $0x100;
	s11 =	simm.s32 $0x17B00;
	s12 =	simm.s32 $0x11300  }
0x143: {  	[tilespmem:s29], [sflag:$0x6] =	stream.indirect_vreg.gather [hbm4b:s3+s2], $0x80, v5, vm0, $0xb8;
	[tilespmem:$0x18300] =	vst v63  }
0x144: {  	s13 =	simm.s32 $0x11B00;
	s14 =	simm.s32 $0x12300;
	s4 =	simm.s32 $0x13300  }
0x145: {  	[tilespmem:s11], [sflag:$0x6] =	stream.indirect_vreg.gather [hbm4b:s3+s2], $0x80, v4, vm0, $0xb8;
	[tilespmem:$0x18300] =	vst v63  }
0x146: {  	s15 =	simm.s32 $0x12B00;
	s18 =	simm.s32 $0x13B00;
	s22 =	rddreg [dreg:$0x9]  }
0x147: {  	[tilespmem:s2], [sflag:$0x1] =	stream.linear.gather [hbm4b:s22+s2], $0x80, $0x38;
	[tilespmem:$0x18300] =	vst v63  }
0x148: {  	s19 =	simm.s32 $0x14300;
	s20 =	simm.s32 $0x14B00;
	_ =	swait.ge [sflag:s28], $0x8000  }
0x149: {  	s21 =	simm.s32 $0x15300;
	s17 =	simm.s32 $0x16B00;
	[sflag:s28] =	ssyncset.done $0x0  }
0x14a: {  	s29 =	simm.s32 $0x0;
	s25 =	rddreg [dreg:$0xa];
	[sflag:s28] =	ssyncadd.s32 $0xFFFF8000  }
0x14b: {  	[hbm4b:s25+s2] =	stream.linear.scatter [tilespmem:s23], [sflag:$0x7], $0x8000, $0x38;
	[tilespmem:$0x18300] =	vst v63  }
0x14c: {  	s22 =	simm.s32 $0x15B00;
	s8 =	rddreg [dreg:$0x11];
	s23 =	simm.s32 $0x16300  }
.LBB2_2:
0x14d: {  	_ =	swait.ge [sflag:s16], $0x80  }
0x14e: {  	[sflag:s16] =	ssyncset.done $0x0  }
0x14f: {  	[sflag:s16] =	ssyncadd.s32 $0xFFFFFF80  }
0x150: {  	v4 =	vld [tilespmem:$0x0]  }
0x151: {  	v5 =	vld [tilespmem:$0x10]  }
0x152: {  	v6 =	vld [tilespmem:$0x20]  }
0x153: {  	v7 =	vld [tilespmem:$0x30]  }
0x154: {  	v8 =	vld [tilespmem:$0x40]  }
0x155: {  	v10 =	vld [tilespmem:$0x50];
	v9 =	vadd.s32 v0, v4  }
0x156: {  	v11 =	vld [tilespmem:$0x60];
	v5 =	vadd.s32 v0, v5;
	[tilespmem:$0x180] =	vst v9  }
0x157: {  	v43 =	vld [tilespmem:$0x70];
	[tilespmem:$0x190] =	vst v5;
	v5 =	vadd.s32 v0, v6;
	v9 =	vshll.u32 v9, $0x1  }
0x158: {  	v4 =	vand.u32 $0x7, v4;
	[tilespmem:$0x1A0] =	vst v5;
	v5 =	vadd.s32 v0, v7;
	v44 =	vand.u32 $0xFFFFFFF0, v9  }
0x159: {  	[tilespmem:$0x1B0] =	vst v5;
	v5 =	vadd.s32 v0, v8;
	v4 =	vor.u32 v4, v44  }
0x15a: {  	[tilespmem:$0x1C0] =	vst v5;
	v5 =	vadd.s32 v0, v10;
	v7 =	vperm.xlane v4, v1  }
0x15b: {  	[tilespmem:$0x1D0] =	vst v5;
	v5 =	vadd.s32 v0, v11  }
0x15c: {  	v4 =	vperm.xlane v4, v3;
	[tilespmem:$0x1E0] =	vst v5;
	v5 =	vadd.s32 v0, v43;
	v45 =	vadd.s32 v2, v7  }
0x15d: {  	[tilespmem:$0x1F0] =	vst v5  }
0x15e: {  	v4 =	vadd.s32 v2, v4;
	_ =	swait.ge [sflag:s1], $0x8000  }
0x15f: {  	[sflag:s1] =	ssyncset.done $0x0  }
0x160: {  	s25 =	simm.s32 $0x300;
	[sflag:s1] =	ssyncadd.s32 $0xFFFF8000  }
0x161: {  	[tilespmem:s25], [sflag:$0x4] =	stream.indirect_vreg.gather [hbm4b:s3+s2], $0x80, v45, vm0, $0xb8;
	[tilespmem:$0x18300] =	vst v63  }
0x162: {  	s9 =	simm.s32 $0xB00  }
0x163: {  	[tilespmem:s9], [sflag:$0x4] =	stream.indirect_vreg.gather [hbm4b:s3+s2], $0x80, v4, vm0, $0xb8;
	[tilespmem:$0x18300] =	vst v63  }
0x164: {  	v4 =	vld [tilespmem:$0x190];
	_ =	sdelay $0x4  }
0x165: {  	v5 =	vshll.u32 v4, $0x1  }
0x166: {  	v4 =	vand.u32 $0x7, v4;
	v5 =	vand.u32 $0xFFFFFFF0, v5  }
0x167: {  	v4 =	vor.u32 v4, v5  }
0x168: {  	v5 =	vperm.xlane v4, v1;
	_ =	sdelay $0x1  }
0x169: {  	v4 =	vperm.xlane v4, v3;
	v5 =	vadd.s32 v2, v5;
	_ =	sdelay $0x1  }
0x16a: {  	v4 =	vadd.s32 v2, v4;
	_ =	sdelay $0x1  }
0x16b: {  	s0 =	simm.s32 $0x1300  }
0x16c: {  	[tilespmem:s0], [sflag:$0x4] =	stream.indirect_vreg.gather [hbm4b:s3+s2], $0x80, v5, vm0, $0xb8;
	[tilespmem:$0x18300] =	vst v63  }
0x16d: {  	s7 =	simm.s32 $0x1B00  }
0x16e: {  	[tilespmem:s7], [sflag:$0x4] =	stream.indirect_vreg.gather [hbm4b:s3+s2], $0x80, v4, vm0, $0xb8;
	[tilespmem:$0x18300] =	vst v63  }
0x16f: {  	v4 =	vld [tilespmem:$0x1A0];
	_ =	sdelay $0x4  }
0x170: {  	v5 =	vshll.u32 v4, $0x1  }
0x171: {  	v4 =	vand.u32 $0x7, v4;
	v5 =	vand.u32 $0xFFFFFFF0, v5  }
0x172: {  	v4 =	vor.u32 v4, v5  }
0x173: {  	v5 =	vperm.xlane v4, v1;
	_ =	sdelay $0x1  }
0x174: {  	v4 =	vperm.xlane v4, v3;
	v5 =	vadd.s32 v2, v5;
	_ =	sdelay $0x1  }
0x175: {  	v4 =	vadd.s32 v2, v4;
	_ =	sdelay $0x1  }
0x176: {  	s0 =	simm.s32 $0x2300  }
0x177: {  	[tilespmem:s0], [sflag:$0x4] =	stream.indirect_vreg.gather [hbm4b:s3+s2], $0x80, v5, vm0, $0xb8;
	[tilespmem:$0x18300] =	vst v63  }
0x178: {  	s7 =	simm.s32 $0x2B00  }
0x179: {  	[tilespmem:s7], [sflag:$0x4] =	stream.indirect_vreg.gather [hbm4b:s3+s2], $0x80, v4, vm0, $0xb8;
	[tilespmem:$0x18300] =	vst v63  }
0x17a: {  	v4 =	vld [tilespmem:$0x1B0];
	_ =	sdelay $0x4  }
0x17b: {  	v5 =	vshll.u32 v4, $0x1  }
0x17c: {  	v4 =	vand.u32 $0x7, v4;
	v5 =	vand.u32 $0xFFFFFFF0, v5  }
0x17d: {  	v4 =	vor.u32 v4, v5  }
0x17e: {  	v5 =	vperm.xlane v4, v1;
	_ =	sdelay $0x1  }
0x17f: {  	v4 =	vperm.xlane v4, v3;
	v5 =	vadd.s32 v2, v5;
	_ =	sdelay $0x1  }
0x180: {  	v4 =	vadd.s32 v2, v4;
	_ =	sdelay $0x1  }
0x181: {  	s0 =	simm.s32 $0x3300  }
0x182: {  	[tilespmem:s0], [sflag:$0x4] =	stream.indirect_vreg.gather [hbm4b:s3+s2], $0x80, v5, vm0, $0xb8;
	[tilespmem:$0x18300] =	vst v63  }
0x183: {  	s7 =	simm.s32 $0x3B00  }
0x184: {  	[tilespmem:s7], [sflag:$0x4] =	stream.indirect_vreg.gather [hbm4b:s3+s2], $0x80, v4, vm0, $0xb8;
	[tilespmem:$0x18300] =	vst v63  }
0x185: {  	v4 =	vld [tilespmem:$0x1C0];
	_ =	sdelay $0x4  }
0x186: {  	v5 =	vshll.u32 v4, $0x1  }
0x187: {  	v4 =	vand.u32 $0x7, v4;
	v5 =	vand.u32 $0xFFFFFFF0, v5  }
0x188: {  	v4 =	vor.u32 v4, v5  }
0x189: {  	v5 =	vperm.xlane v4, v1;
	_ =	sdelay $0x1  }
0x18a: {  	v4 =	vperm.xlane v4, v3;
	v5 =	vadd.s32 v2, v5;
	_ =	sdelay $0x1  }
0x18b: {  	v4 =	vadd.s32 v2, v4;
	_ =	sdelay $0x1  }
0x18c: {  	s0 =	simm.s32 $0x4300  }
0x18d: {  	[tilespmem:s0], [sflag:$0x4] =	stream.indirect_vreg.gather [hbm4b:s3+s2], $0x80, v5, vm0, $0xb8;
	[tilespmem:$0x18300] =	vst v63  }
0x18e: {  	s7 =	simm.s32 $0x4B00  }
0x18f: {  	[tilespmem:s7], [sflag:$0x4] =	stream.indirect_vreg.gather [hbm4b:s3+s2], $0x80, v4, vm0, $0xb8;
	[tilespmem:$0x18300] =	vst v63  }
0x190: {  	v4 =	vld [tilespmem:$0x1D0];
	_ =	sdelay $0x4  }
0x191: {  	v5 =	vshll.u32 v4, $0x1  }
0x192: {  	v4 =	vand.u32 $0x7, v4;
	v5 =	vand.u32 $0xFFFFFFF0, v5  }
0x193: {  	v4 =	vor.u32 v4, v5  }
0x194: {  	v5 =	vperm.xlane v4, v1;
	_ =	sdelay $0x1  }
0x195: {  	v4 =	vperm.xlane v4, v3;
	v5 =	vadd.s32 v2, v5;
	_ =	sdelay $0x1  }
0x196: {  	v4 =	vadd.s32 v2, v4;
	_ =	sdelay $0x1  }
0x197: {  	s0 =	simm.s32 $0x5300  }
0x198: {  	[tilespmem:s0], [sflag:$0x4] =	stream.indirect_vreg.gather [hbm4b:s3+s2], $0x80, v5, vm0, $0xb8;
	[tilespmem:$0x18300] =	vst v63  }
0x199: {  	s7 =	simm.s32 $0x5B00  }
0x19a: {  	[tilespmem:s7], [sflag:$0x4] =	stream.indirect_vreg.gather [hbm4b:s3+s2], $0x80, v4, vm0, $0xb8;
	[tilespmem:$0x18300] =	vst v63  }
0x19b: {  	v4 =	vld [tilespmem:$0x1E0];
	_ =	sdelay $0x4  }
0x19c: {  	v5 =	vshll.u32 v4, $0x1  }
0x19d: {  	v4 =	vand.u32 $0x7, v4;
	v5 =	vand.u32 $0xFFFFFFF0, v5  }
0x19e: {  	v4 =	vor.u32 v4, v5  }
0x19f: {  	v5 =	vperm.xlane v4, v1;
	_ =	sdelay $0x1  }
0x1a0: {  	v4 =	vperm.xlane v4, v3;
	v5 =	vadd.s32 v2, v5;
	_ =	sdelay $0x1  }
0x1a1: {  	v4 =	vadd.s32 v2, v4;
	_ =	sdelay $0x1  }
0x1a2: {  	s0 =	simm.s32 $0x6300  }
0x1a3: {  	[tilespmem:s0], [sflag:$0x4] =	stream.indirect_vreg.gather [hbm4b:s3+s2], $0x80, v5, vm0, $0xb8;
	[tilespmem:$0x18300] =	vst v63  }
0x1a4: {  	s7 =	simm.s32 $0x6B00  }
0x1a5: {  	[tilespmem:s7], [sflag:$0x4] =	stream.indirect_vreg.gather [hbm4b:s3+s2], $0x80, v4, vm0, $0xb8;
	[tilespmem:$0x18300] =	vst v63  }
0x1a6: {  	v4 =	vld [tilespmem:$0x1F0];
	_ =	sdelay $0x4  }
0x1a7: {  	v5 =	vshll.u32 v4, $0x1  }
0x1a8: {  	v4 =	vand.u32 $0x7, v4;
	v5 =	vand.u32 $0xFFFFFFF0, v5  }
0x1a9: {  	v4 =	vor.u32 v4, v5  }
0x1aa: {  	v5 =	vperm.xlane v4, v1;
	_ =	sdelay $0x1  }
0x1ab: {  	v4 =	vperm.xlane v4, v3;
	v5 =	vadd.s32 v2, v5;
	_ =	sdelay $0x1  }
0x1ac: {  	v4 =	vadd.s32 v2, v4;
	_ =	sdelay $0x1  }
0x1ad: {  	s0 =	simm.s32 $0x7300  }
0x1ae: {  	[tilespmem:s0], [sflag:$0x4] =	stream.indirect_vreg.gather [hbm4b:s3+s2], $0x80, v5, vm0, $0xb8;
	[tilespmem:$0x18300] =	vst v63  }
0x1af: {  	s7 =	rddreg [dreg:$0x5];
	s0 =	simm.s32 $0x7B00  }
0x1b0: {  	[tilespmem:s0], [sflag:$0x4] =	stream.indirect_vreg.gather [hbm4b:s3+s2], $0x80, v4, vm0, $0xb8;
	[tilespmem:$0x18300] =	vst v63  }
0x1b1: {  	s9 =	sadd.s32 s29, s7;
	s7 =	simm.s32 $0x80  }
0x1b2: {  	[tilespmem:s7], [sflag:$0x2] =	stream.linear.gather [hbm4b:s9+s2], $0x80, $0x38;
	[tilespmem:$0x18300] =	vst v63  }
0x1b3: {  	_ =	swait.ge [sflag:s30], $0x8000  }
0x1b4: {  	[sflag:s30] =	ssyncset.done $0x0  }
0x1b5: {  	s0 =	sadd.s32 $0xFFFFF000, s8;
	s7 =	simm.s32 $0x8300;
	[sflag:s30] =	ssyncadd.s32 $0xFFFF8000  }
0x1b6: {  	[hbm4b:s0+s2] =	stream.linear.scatter [tilespmem:s7], [sflag:$0x8], $0x8000, $0x38;
	[tilespmem:$0x18300] =	vst v63  }
0x1b7: {  	_ =	swait.ge [sflag:s6], $0x80  }
0x1b8: {  	[sflag:s6] =	ssyncset.done $0x0  }
0x1b9: {  	[sflag:s6] =	ssyncadd.s32 $0xFFFFFF80  }
0x1ba: {  	v4 =	vld [tilespmem:$0x80]  }
0x1bb: {  	v5 =	vld [tilespmem:$0x90]  }
0x1bc: {  	v46 =	vld [tilespmem:$0xA0]  }
0x1bd: {  	v47 =	vld [tilespmem:$0xB0]  }
0x1be: {  	v48 =	vld [tilespmem:$0xC0]  }
0x1bf: {  	v50 =	vld [tilespmem:$0xD0];
	v49 =	vadd.s32 v0, v4  }
0x1c0: {  	v51 =	vld [tilespmem:$0xE0];
	v5 =	vadd.s32 v0, v5;
	[tilespmem:$0x200] =	vst v49  }
0x1c1: {  	v52 =	vld [tilespmem:$0xF0];
	[tilespmem:$0x210] =	vst v5;
	v5 =	vadd.s32 v0, v46;
	v9 =	vshll.u32 v49, $0x1  }
0x1c2: {  	v4 =	vand.u32 $0x7, v4;
	[tilespmem:$0x220] =	vst v5;
	v5 =	vadd.s32 v0, v47;
	v53 =	vand.u32 $0xFFFFFFF0, v9  }
0x1c3: {  	[tilespmem:$0x230] =	vst v5;
	v5 =	vadd.s32 v0, v48;
	v4 =	vor.u32 v4, v53  }
0x1c4: {  	[tilespmem:$0x240] =	vst v5;
	v5 =	vadd.s32 v0, v50;
	v7 =	vperm.xlane v4, v1  }
0x1c5: {  	[tilespmem:$0x250] =	vst v5;
	v5 =	vadd.s32 v0, v51  }
0x1c6: {  	v4 =	vperm.xlane v4, v3;
	[tilespmem:$0x260] =	vst v5;
	v5 =	vadd.s32 v0, v52;
	v54 =	vadd.s32 v2, v7  }
0x1c7: {  	[tilespmem:$0x270] =	vst v5  }
0x1c8: {  	v4 =	vadd.s32 v2, v4;
	_ =	swait.ge [sflag:s5], $0x8000  }
0x1c9: {  	[sflag:s5] =	ssyncset.done $0x0  }
0x1ca: {  	[sflag:s5] =	ssyncadd.s32 $0xFFFF8000  }
0x1cb: {  	[tilespmem:s7], [sflag:$0x5] =	stream.indirect_vreg.gather [hbm4b:s3+s2], $0x80, v54, vm0, $0xb8;
	[tilespmem:$0x18300] =	vst v63  }
0x1cc: {  	s7 =	simm.s32 $0x8B00  }
0x1cd: {  	[tilespmem:s7], [sflag:$0x5] =	stream.indirect_vreg.gather [hbm4b:s3+s2], $0x80, v4, vm0, $0xb8;
	[tilespmem:$0x18300] =	vst v63  }
0x1ce: {  	v4 =	vld [tilespmem:$0x210];
	_ =	sdelay $0x4  }
0x1cf: {  	v5 =	vshll.u32 v4, $0x1  }
0x1d0: {  	v4 =	vand.u32 $0x7, v4;
	v5 =	vand.u32 $0xFFFFFFF0, v5  }
0x1d1: {  	v4 =	vor.u32 v4, v5  }
0x1d2: {  	v5 =	vperm.xlane v4, v1;
	_ =	sdelay $0x1  }
0x1d3: {  	v4 =	vperm.xlane v4, v3;
	v5 =	vadd.s32 v2, v5;
	_ =	sdelay $0x1  }
0x1d4: {  	v4 =	vadd.s32 v2, v4;
	_ =	sdelay $0x1  }
0x1d5: {  	s9 =	simm.s32 $0x9300  }
0x1d6: {  	[tilespmem:s9], [sflag:$0x5] =	stream.indirect_vreg.gather [hbm4b:s3+s2], $0x80, v5, vm0, $0xb8;
	[tilespmem:$0x18300] =	vst v63  }
0x1d7: {  	s7 =	simm.s32 $0x9B00  }
0x1d8: {  	[tilespmem:s7], [sflag:$0x5] =	stream.indirect_vreg.gather [hbm4b:s3+s2], $0x80, v4, vm0, $0xb8;
	[tilespmem:$0x18300] =	vst v63  }
0x1d9: {  	v4 =	vld [tilespmem:$0x220];
	_ =	sdelay $0x4  }
0x1da: {  	v5 =	vshll.u32 v4, $0x1  }
0x1db: {  	v4 =	vand.u32 $0x7, v4;
	v5 =	vand.u32 $0xFFFFFFF0, v5  }
0x1dc: {  	v4 =	vor.u32 v4, v5  }
0x1dd: {  	v5 =	vperm.xlane v4, v1;
	_ =	sdelay $0x1  }
0x1de: {  	v4 =	vperm.xlane v4, v3;
	v5 =	vadd.s32 v2, v5;
	_ =	sdelay $0x1  }
0x1df: {  	v4 =	vadd.s32 v2, v4;
	_ =	sdelay $0x1  }
0x1e0: {  	s9 =	simm.s32 $0xA300  }
0x1e1: {  	[tilespmem:s9], [sflag:$0x5] =	stream.indirect_vreg.gather [hbm4b:s3+s2], $0x80, v5, vm0, $0xb8;
	[tilespmem:$0x18300] =	vst v63  }
0x1e2: {  	s7 =	simm.s32 $0xAB00  }
0x1e3: {  	[tilespmem:s7], [sflag:$0x5] =	stream.indirect_vreg.gather [hbm4b:s3+s2], $0x80, v4, vm0, $0xb8;
	[tilespmem:$0x18300] =	vst v63  }
0x1e4: {  	v4 =	vld [tilespmem:$0x230];
	_ =	sdelay $0x4  }
0x1e5: {  	v5 =	vshll.u32 v4, $0x1  }
0x1e6: {  	v4 =	vand.u32 $0x7, v4;
	v5 =	vand.u32 $0xFFFFFFF0, v5  }
0x1e7: {  	v4 =	vor.u32 v4, v5  }
0x1e8: {  	v5 =	vperm.xlane v4, v1;
	_ =	sdelay $0x1  }
0x1e9: {  	v4 =	vperm.xlane v4, v3;
	v5 =	vadd.s32 v2, v5;
	_ =	sdelay $0x1  }
0x1ea: {  	v4 =	vadd.s32 v2, v4;
	_ =	sdelay $0x1  }
0x1eb: {  	s9 =	simm.s32 $0xB300  }
0x1ec: {  	[tilespmem:s9], [sflag:$0x5] =	stream.indirect_vreg.gather [hbm4b:s3+s2], $0x80, v5, vm0, $0xb8;
	[tilespmem:$0x18300] =	vst v63  }
0x1ed: {  	s7 =	simm.s32 $0xBB00  }
0x1ee: {  	[tilespmem:s7], [sflag:$0x5] =	stream.indirect_vreg.gather [hbm4b:s3+s2], $0x80, v4, vm0, $0xb8;
	[tilespmem:$0x18300] =	vst v63  }
0x1ef: {  	v4 =	vld [tilespmem:$0x240];
	_ =	sdelay $0x4  }
0x1f0: {  	v5 =	vshll.u32 v4, $0x1  }
0x1f1: {  	v4 =	vand.u32 $0x7, v4;
	v5 =	vand.u32 $0xFFFFFFF0, v5  }
0x1f2: {  	v4 =	vor.u32 v4, v5  }
0x1f3: {  	v5 =	vperm.xlane v4, v1;
	_ =	sdelay $0x1  }
0x1f4: {  	v4 =	vperm.xlane v4, v3;
	v5 =	vadd.s32 v2, v5;
	_ =	sdelay $0x1  }
0x1f5: {  	v4 =	vadd.s32 v2, v4;
	_ =	sdelay $0x1  }
0x1f6: {  	s9 =	simm.s32 $0xC300  }
0x1f7: {  	[tilespmem:s9], [sflag:$0x5] =	stream.indirect_vreg.gather [hbm4b:s3+s2], $0x80, v5, vm0, $0xb8;
	[tilespmem:$0x18300] =	vst v63  }
0x1f8: {  	s7 =	simm.s32 $0xCB00  }
0x1f9: {  	[tilespmem:s7], [sflag:$0x5] =	stream.indirect_vreg.gather [hbm4b:s3+s2], $0x80, v4, vm0, $0xb8;
	[tilespmem:$0x18300] =	vst v63  }
0x1fa: {  	v4 =	vld [tilespmem:$0x250];
	_ =	sdelay $0x4  }
0x1fb: {  	v5 =	vshll.u32 v4, $0x1  }
0x1fc: {  	v4 =	vand.u32 $0x7, v4;
	v5 =	vand.u32 $0xFFFFFFF0, v5  }
0x1fd: {  	v4 =	vor.u32 v4, v5  }
0x1fe: {  	v5 =	vperm.xlane v4, v1;
	_ =	sdelay $0x1  }
0x1ff: {  	v4 =	vperm.xlane v4, v3;
	v5 =	vadd.s32 v2, v5;
	_ =	sdelay $0x1  }
0x200: {  	v4 =	vadd.s32 v2, v4;
	_ =	sdelay $0x1  }
0x201: {  	s9 =	simm.s32 $0xD300  }
0x202: {  	[tilespmem:s9], [sflag:$0x5] =	stream.indirect_vreg.gather [hbm4b:s3+s2], $0x80, v5, vm0, $0xb8;
	[tilespmem:$0x18300] =	vst v63  }
0x203: {  	s7 =	simm.s32 $0xDB00  }
0x204: {  	[tilespmem:s7], [sflag:$0x5] =	stream.indirect_vreg.gather [hbm4b:s3+s2], $0x80, v4, vm0, $0xb8;
	[tilespmem:$0x18300] =	vst v63  }
0x205: {  	v4 =	vld [tilespmem:$0x260];
	_ =	sdelay $0x4  }
0x206: {  	v5 =	vshll.u32 v4, $0x1  }
0x207: {  	v4 =	vand.u32 $0x7, v4;
	v5 =	vand.u32 $0xFFFFFFF0, v5  }
0x208: {  	v4 =	vor.u32 v4, v5  }
0x209: {  	v5 =	vperm.xlane v4, v1;
	_ =	sdelay $0x1  }
0x20a: {  	v4 =	vperm.xlane v4, v3;
	v5 =	vadd.s32 v2, v5;
	_ =	sdelay $0x1  }
0x20b: {  	v4 =	vadd.s32 v2, v4;
	_ =	sdelay $0x1  }
0x20c: {  	s9 =	simm.s32 $0xE300  }
0x20d: {  	[tilespmem:s9], [sflag:$0x5] =	stream.indirect_vreg.gather [hbm4b:s3+s2], $0x80, v5, vm0, $0xb8;
	[tilespmem:$0x18300] =	vst v63  }
0x20e: {  	s7 =	simm.s32 $0xEB00  }
0x20f: {  	[tilespmem:s7], [sflag:$0x5] =	stream.indirect_vreg.gather [hbm4b:s3+s2], $0x80, v4, vm0, $0xb8;
	[tilespmem:$0x18300] =	vst v63  }
0x210: {  	v4 =	vld [tilespmem:$0x270];
	_ =	sdelay $0x4  }
0x211: {  	v5 =	vshll.u32 v4, $0x1  }
0x212: {  	v4 =	vand.u32 $0x7, v4;
	v5 =	vand.u32 $0xFFFFFFF0, v5  }
0x213: {  	v4 =	vor.u32 v4, v5  }
0x214: {  	v5 =	vperm.xlane v4, v1;
	_ =	sdelay $0x1  }
0x215: {  	v4 =	vperm.xlane v4, v3;
	v5 =	vadd.s32 v2, v5;
	_ =	sdelay $0x1  }
0x216: {  	v4 =	vadd.s32 v2, v4;
	_ =	sdelay $0x1  }
0x217: {  	s9 =	simm.s32 $0xF300  }
0x218: {  	[tilespmem:s9], [sflag:$0x5] =	stream.indirect_vreg.gather [hbm4b:s3+s2], $0x80, v5, vm0, $0xb8;
	[tilespmem:$0x18300] =	vst v63  }
0x219: {  	s7 =	simm.s32 $0xFB00;
	s9 =	rddreg [dreg:$0x4]  }
0x21a: {  	[tilespmem:s7], [sflag:$0x5] =	stream.indirect_vreg.gather [hbm4b:s3+s2], $0x80, v4, vm0, $0xb8;
	[tilespmem:$0x18300] =	vst v63  }
0x21b: {  	s9 =	sadd.s32 s29, s9  }
0x21c: {  	[tilespmem:s10], [sflag:$0x3] =	stream.linear.gather [hbm4b:s9+s2], $0x80, $0x38;
	[tilespmem:$0x18300] =	vst v63  }
0x21d: {  	_ =	swait.ge [sflag:s26], $0x8000  }
0x21e: {  	[sflag:s26] =	ssyncset.done $0x0  }
0x21f: {  	s9 =	simm.s32 $0x10300;
	[sflag:s26] =	ssyncadd.s32 $0xFFFF8000  }
0x220: {  	[hbm4b:s8+s2] =	stream.linear.scatter [tilespmem:s9], [sflag:$0x9], $0x8000, $0x38;
	[tilespmem:$0x18300] =	vst v63  }
0x221: {  	_ =	swait.ge [sflag:s24], $0x80  }
0x222: {  	[sflag:s24] =	ssyncset.done $0x0  }
0x223: {  	[sflag:s24] =	ssyncadd.s32 $0xFFFFFF80  }
0x224: {  	v4 =	vld [tilespmem:$0x100]  }
0x225: {  	v5 =	vld [tilespmem:$0x110]  }
0x226: {  	v55 =	vld [tilespmem:$0x120]  }
0x227: {  	v56 =	vld [tilespmem:$0x130]  }
0x228: {  	v57 =	vld [tilespmem:$0x140]  }
0x229: {  	v59 =	vld [tilespmem:$0x150];
	v58 =	vadd.s32 v0, v4  }
0x22a: {  	v60 =	vld [tilespmem:$0x160];
	v5 =	vadd.s32 v0, v5;
	[tilespmem:$0x280] =	vst v58  }
0x22b: {  	v61 =	vld [tilespmem:$0x170];
	[tilespmem:$0x290] =	vst v5;
	v5 =	vadd.s32 v0, v55;
	v9 =	vshll.u32 v58, $0x1  }
0x22c: {  	v4 =	vand.u32 $0x7, v4;
	[tilespmem:$0x2A0] =	vst v5;
	v5 =	vadd.s32 v0, v56;
	v62 =	vand.u32 $0xFFFFFFF0, v9  }
0x22d: {  	[tilespmem:$0x2B0] =	vst v5;
	v4 =	vor.u32 v4, v62;
	v5 =	vadd.s32 v0, v57  }
0x22e: {  	[tilespmem:$0x2C0] =	vst v5;
	v5 =	vadd.s32 v0, v59;
	v7 =	vperm.xlane v4, v1  }
0x22f: {  	[tilespmem:$0x2D0] =	vst v5;
	v5 =	vadd.s32 v0, v60  }
0x230: {  	v4 =	vperm.xlane v4, v3;
	[tilespmem:$0x2E0] =	vst v5;
	v5 =	vadd.s32 v0, v61;
	v63 =	vadd.s32 v2, v7  }
0x231: {  	[tilespmem:$0x2F0] =	vst v5  }
0x232: {  	v4 =	vadd.s32 v2, v4;
	_ =	swait.ge [sflag:s31], $0x8000  }
0x233: {  	[sflag:s31] =	ssyncset.done $0x0  }
0x234: {  	[sflag:s31] =	ssyncadd.s32 $0xFFFF8000  }
0x235: {  	[tilespmem:s9], [sflag:$0x6] =	stream.indirect_vreg.gather [hbm4b:s3+s2], $0x80, v63, vm0, $0xb8;
	[tilespmem:$0x18300] =	vst v63  }
0x236: {  	s9 =	simm.s32 $0x10B00  }
0x237: {  	[tilespmem:s9], [sflag:$0x6] =	stream.indirect_vreg.gather [hbm4b:s3+s2], $0x80, v4, vm0, $0xb8;
	[tilespmem:$0x18300] =	vst v63  }
0x238: {  	v4 =	vld [tilespmem:$0x290];
	_ =	sdelay $0x4  }
0x239: {  	v5 =	vshll.u32 v4, $0x1  }
0x23a: {  	v4 =	vand.u32 $0x7, v4;
	v5 =	vand.u32 $0xFFFFFFF0, v5  }
0x23b: {  	v4 =	vor.u32 v4, v5  }
0x23c: {  	v5 =	vperm.xlane v4, v1;
	_ =	sdelay $0x1  }
0x23d: {  	v4 =	vperm.xlane v4, v3;
	v5 =	vadd.s32 v2, v5;
	_ =	sdelay $0x1  }
0x23e: {  	v4 =	vadd.s32 v2, v4;
	_ =	sdelay $0x2  }
0x23f: {  	[tilespmem:s12], [sflag:$0x6] =	stream.indirect_vreg.gather [hbm4b:s3+s2], $0x80, v5, vm0, $0xb8;
	[tilespmem:$0x18300] =	vst v63  }
0x240: {  	_ = 	snop  }
0x241: {  	[tilespmem:s13], [sflag:$0x6] =	stream.indirect_vreg.gather [hbm4b:s3+s2], $0x80, v4, vm0, $0xb8;
	[tilespmem:$0x18300] =	vst v63  }
0x242: {  	v4 =	vld [tilespmem:$0x2A0];
	_ =	sdelay $0x4  }
0x243: {  	v5 =	vshll.u32 v4, $0x1  }
0x244: {  	v4 =	vand.u32 $0x7, v4;
	v5 =	vand.u32 $0xFFFFFFF0, v5  }
0x245: {  	v4 =	vor.u32 v4, v5  }
0x246: {  	v5 =	vperm.xlane v4, v1;
	_ =	sdelay $0x1  }
0x247: {  	v4 =	vperm.xlane v4, v3;
	v5 =	vadd.s32 v2, v5;
	_ =	sdelay $0x1  }
0x248: {  	v4 =	vadd.s32 v2, v4;
	_ =	sdelay $0x2  }
0x249: {  	[tilespmem:s14], [sflag:$0x6] =	stream.indirect_vreg.gather [hbm4b:s3+s2], $0x80, v5, vm0, $0xb8;
	[tilespmem:$0x18300] =	vst v63  }
0x24a: {  	_ = 	snop  }
0x24b: {  	[tilespmem:s15], [sflag:$0x6] =	stream.indirect_vreg.gather [hbm4b:s3+s2], $0x80, v4, vm0, $0xb8;
	[tilespmem:$0x18300] =	vst v63  }
0x24c: {  	v4 =	vld [tilespmem:$0x2B0];
	_ =	sdelay $0x4  }
0x24d: {  	v5 =	vshll.u32 v4, $0x1  }
0x24e: {  	v4 =	vand.u32 $0x7, v4;
	v5 =	vand.u32 $0xFFFFFFF0, v5  }
0x24f: {  	v4 =	vor.u32 v4, v5  }
0x250: {  	v5 =	vperm.xlane v4, v1;
	_ =	sdelay $0x1  }
0x251: {  	v4 =	vperm.xlane v4, v3;
	v5 =	vadd.s32 v2, v5;
	_ =	sdelay $0x1  }
0x252: {  	v4 =	vadd.s32 v2, v4;
	_ =	sdelay $0x2  }
0x253: {  	[tilespmem:s4], [sflag:$0x6] =	stream.indirect_vreg.gather [hbm4b:s3+s2], $0x80, v5, vm0, $0xb8;
	[tilespmem:$0x18300] =	vst v63  }
0x254: {  	_ = 	snop  }
0x255: {  	[tilespmem:s18], [sflag:$0x6] =	stream.indirect_vreg.gather [hbm4b:s3+s2], $0x80, v4, vm0, $0xb8;
	[tilespmem:$0x18300] =	vst v63  }
0x256: {  	v4 =	vld [tilespmem:$0x2C0];
	_ =	sdelay $0x4  }
0x257: {  	v5 =	vshll.u32 v4, $0x1  }
0x258: {  	v4 =	vand.u32 $0x7, v4;
	v5 =	vand.u32 $0xFFFFFFF0, v5  }
0x259: {  	v4 =	vor.u32 v4, v5  }
0x25a: {  	v5 =	vperm.xlane v4, v1;
	_ =	sdelay $0x1  }
0x25b: {  	v4 =	vperm.xlane v4, v3;
	v5 =	vadd.s32 v2, v5;
	_ =	sdelay $0x1  }
0x25c: {  	v4 =	vadd.s32 v2, v4;
	_ =	sdelay $0x2  }
0x25d: {  	[tilespmem:s19], [sflag:$0x6] =	stream.indirect_vreg.gather [hbm4b:s3+s2], $0x80, v5, vm0, $0xb8;
	[tilespmem:$0x18300] =	vst v63  }
0x25e: {  	_ = 	snop  }
0x25f: {  	[tilespmem:s20], [sflag:$0x6] =	stream.indirect_vreg.gather [hbm4b:s3+s2], $0x80, v4, vm0, $0xb8;
	[tilespmem:$0x18300] =	vst v63  }
0x260: {  	v4 =	vld [tilespmem:$0x2D0];
	_ =	sdelay $0x4  }
0x261: {  	v5 =	vshll.u32 v4, $0x1  }
0x262: {  	v4 =	vand.u32 $0x7, v4;
	v5 =	vand.u32 $0xFFFFFFF0, v5  }
0x263: {  	v4 =	vor.u32 v4, v5  }
0x264: {  	v5 =	vperm.xlane v4, v1;
	_ =	sdelay $0x1  }
0x265: {  	v4 =	vperm.xlane v4, v3;
	v5 =	vadd.s32 v2, v5;
	_ =	sdelay $0x1  }
0x266: {  	v4 =	vadd.s32 v2, v4;
	_ =	sdelay $0x2  }
0x267: {  	[tilespmem:s21], [sflag:$0x6] =	stream.indirect_vreg.gather [hbm4b:s3+s2], $0x80, v5, vm0, $0xb8;
	[tilespmem:$0x18300] =	vst v63  }
0x268: {  	_ = 	snop  }
0x269: {  	[tilespmem:s22], [sflag:$0x6] =	stream.indirect_vreg.gather [hbm4b:s3+s2], $0x80, v4, vm0, $0xb8;
	[tilespmem:$0x18300] =	vst v63  }
0x26a: {  	v4 =	vld [tilespmem:$0x2E0];
	_ =	sdelay $0x4  }
0x26b: {  	v5 =	vshll.u32 v4, $0x1  }
0x26c: {  	v4 =	vand.u32 $0x7, v4;
	v5 =	vand.u32 $0xFFFFFFF0, v5  }
0x26d: {  	v4 =	vor.u32 v4, v5  }
0x26e: {  	v5 =	vperm.xlane v4, v1;
	_ =	sdelay $0x1  }
0x26f: {  	v4 =	vperm.xlane v4, v3;
	v5 =	vadd.s32 v2, v5;
	_ =	sdelay $0x1  }
0x270: {  	v4 =	vadd.s32 v2, v4;
	_ =	sdelay $0x2  }
0x271: {  	[tilespmem:s23], [sflag:$0x6] =	stream.indirect_vreg.gather [hbm4b:s3+s2], $0x80, v5, vm0, $0xb8;
	[tilespmem:$0x18300] =	vst v63  }
0x272: {  	_ = 	snop  }
0x273: {  	[tilespmem:s17], [sflag:$0x6] =	stream.indirect_vreg.gather [hbm4b:s3+s2], $0x80, v4, vm0, $0xb8;
	[tilespmem:$0x18300] =	vst v63  }
0x274: {  	v4 =	vld [tilespmem:$0x2F0];
	_ =	sdelay $0x4  }
0x275: {  	v5 =	vshll.u32 v4, $0x1  }
0x276: {  	v4 =	vand.u32 $0x7, v4;
	v5 =	vand.u32 $0xFFFFFFF0, v5  }
0x277: {  	v4 =	vor.u32 v4, v5  }
0x278: {  	v5 =	vperm.xlane v4, v1;
	_ =	sdelay $0x1  }
0x279: {  	v4 =	vperm.xlane v4, v3;
	v5 =	vadd.s32 v2, v5;
	_ =	sdelay $0x1  }
0x27a: {  	v4 =	vadd.s32 v2, v4;
	_ =	sdelay $0x1  }
0x27b: {  	s9 =	simm.s32 $0x17300  }
0x27c: {  	[tilespmem:s9], [sflag:$0x6] =	stream.indirect_vreg.gather [hbm4b:s3+s2], $0x80, v5, vm0, $0xb8;
	[tilespmem:$0x18300] =	vst v63  }
0x27d: {  	s0 =	rddreg [dreg:$0x3]  }
0x27e: {  	[tilespmem:s11], [sflag:$0x6] =	stream.indirect_vreg.gather [hbm4b:s3+s2], $0x80, v4, vm0, $0xb8;
	[tilespmem:$0x18300] =	vst v63  }
0x27f: {  	p0 =	sne.s32 s29, $0x2A0;
	s9 =	sadd.s32 s29, s0  }
0x280: {  	[tilespmem:s2], [sflag:$0x1] =	stream.linear.gather [hbm4b:s9+s2], $0x80, $0x38;
	[tilespmem:$0x18300] =	vst v63  }
.Ltmp0:
0x281: {  	_ = 	snop;
	(pc) =	sbr.rel @p0 .LBB2_2-.Ltmp0, $4  }
0x282: {  	_ =	swait.ge [sflag:s28], $0x8000  }
0x283: {  	s7 =	simm.s32 $0x10300;
	s0 =	sadd.s32 $0x1000, s8;
	[sflag:s28] =	ssyncset.done $0x0  }
0x284: {  	s8 =	sadd.s32 $0x3000, s8;
	s29 =	sadd.s32 $0x30, s29;
	[sflag:s28] =	ssyncadd.s32 $0xFFFF8000  }
0x285: {  	[hbm4b:s0+s2] =	stream.linear.scatter [tilespmem:s25], [sflag:$0x7], $0x8000, $0x38;
	[tilespmem:$0x18300] =	vst v63  }
0x286: {  	_ =	swait.ge [sflag:s16], $0x80  }
0x287: {  	[sflag:s16] =	ssyncset.done $0x0  }
0x288: {  	[sflag:s16] =	ssyncadd.s32 $0xFFFFFF80  }
0x289: {  	v4 =	vld [tilespmem:$0x0]  }
0x28a: {  	v5 =	vld [tilespmem:$0x10]  }
0x28b: {  	v6 =	vld [tilespmem:$0x20]  }
0x28c: {  	v7 =	vld [tilespmem:$0x30]  }
0x28d: {  	v8 =	vld [tilespmem:$0x40]  }
0x28e: {  	v10 =	vld [tilespmem:$0x50];
	v9 =	vadd.s32 v0, v4  }
0x28f: {  	v11 =	vld [tilespmem:$0x60];
	v5 =	vadd.s32 v0, v5;
	[tilespmem:$0x180] =	vst v9  }
0x290: {  	v52 =	vld [tilespmem:$0x70];
	[tilespmem:$0x190] =	vst v5;
	v5 =	vadd.s32 v0, v6;
	v9 =	vshll.u32 v9, $0x1  }
0x291: {  	v4 =	vand.u32 $0x7, v4;
	[tilespmem:$0x1A0] =	vst v5;
	v5 =	vadd.s32 v0, v7;
	v53 =	vand.u32 $0xFFFFFFF0, v9  }
0x292: {  	[tilespmem:$0x1B0] =	vst v5;
	v5 =	vadd.s32 v0, v8;
	v4 =	vor.u32 v4, v53  }
0x293: {  	[tilespmem:$0x1C0] =	vst v5;
	v5 =	vadd.s32 v0, v10;
	v7 =	vperm.xlane v4, v1  }
0x294: {  	[tilespmem:$0x1D0] =	vst v5;
	v5 =	vadd.s32 v0, v11  }
0x295: {  	v4 =	vperm.xlane v4, v3;
	[tilespmem:$0x1E0] =	vst v5;
	v5 =	vadd.s32 v0, v52;
	v54 =	vadd.s32 v2, v7  }
0x296: {  	[tilespmem:$0x1F0] =	vst v5  }
0x297: {  	v4 =	vadd.s32 v2, v4;
	_ =	swait.ge [sflag:s1], $0x8000  }
0x298: {  	[sflag:s1] =	ssyncset.done $0x0  }
0x299: {  	s4 =	simm.s32 $0x300;
	[sflag:s1] =	ssyncadd.s32 $0xFFFF8000  }
0x29a: {  	[tilespmem:s4], [sflag:$0x4] =	stream.indirect_vreg.gather [hbm4b:s3+s2], $0x80, v54, vm0, $0xb8;
	[tilespmem:$0x18300] =	vst v63  }
0x29b: {  	s8 =	simm.s32 $0xB00  }
0x29c: {  	[tilespmem:s8], [sflag:$0x4] =	stream.indirect_vreg.gather [hbm4b:s3+s2], $0x80, v4, vm0, $0xb8;
	[tilespmem:$0x18300] =	vst v63  }
0x29d: {  	v4 =	vld [tilespmem:$0x190];
	_ =	sdelay $0x4  }
0x29e: {  	v5 =	vshll.u32 v4, $0x1  }
0x29f: {  	v4 =	vand.u32 $0x7, v4;
	v5 =	vand.u32 $0xFFFFFFF0, v5  }
0x2a0: {  	v4 =	vor.u32 v4, v5  }
0x2a1: {  	v5 =	vperm.xlane v4, v1;
	_ =	sdelay $0x1  }
0x2a2: {  	v4 =	vperm.xlane v4, v3;
	v5 =	vadd.s32 v2, v5;
	_ =	sdelay $0x1  }
0x2a3: {  	v4 =	vadd.s32 v2, v4;
	_ =	sdelay $0x1  }
0x2a4: {  	s19 =	simm.s32 $0x1300  }
0x2a5: {  	[tilespmem:s19], [sflag:$0x4] =	stream.indirect_vreg.gather [hbm4b:s3+s2], $0x80, v5, vm0, $0xb8;
	[tilespmem:$0x18300] =	vst v63  }
0x2a6: {  	s20 =	simm.s32 $0x1B00  }
0x2a7: {  	[tilespmem:s20], [sflag:$0x4] =	stream.indirect_vreg.gather [hbm4b:s3+s2], $0x80, v4, vm0, $0xb8;
	[tilespmem:$0x18300] =	vst v63  }
0x2a8: {  	v4 =	vld [tilespmem:$0x1A0];
	_ =	sdelay $0x4  }
0x2a9: {  	v5 =	vshll.u32 v4, $0x1  }
0x2aa: {  	v4 =	vand.u32 $0x7, v4;
	v5 =	vand.u32 $0xFFFFFFF0, v5  }
0x2ab: {  	v4 =	vor.u32 v4, v5  }
0x2ac: {  	v5 =	vperm.xlane v4, v1;
	_ =	sdelay $0x1  }
0x2ad: {  	v4 =	vperm.xlane v4, v3;
	v5 =	vadd.s32 v2, v5;
	_ =	sdelay $0x1  }
0x2ae: {  	v4 =	vadd.s32 v2, v4;
	_ =	sdelay $0x1  }
0x2af: {  	s21 =	simm.s32 $0x2300  }
0x2b0: {  	[tilespmem:s21], [sflag:$0x4] =	stream.indirect_vreg.gather [hbm4b:s3+s2], $0x80, v5, vm0, $0xb8;
	[tilespmem:$0x18300] =	vst v63  }
0x2b1: {  	s22 =	simm.s32 $0x2B00  }
0x2b2: {  	[tilespmem:s22], [sflag:$0x4] =	stream.indirect_vreg.gather [hbm4b:s3+s2], $0x80, v4, vm0, $0xb8;
	[tilespmem:$0x18300] =	vst v63  }
0x2b3: {  	v4 =	vld [tilespmem:$0x1B0];
	_ =	sdelay $0x4  }
0x2b4: {  	v5 =	vshll.u32 v4, $0x1  }
0x2b5: {  	v4 =	vand.u32 $0x7, v4;
	v5 =	vand.u32 $0xFFFFFFF0, v5  }
0x2b6: {  	v4 =	vor.u32 v4, v5  }
0x2b7: {  	v5 =	vperm.xlane v4, v1;
	_ =	sdelay $0x1  }
0x2b8: {  	v4 =	vperm.xlane v4, v3;
	v5 =	vadd.s32 v2, v5;
	_ =	sdelay $0x1  }
0x2b9: {  	v4 =	vadd.s32 v2, v4;
	_ =	sdelay $0x1  }
0x2ba: {  	s23 =	simm.s32 $0x3300  }
0x2bb: {  	[tilespmem:s23], [sflag:$0x4] =	stream.indirect_vreg.gather [hbm4b:s3+s2], $0x80, v5, vm0, $0xb8;
	[tilespmem:$0x18300] =	vst v63  }
0x2bc: {  	s25 =	simm.s32 $0x3B00  }
0x2bd: {  	[tilespmem:s25], [sflag:$0x4] =	stream.indirect_vreg.gather [hbm4b:s3+s2], $0x80, v4, vm0, $0xb8;
	[tilespmem:$0x18300] =	vst v63  }
0x2be: {  	v4 =	vld [tilespmem:$0x1C0];
	_ =	sdelay $0x4  }
0x2bf: {  	v5 =	vshll.u32 v4, $0x1  }
0x2c0: {  	v4 =	vand.u32 $0x7, v4;
	v5 =	vand.u32 $0xFFFFFFF0, v5  }
0x2c1: {  	v4 =	vor.u32 v4, v5  }
0x2c2: {  	v5 =	vperm.xlane v4, v1;
	_ =	sdelay $0x1  }
0x2c3: {  	v4 =	vperm.xlane v4, v3;
	v5 =	vadd.s32 v2, v5;
	_ =	sdelay $0x1  }
0x2c4: {  	v4 =	vadd.s32 v2, v4;
	_ =	sdelay $0x1  }
0x2c5: {  	s0 =	simm.s32 $0x4300  }
0x2c6: {  	[tilespmem:s0], [sflag:$0x4] =	stream.indirect_vreg.gather [hbm4b:s3+s2], $0x80, v5, vm0, $0xb8;
	[tilespmem:$0x18300] =	vst v63  }
0x2c7: {  	s9 =	simm.s32 $0x4B00  }
0x2c8: {  	[tilespmem:s9], [sflag:$0x4] =	stream.indirect_vreg.gather [hbm4b:s3+s2], $0x80, v4, vm0, $0xb8;
	[tilespmem:$0x18300] =	vst v63  }
0x2c9: {  	v4 =	vld [tilespmem:$0x1D0];
	_ =	sdelay $0x4  }
0x2ca: {  	v5 =	vshll.u32 v4, $0x1  }
0x2cb: {  	v4 =	vand.u32 $0x7, v4;
	v5 =	vand.u32 $0xFFFFFFF0, v5  }
0x2cc: {  	v4 =	vor.u32 v4, v5  }
0x2cd: {  	v5 =	vperm.xlane v4, v1;
	_ =	sdelay $0x1  }
0x2ce: {  	v4 =	vperm.xlane v4, v3;
	v5 =	vadd.s32 v2, v5;
	_ =	sdelay $0x1  }
0x2cf: {  	v4 =	vadd.s32 v2, v4;
	_ =	sdelay $0x1  }
0x2d0: {  	s10 =	simm.s32 $0x5300  }
0x2d1: {  	[tilespmem:s10], [sflag:$0x4] =	stream.indirect_vreg.gather [hbm4b:s3+s2], $0x80, v5, vm0, $0xb8;
	[tilespmem:$0x18300] =	vst v63  }
0x2d2: {  	s11 =	simm.s32 $0x5B00  }
0x2d3: {  	[tilespmem:s11], [sflag:$0x4] =	stream.indirect_vreg.gather [hbm4b:s3+s2], $0x80, v4, vm0, $0xb8;
	[tilespmem:$0x18300] =	vst v63  }
0x2d4: {  	v4 =	vld [tilespmem:$0x1E0];
	_ =	sdelay $0x4  }
0x2d5: {  	v5 =	vshll.u32 v4, $0x1  }
0x2d6: {  	v4 =	vand.u32 $0x7, v4;
	v5 =	vand.u32 $0xFFFFFFF0, v5  }
0x2d7: {  	v4 =	vor.u32 v4, v5  }
0x2d8: {  	v5 =	vperm.xlane v4, v1;
	_ =	sdelay $0x1  }
0x2d9: {  	v4 =	vperm.xlane v4, v3;
	v5 =	vadd.s32 v2, v5;
	_ =	sdelay $0x1  }
0x2da: {  	v4 =	vadd.s32 v2, v4;
	_ =	sdelay $0x1  }
0x2db: {  	s12 =	simm.s32 $0x6300  }
0x2dc: {  	[tilespmem:s12], [sflag:$0x4] =	stream.indirect_vreg.gather [hbm4b:s3+s2], $0x80, v5, vm0, $0xb8;
	[tilespmem:$0x18300] =	vst v63  }
0x2dd: {  	s13 =	simm.s32 $0x6B00  }
0x2de: {  	[tilespmem:s13], [sflag:$0x4] =	stream.indirect_vreg.gather [hbm4b:s3+s2], $0x80, v4, vm0, $0xb8;
	[tilespmem:$0x18300] =	vst v63  }
0x2df: {  	v4 =	vld [tilespmem:$0x1F0];
	_ =	sdelay $0x4  }
0x2e0: {  	v5 =	vshll.u32 v4, $0x1  }
0x2e1: {  	v4 =	vand.u32 $0x7, v4;
	v5 =	vand.u32 $0xFFFFFFF0, v5  }
0x2e2: {  	v4 =	vor.u32 v4, v5  }
0x2e3: {  	v5 =	vperm.xlane v4, v1;
	_ =	sdelay $0x1  }
0x2e4: {  	v4 =	vperm.xlane v4, v3;
	v5 =	vadd.s32 v2, v5;
	_ =	sdelay $0x1  }
0x2e5: {  	v4 =	vadd.s32 v2, v4;
	_ =	sdelay $0x1  }
0x2e6: {  	s14 =	simm.s32 $0x7300  }
0x2e7: {  	[tilespmem:s14], [sflag:$0x4] =	stream.indirect_vreg.gather [hbm4b:s3+s2], $0x80, v5, vm0, $0xb8;
	[tilespmem:$0x18300] =	vst v63  }
0x2e8: {  	s0 =	simm.s32 $0x7B00  }
0x2e9: {  	[tilespmem:s0], [sflag:$0x4] =	stream.indirect_vreg.gather [hbm4b:s3+s2], $0x80, v4, vm0, $0xb8;
	[tilespmem:$0x18300] =	vst v63  }
0x2ea: {  	s17 =	simm.s32 $0x80;
	s15 =	rddreg [dreg:$0xb]  }
0x2eb: {  	[tilespmem:s17], [sflag:$0x2] =	stream.linear.gather [hbm4b:s15+s2], $0x80, $0x38;
	[tilespmem:$0x18300] =	vst v63  }
0x2ec: {  	_ =	swait.ge [sflag:s30], $0x8000  }
0x2ed: {  	[sflag:s30] =	ssyncset.done $0x0  }
0x2ee: {  	s9 =	simm.s32 $0x8300;
	s18 =	rddreg [dreg:$0xc];
	[sflag:s30] =	ssyncadd.s32 $0xFFFF8000  }
0x2ef: {  	[hbm4b:s18+s2] =	stream.linear.scatter [tilespmem:s9], [sflag:$0x8], $0x8000, $0x38;
	[tilespmem:$0x18300] =	vst v63  }
0x2f0: {  	_ =	swait.ge [sflag:s6], $0x80  }
0x2f1: {  	[sflag:s6] =	ssyncset.done $0x0  }
0x2f2: {  	[sflag:s6] =	ssyncadd.s32 $0xFFFFFF80  }
0x2f3: {  	v4 =	vld [tilespmem:$0x80]  }
0x2f4: {  	v5 =	vld [tilespmem:$0x90]  }
0x2f5: {  	v55 =	vld [tilespmem:$0xA0]  }
0x2f6: {  	v56 =	vld [tilespmem:$0xB0]  }
0x2f7: {  	v57 =	vld [tilespmem:$0xC0]  }
0x2f8: {  	v59 =	vld [tilespmem:$0xD0];
	v58 =	vadd.s32 v0, v4  }
0x2f9: {  	v60 =	vld [tilespmem:$0xE0];
	v5 =	vadd.s32 v0, v5;
	[tilespmem:$0x200] =	vst v58  }
0x2fa: {  	v61 =	vld [tilespmem:$0xF0];
	[tilespmem:$0x210] =	vst v5;
	v5 =	vadd.s32 v0, v55;
	v9 =	vshll.u32 v58, $0x1  }
0x2fb: {  	v4 =	vand.u32 $0x7, v4;
	[tilespmem:$0x220] =	vst v5;
	v5 =	vadd.s32 v0, v56;
	v62 =	vand.u32 $0xFFFFFFF0, v9  }
0x2fc: {  	[tilespmem:$0x230] =	vst v5;
	v4 =	vor.u32 v4, v62;
	v5 =	vadd.s32 v0, v57  }
0x2fd: {  	[tilespmem:$0x240] =	vst v5;
	v5 =	vadd.s32 v0, v59;
	v7 =	vperm.xlane v4, v1  }
0x2fe: {  	[tilespmem:$0x250] =	vst v5;
	v5 =	vadd.s32 v0, v60  }
0x2ff: {  	v4 =	vperm.xlane v4, v3;
	[tilespmem:$0x260] =	vst v5;
	v5 =	vadd.s32 v0, v61;
	v63 =	vadd.s32 v2, v7  }
0x300: {  	[tilespmem:$0x270] =	vst v5  }
0x301: {  	v4 =	vadd.s32 v2, v4;
	_ =	swait.ge [sflag:s5], $0x8000  }
0x302: {  	[sflag:s5] =	ssyncset.done $0x0  }
0x303: {  	[sflag:s5] =	ssyncadd.s32 $0xFFFF8000  }
0x304: {  	[tilespmem:s9], [sflag:$0x5] =	stream.indirect_vreg.gather [hbm4b:s3+s2], $0x80, v63, vm0, $0xb8;
	[tilespmem:$0x18300] =	vst v63  }
0x305: {  	s19 =	simm.s32 $0x8B00  }
0x306: {  	[tilespmem:s19], [sflag:$0x5] =	stream.indirect_vreg.gather [hbm4b:s3+s2], $0x80, v4, vm0, $0xb8;
	[tilespmem:$0x18300] =	vst v63  }
0x307: {  	v4 =	vld [tilespmem:$0x210];
	_ =	sdelay $0x4  }
0x308: {  	v5 =	vshll.u32 v4, $0x1  }
0x309: {  	v4 =	vand.u32 $0x7, v4;
	v5 =	vand.u32 $0xFFFFFFF0, v5  }
0x30a: {  	v4 =	vor.u32 v4, v5  }
0x30b: {  	v5 =	vperm.xlane v4, v1;
	_ =	sdelay $0x1  }
0x30c: {  	v4 =	vperm.xlane v4, v3;
	v5 =	vadd.s32 v2, v5;
	_ =	sdelay $0x1  }
0x30d: {  	v4 =	vadd.s32 v2, v4;
	_ =	sdelay $0x1  }
0x30e: {  	s20 =	simm.s32 $0x9300  }
0x30f: {  	[tilespmem:s20], [sflag:$0x5] =	stream.indirect_vreg.gather [hbm4b:s3+s2], $0x80, v5, vm0, $0xb8;
	[tilespmem:$0x18300] =	vst v63  }
0x310: {  	s21 =	simm.s32 $0x9B00  }
0x311: {  	[tilespmem:s21], [sflag:$0x5] =	stream.indirect_vreg.gather [hbm4b:s3+s2], $0x80, v4, vm0, $0xb8;
	[tilespmem:$0x18300] =	vst v63  }
0x312: {  	v4 =	vld [tilespmem:$0x220];
	_ =	sdelay $0x4  }
0x313: {  	v5 =	vshll.u32 v4, $0x1  }
0x314: {  	v4 =	vand.u32 $0x7, v4;
	v5 =	vand.u32 $0xFFFFFFF0, v5  }
0x315: {  	v4 =	vor.u32 v4, v5  }
0x316: {  	v5 =	vperm.xlane v4, v1;
	_ =	sdelay $0x1  }
0x317: {  	v4 =	vperm.xlane v4, v3;
	v5 =	vadd.s32 v2, v5;
	_ =	sdelay $0x1  }
0x318: {  	v4 =	vadd.s32 v2, v4;
	_ =	sdelay $0x1  }
0x319: {  	s22 =	simm.s32 $0xA300  }
0x31a: {  	[tilespmem:s22], [sflag:$0x5] =	stream.indirect_vreg.gather [hbm4b:s3+s2], $0x80, v5, vm0, $0xb8;
	[tilespmem:$0x18300] =	vst v63  }
0x31b: {  	s23 =	simm.s32 $0xAB00  }
0x31c: {  	[tilespmem:s23], [sflag:$0x5] =	stream.indirect_vreg.gather [hbm4b:s3+s2], $0x80, v4, vm0, $0xb8;
	[tilespmem:$0x18300] =	vst v63  }
0x31d: {  	v4 =	vld [tilespmem:$0x230];
	_ =	sdelay $0x4  }
0x31e: {  	v5 =	vshll.u32 v4, $0x1  }
0x31f: {  	v4 =	vand.u32 $0x7, v4;
	v5 =	vand.u32 $0xFFFFFFF0, v5  }
0x320: {  	v4 =	vor.u32 v4, v5  }
0x321: {  	v5 =	vperm.xlane v4, v1;
	_ =	sdelay $0x1  }
0x322: {  	v4 =	vperm.xlane v4, v3;
	v5 =	vadd.s32 v2, v5;
	_ =	sdelay $0x1  }
0x323: {  	v4 =	vadd.s32 v2, v4;
	_ =	sdelay $0x1  }
0x324: {  	s25 =	simm.s32 $0xB300  }
0x325: {  	[tilespmem:s25], [sflag:$0x5] =	stream.indirect_vreg.gather [hbm4b:s3+s2], $0x80, v5, vm0, $0xb8;
	[tilespmem:$0x18300] =	vst v63  }
0x326: {  	s8 =	simm.s32 $0xBB00  }
0x327: {  	[tilespmem:s8], [sflag:$0x5] =	stream.indirect_vreg.gather [hbm4b:s3+s2], $0x80, v4, vm0, $0xb8;
	[tilespmem:$0x18300] =	vst v63  }
0x328: {  	v4 =	vld [tilespmem:$0x240];
	_ =	sdelay $0x4  }
0x329: {  	v5 =	vshll.u32 v4, $0x1  }
0x32a: {  	v4 =	vand.u32 $0x7, v4;
	v5 =	vand.u32 $0xFFFFFFF0, v5  }
0x32b: {  	v4 =	vor.u32 v4, v5  }
0x32c: {  	v5 =	vperm.xlane v4, v1;
	_ =	sdelay $0x1  }
0x32d: {  	v4 =	vperm.xlane v4, v3;
	v5 =	vadd.s32 v2, v5;
	_ =	sdelay $0x1  }
0x32e: {  	v4 =	vadd.s32 v2, v4;
	_ =	sdelay $0x1  }
0x32f: {  	s10 =	simm.s32 $0xC300  }
0x330: {  	[tilespmem:s10], [sflag:$0x5] =	stream.indirect_vreg.gather [hbm4b:s3+s2], $0x80, v5, vm0, $0xb8;
	[tilespmem:$0x18300] =	vst v63  }
0x331: {  	s11 =	simm.s32 $0xCB00  }
0x332: {  	[tilespmem:s11], [sflag:$0x5] =	stream.indirect_vreg.gather [hbm4b:s3+s2], $0x80, v4, vm0, $0xb8;
	[tilespmem:$0x18300] =	vst v63  }
0x333: {  	v4 =	vld [tilespmem:$0x250];
	_ =	sdelay $0x4  }
0x334: {  	v5 =	vshll.u32 v4, $0x1  }
0x335: {  	v4 =	vand.u32 $0x7, v4;
	v5 =	vand.u32 $0xFFFFFFF0, v5  }
0x336: {  	v4 =	vor.u32 v4, v5  }
0x337: {  	v5 =	vperm.xlane v4, v1;
	_ =	sdelay $0x1  }
0x338: {  	v4 =	vperm.xlane v4, v3;
	v5 =	vadd.s32 v2, v5;
	_ =	sdelay $0x1  }
0x339: {  	v4 =	vadd.s32 v2, v4;
	_ =	sdelay $0x1  }
0x33a: {  	s12 =	simm.s32 $0xD300  }
0x33b: {  	[tilespmem:s12], [sflag:$0x5] =	stream.indirect_vreg.gather [hbm4b:s3+s2], $0x80, v5, vm0, $0xb8;
	[tilespmem:$0x18300] =	vst v63  }
0x33c: {  	s13 =	simm.s32 $0xDB00  }
0x33d: {  	[tilespmem:s13], [sflag:$0x5] =	stream.indirect_vreg.gather [hbm4b:s3+s2], $0x80, v4, vm0, $0xb8;
	[tilespmem:$0x18300] =	vst v63  }
0x33e: {  	v4 =	vld [tilespmem:$0x260];
	_ =	sdelay $0x4  }
0x33f: {  	v5 =	vshll.u32 v4, $0x1  }
0x340: {  	v4 =	vand.u32 $0x7, v4;
	v5 =	vand.u32 $0xFFFFFFF0, v5  }
0x341: {  	v4 =	vor.u32 v4, v5  }
0x342: {  	v5 =	vperm.xlane v4, v1;
	_ =	sdelay $0x1  }
0x343: {  	v4 =	vperm.xlane v4, v3;
	v5 =	vadd.s32 v2, v5;
	_ =	sdelay $0x1  }
0x344: {  	v4 =	vadd.s32 v2, v4;
	_ =	sdelay $0x1  }
0x345: {  	s14 =	simm.s32 $0xE300  }
0x346: {  	[tilespmem:s14], [sflag:$0x5] =	stream.indirect_vreg.gather [hbm4b:s3+s2], $0x80, v5, vm0, $0xb8;
	[tilespmem:$0x18300] =	vst v63  }
0x347: {  	s15 =	simm.s32 $0xEB00  }
0x348: {  	[tilespmem:s15], [sflag:$0x5] =	stream.indirect_vreg.gather [hbm4b:s3+s2], $0x80, v4, vm0, $0xb8;
	[tilespmem:$0x18300] =	vst v63  }
0x349: {  	v4 =	vld [tilespmem:$0x270];
	_ =	sdelay $0x4  }
0x34a: {  	v5 =	vshll.u32 v4, $0x1  }
0x34b: {  	v4 =	vand.u32 $0x7, v4;
	v5 =	vand.u32 $0xFFFFFFF0, v5  }
0x34c: {  	v4 =	vor.u32 v4, v5  }
0x34d: {  	v5 =	vperm.xlane v4, v1;
	_ =	sdelay $0x1  }
0x34e: {  	v4 =	vperm.xlane v4, v3;
	v5 =	vadd.s32 v2, v5;
	_ =	sdelay $0x1  }
0x34f: {  	v4 =	vadd.s32 v2, v4;
	_ =	sdelay $0x1  }
0x350: {  	s17 =	simm.s32 $0xF300  }
0x351: {  	[tilespmem:s17], [sflag:$0x5] =	stream.indirect_vreg.gather [hbm4b:s3+s2], $0x80, v5, vm0, $0xb8;
	[tilespmem:$0x18300] =	vst v63  }
0x352: {  	s18 =	simm.s32 $0xFB00  }
0x353: {  	[tilespmem:s18], [sflag:$0x5] =	stream.indirect_vreg.gather [hbm4b:s3+s2], $0x80, v4, vm0, $0xb8;
	[tilespmem:$0x18300] =	vst v63  }
0x354: {  	_ =	swait.ge [sflag:s26], $0x8000  }
0x355: {  	[sflag:s26] =	ssyncset.done $0x0  }
0x356: {  	s19 =	rddreg [dreg:$0xd];
	[sflag:s26] =	ssyncadd.s32 $0xFFFF8000  }
0x357: {  	[hbm4b:s19+s2] =	stream.linear.scatter [tilespmem:s7], [sflag:$0x9], $0x8000, $0x38;
	[tilespmem:$0x18300] =	vst v63  }
0x358: {  	_ =	swait.ge [sflag:s28], $0x8000  }
0x359: {  	[sflag:s28] =	ssyncset.done $0x0  }
0x35a: {  	s20 =	rddreg [dreg:$0xe];
	[sflag:s28] =	ssyncadd.s32 $0xFFFF8000  }
0x35b: {  	[hbm4b:s20+s2] =	stream.linear.scatter [tilespmem:s4], [sflag:$0x7], $0x8000, $0x38;
	[tilespmem:$0x18300] =	vst v63  }
0x35c: {  	_ =	swait.ge [sflag:s30], $0x8000  }
0x35d: {  	[sflag:s30] =	ssyncset.done $0x0  }
0x35e: {  	s21 =	rddreg [dreg:$0xf];
	[sflag:s30] =	ssyncadd.s32 $0xFFFF8000  }
0x35f: {  	[hbm4b:s21+s2] =	stream.linear.scatter [tilespmem:s9], [sflag:$0x8], $0x8000, $0x38;
	[tilespmem:$0x18300] =	vst v63  }
0x360: {  	_ =	swait.ge [sflag:s31], $0x8000  }
0x361: {  	[sflag:s31] =	ssyncset.done $0x0  }
0x362: {  	[sflag:s31] =	ssyncadd.s32 $0xFFFF8000  }
0x363: {  	_ =	swait.ge [sflag:s1], $0x8000  }
0x364: {  	[sflag:s1] =	ssyncset.done $0x0  }
0x365: {  	[sflag:s1] =	ssyncadd.s32 $0xFFFF8000  }
0x366: {  	_ =	swait.ge [sflag:s5], $0x8000  }
0x367: {  	s29 =	simm.s32 $0x17300;
	s22 =	rddreg [dreg:$0x12]  }
0x368: {  	s25 =	simm.s32 $0x8300;
	s23 =	rddreg [dreg:$0x10];
	s0 =	sadd.s32 $0x1, s22  }
0x369: {  	s10 =	simm.s32 $0x10B00;
	s11 =	simm.s32 $0x11300;
	p0 =	sne.s32 s0, s23  }
.Ltmp1:
0x36a: {  	s12 =	simm.s32 $0x11B00;
	s13 =	simm.s32 $0x12300;
	(pc) =	sbr.rel @p0 .LBB2_1-.Ltmp1, $4  }
0x36b: {  	s14 =	simm.s32 $0x12B00;
	s15 =	simm.s32 $0x13B00;
	s17 =	simm.s32 $0x16B00  }
0x36c: {  	s18 =	simm.s32 $0x14300;
	s19 =	simm.s32 $0x14B00;
	s4 =	simm.s32 $0x13300  }
0x36d: {  	s20 =	simm.s32 $0x15300;
	s9 =	simm.s32 $0x100;
	[sflag:s5] =	ssyncset.done $0x0  }
0x36e: {  	s21 =	simm.s32 $0x15B00;
	[sflag:s5] =	ssyncadd.s32 $0xFFFF8000;
	s22 =	simm.s32 $0x16300  }
0x36f: {  	_ =	sfence.sel $0x180000  }
0x370: {  	[bflag:$0x0] =	sbarrier.arrive $0xFFFF  }
0x371: {  	_ =	strace $0x90000047  }
0x372: {  	s0 =	stileid.u32;
	[bflag:$0x2] =	sbarrier.arrive $0xFFFF  }
0x373: {  	p0 =	sne.s32 s0, $0x0;
	s0 =	rddreg [dreg:$0x2]  }
0x374: {  	s0 =	sadd.s32 @!p0 $0x100000, s0  }
0x375: {  	[sflag:s0] =	ssyncadd.tile.s32 @!p0 $0x1;
	_ =	shalt  }
.Lfunc_end2:
_tile_overlayer_lowered:
.L_overlay_start_2:
0x376: {  	(tag) =	ssettag $0x2  }
0x377: {  	s0 =	rddreg [dreg:$0x0];
	s2 =	stileid.u32  }
0x378: {  	s1 =	rddreg [dreg:$0x1];
	p0 =	sne.s32 s2, $0x0  }
0x379: {  	s3 =	rddreg [dreg:$0x2];
	[bflag:$0x3] =	sbarrier.arrive $0xFFFF;
	s2 =	simm.s32 @!p0 $0x1C0A  }
0x37a: {  	[timem:s3], [sflag:s2] =	dma.local @!p0 [hbm:s0], s1  }
0x37b: {  	s0 =	simm.s32 @!p0 $0xA  }
0x37c: {  	_ =	swait.ge @!p0 [sflag:s0], s1  }
0x37d: {  	s1 =	ssub.s32 @!p0 $0x0, s1;
	[sflag:s0] =	ssyncset.done @!p0 $0x0  }
0x37e: {  	[sflag:s0] =	ssyncadd.s32 @!p0 s1  }
0x37f: {  	[bflag:$0x3] =	sbarrier.arrive $0xFFFF  }
0x380: {  	_ =	shalt  }

// kernel: sparse-core-data-format-call.cloned.1.call-start
scs
called_computation_lowered:
.L_overlay_start_0:
0x0: {  	s2 =	sld [smem:$0x3FD9]  }
0x1: {  	s3 =	sld [smem:$0x3FFE];
	_ =	sdelay $0x1  }
0x2: {  	s1 =	srdreg.scid  }
0x3: {  	s0 =	sand.u32 $0x1, s1  }
0x4: {  	s18 =	sshll.u32 s0, $0xA;
	s2 =	sadd.s32 s3, s2  }
0x5: {  	s2 =	sadd.s32 s2, s18  }
0x6: {  	[smem:$0x3FC6] =	sst s2  }
0x7: {  	_ = 	snop  }
0x8: {  	s2 =	sld [smem:$0x3FD0];
	(tm) =	ssettm $0x1  }
0x9: {  	s19 =	sld [smem:$0x3FFB];
	_ =	sdelay $0x3  }
0xa: {  	_ =	strace s19  }
0xb: {  	s3 =	sld [smem:$0x3FFC];
	_ =	sdelay $0x3  }
0xc: {  	_ =	strace s3  }
0xd: {  	s3 =	sld [smem:$0x3FFD];
	_ =	sdelay $0x3  }
0xe: {  	_ =	strace s3  }
0xf: {  	_ =	strace $0x8FFFFFFF  }
0x10: {  	s20 =	sld [smem:$0x3FDB];
	_ =	sdelay $0x1  }
0x11: {  	s4 =	simm.s32 $_scs_section_size  }
0x12: {  	s5 =	simm.s32 $_size__tile_overlayer_lowered;
	s6 =	simm.s32 $_tile_overlayer_lowered  }
0x13: {  	s23 =	simm.s32 $0x1BFF;
	s22 =	sshll.u32 s6, $0x1;
	s3 =	sadd.s32 s4, s20  }
0x14: {  	s7 =	simm.s32 $0x0;
	s21 =	sshll.u32 s5, $0x1;
	s5 =	sadd.s32 s22, s3  }
0x15: {  	[timem:s7], [sflag:s23] =	dma.local [hbm:s5], s21  }
0x16: {  	_ =	swait.ge [sflag:s23], s21  }
0x17: {  	s4 =	ssub.s32 $0x0, s21;
	[sflag:s23] =	ssyncset.done $0x0  }
0x18: {  	[sflag:s23] =	ssyncadd.s32 s4;
	_ =	sdelay $0x1  }
0x19: {  	s24 =	simm.s32 $0x1B8B  }
0x1a: {  	_ =	swait.ge [sflag:s24], $0x1  }
0x1b: {  	[sflag:s24] =	ssyncset.done $0x0  }
0x1c: {  	s26 =	simm.s32 $0x1B8E;
	s25 =	sld [smem:$0x3FFE];
	[sflag:s24] =	ssyncadd.s32 $0xFFFFFFFF  }
0x1d: {  	s27 =	simm.s32 $execute0_lowered;
	[smem:$0x3FD2] =	sst s26  }
0x1e: {  	s5 =	sshll.u32 s27, $0x1;
	_ =	strace $0x80000049;
	[dreg:$0x1] =	wrdreg $0xFFFFFFFF  }
0x1f: {  	s28 =	simm.s32 $_size_execute0_lowered;
	s3 =	sadd.s32 s3, s5;
	[dreg:$0x0] =	wrdreg $0x0  }
0x20: {  	s5 =	sshll.u32 s28, $0x1;
	[dreg:$0x2] =	wrdreg s3  }
0x21: {  	[dreg:$0x3] =	wrdreg s5  }
0x22: {  	[dreg:$0x4] =	wrdreg $0xC0  }
0x23: {  	_ =	task [dreg:s7], $0x5FFFF  }
0x24: {  	[dreg:$0x1] =	wrdreg $0xFFFFFFFF  }
0x25: {  	[dreg:$0x0] =	wrdreg $0x60  }
0x26: {  	[dreg:$0x2] =	wrdreg s25  }
0x27: {  	[dreg:$0x3] =	wrdreg s2  }
0x28: {  	[dreg:$0x4] =	wrdreg $0x9  }
0x29: {  	_ =	task.clear_ibuf [dreg:s7], $0x5FFFF;
	_ =	strace $0x90000049  }
0x2a: {  	s29 =	simm.s32 $0x9;
	_ =	strace $0x8000004B  }
0x2b: {  	_ =	swait.ge [sflag:s29], $0x1  }
0x2c: {  	[sflag:s29] =	ssyncadd.s32 $0xFFFFFFFF  }
0x2d: {  	_ =	strace $0x9000004B  }
0x2e: {  	_ =	sfence  }
0x2f: {  	s30 =	sld [smem:$0x0];
	_ =	sdelay $0x2  }
0x30: {  	s31 =	sshll.u32 s1, $0xD;
	s1 =	sshrl.u32 s1, $0x2  }
0x31: {  	s3 =	sand.u32 $0x4000, s31;
	s1 =	sadd.s32 s1, s30  }
0x32: {  	s0 =	sor.u32 s3, s0;
	s1 =	sshll.u32 s1, $0x11  }
0x33: {  	s0 =	sor.u32 s1, s0  }
0x34: {  	s0 =	sadd.s32 $0x8F2B, s0  }
0x35: {  	[sflag:s0] =	ssyncadd.remote.s32 $0x1  }
0x36: {  	_ =	sfence.sel $0xFFFF  }
0x37: {  	[dreg:$0x0] =	wrdreg $0xFFFFFFFF;
	(pc) =	sbr.abs _section_cstart, $3  }
0x38: {  	[dreg:$0x1] =	wrdreg $0xFFFFFFFF  }
0x39: {  	_ =	task.clear_ibuf [dreg:s7], $0x2FFFF;
	_ =	strace $0x9FFFFFFF  }
0x3a: {  	(tm) =	ssettm $0x7FFFFFFF  }
0x3b: {  	_ =	shalt  }
tec
execute0_lowered:
.L_overlay_start_1:
0x0: {  	(tag) =	ssettag $0x1  }
0x1: {  	s0 =	srdreg.scid  }
0x2: {  	s1 =	sshll.u32 s0, $0x4  }
0x3: {  	s0 =	stileid.u32;
	s1 =	sand.u32 $0x10, s1  }
0x4: {  	s1 =	sor.u32 s0, s1  }
0x5: {  	s6 =	rddreg [dreg:$0x0];
	s4 =	simm.s32 $0x1;
	s2 =	sshll.u32 s1, $0x7  }
0x6: {  	s7 =	simm.s32 $0x2;
	s12 =	simm.s32 $0x0;
	s1 =	ssub.s32 $0x1000, s2  }
0x7: {  	s8 =	simm.s32 $0x8000;
	s13 =	simm.s32 $0x0;
	s3 =	sand.u32 $0xF80, s1  }
0x8: {  	s9 =	simm.s32 $0x0;
	s5 =	sshrl.u32 s1, $0xC;
	p0 =	sne.s32 s3, $0x0  }
.Ltmp0:
0x9: {  	s1 =	rddreg [dreg:$0x2];
	s4 =	simm.s32 @!p0 $0x0;
	(pc) =	sbr.rel .LBB1_1-.Ltmp0, $4  }
0xa: {  	s11 =	simm.s32 $0x0;
	s3 =	rddreg [dreg:$0x1];
	s5 =	sadd.s32 s4, s5  }
0xb: {  	_ =	strace $0x8000004A;
	s4 =	simm.s32 $0x1;
	s5 =	smul.u32 $0xC8, s5  }
0xc: {  	s6 =	sadd.s32 $0xC00, s6;
	s10 =	smov.u32 s2;
	[sflag:s4] =	ssyncpa.u1 $0x0  }
0xd: {  	p0 =	por $0x0, $0x0;
	[sflag:s7] =	ssyncpa.u1 $0x0;
	s7 =	sor.u32 $0x1, s5  }
.LBB1_4:
0xe: {  	s16 =	sshll.u32 s13, $0x3;
	s17 =	sand.u32 $0x78, s13  }
0xf: {  	s30 =	sand.u32 $0x7E00, s13;
	s12 =	sshll.u32 s12, $0xF;
	s16 =	sand.u32 $0xC00, s16  }
0x10: {  	[tilespmem:s15+$0x810 ss:$0x81] =	vst.msk $0xffff, v2;
	s31 =	sand.u32 $0x7, s13;
	s16 =	sor.u32 s17, s16;
	s17 =	sadd.s32 s3, s30  }
0x11: {  	[tilespmem:s15+$0x1020 ss:$0x81] =	vst.msk $0xffff, v0;
	s13 =	sshll.u32 s31, $0x12;
	s12 =	sadd.s32 s12, s17;
	s16 =	sshrl.u32 s16, $0x3  }
0x12: {  	[tilespmem:s15+$0x0 ss:$0x81] =	vst.msk $0xffff, v1;
	s13 =	sor.u32 $0x400, s13;
	s12 =	sadd.s32 s16, s12  }
0x13: {  	[hbm4b:s12+s13] =	stream.strided.scatter [tilespmem:s14], [sflag:$0x2], $0x2000, s8, s13, $0x20;
	[tilespmem:$0x8080] =	vst v63  }
.LBB1_5:
0x14: {  	s14 =	sadd.s32 $0x1, s9  }
0x15: {  	s12 =	sadd.s32 $0x1000, s10;
	s16 =	smov.u32 s10;
	p2 =	sgt.s32 s14, $0xC7  }
0x16: {  	s16 =	smov.u32 @p2 s12  }
0x17: {  	s14 =	simm.s32 @p2 $0x0;
	p2 =	sgt.s32 s16, $0xFFF  }
0x18: {  	s16 =	smov.u32 @p2 s2;
	p2 =	sne.s32 s11, s7  }
.Ltmp1:
0x19: {  	p1 =	slt.u32 s11, $0x2;
	(pc) =	sbr.rel @!p2 .LBB1_6-.Ltmp1, $4  }
0x1a: {  	s15 =	simm.s32 @!p1 $0x2  }
0x1b: {  	s13 =	smov.u32 s10;
	p0 =	por !p0, !p0;
	_ =	swait.ge @!p1 [sflag:s15], $0x2000  }
0x1c: {  	s12 =	smov.u32 s9;
	[sflag:s15] =	ssyncset.done @!p1 $0x0;
	s9 =	smov.u32 s14  }
0x1d: {  	s11 =	sadd.s32 $0x1, s11;
	[sflag:s15] =	ssyncadd.s32 @!p1 $0xFFFFE000;
	s10 =	smov.u32 s16  }
.LBB1_1:
0x1e: {  	p1 =	sge.u32 s11, s5  }
0x1f: {  	s14 =	sand.u32 @!p1 $0x1FFFFFF, s9  }
0x20: {  	s15 =	smulhi.u32 @!p1 $0x147AE15, s14;
	_ =	sdelay $0x1  }
0x21: {  	s15 =	smul.u32 @!p1 $0xC8, s15  }
0x22: {  	s16 =	sxor.u32 @!p1 $0xFFFFFFFF, s11;
	s17 =	smul.u32 @!p1 $0xC80, s10  }
0x23: {  	s31 =	sadd.s32 $0xFFFFFFFF, s11;
	s16 =	sshll.u32 @!p1 s16, $0xD;
	s14 =	ssub.s32 @!p1 s14, s15  }
0x24: {  	s15 =	sand.u32 @!p1 $0x2000, s16;
	s16 =	sadd.s32 @!p1 s6, s17;
	s14 =	sshll.u32 @!p1 s14, $0x4  }
0x25: {  	s17 =	simm.s32 @!p1 $0x6400;
	s14 =	sadd.s32 @!p1 s14, s16;
	s16 =	simm.s32 @!p1 $0x40  }
0x26: {  	[tilespmem:s15], [sflag:$0x1] =	stream.strided.gather @!p1 [hbm4b:s14+s16], $0x2000, s17, s16, $0x38;
	[tilespmem:$0x8080] =	vst v63  }
0x27: {  	p1 =	sge.u32 s31, s5  }
.Ltmp2:
0x28: {  	_ = 	snop;
	(pc) =	sbr.rel @p1 .LBB1_5-.Ltmp2, $1  }
0x29: {  	_ =	sdelay $0x3  }
0x2a: {  	s14 =	simm.s32 $0x1  }
0x2b: {  	_ =	swait.ge [sflag:s4], $0x2000;
	s14 =	simm.s32 @!p0 $0x0  }
0x2c: {  	[sflag:s4] =	ssyncset.done $0x0;
	s15 =	sshll.u32 s14, $0xD  }
0x2d: {  	[sflag:s4] =	ssyncadd.s32 $0xFFFFE000;
	s18 =	sor.u32 $0x20, s15  }
0x2e: {  	s14 =	smul.u32 $0x8100, s14;
	v3 =	vld [tilespmem:s18+$0x10]  }
0x2f: {  	s30 =	sand.u32 $0x1, s11;
	v2 =	vld [tilespmem:s18+$0xFFFFFFF0]  }
0x30: {  	s15 =	smul.u32 $0x8100, s30;
	s14 =	sshrl.u32 s14, $0x2;
	v0 =	vld [tilespmem:s18+$0x0]  }
0x31: {  	v1 =	vld [tilespmem:s18+$0xFFFFFFE0];
	s16 =	sor.u32 $0x4000, s14  }
0x32: {  	s31 =	sshrl.u32 s15, $0x2;
	s15 =	sadd.s32 $0x0, s16  }
0x33: {  	s17 =	simm.s32 $0x4;
	s18 =	sadd.s32 $0x40, s18;
	s14 =	sor.u32 $0x4000, s31;
	[tilespmem:s15+$0x1830 ss:$0x81] =	vst.msk $0xffff, v3  }
.LBB1_3:
0x34: {  	v3 =	vld [tilespmem:s18+$0x10];
	p1 =	sne.s32 s17, $0x1FC;
	[tilespmem:s15+$0x810 ss:$0x81] =	vst.msk $0xffff, v2;
	s19 =	smov.u32 s17;
	s17 =	sadd.s32 $0x4, s17  }
.Ltmp3:
0x35: {  	v2 =	vld [tilespmem:s18+$0xFFFFFFF0];
	[tilespmem:s15+$0x1020 ss:$0x81] =	vst.msk $0xffff, v0;
	(pc) =	sbr.rel @p1 .LBB1_3-.Ltmp3, $4  }
0x36: {  	v0 =	vld [tilespmem:s18+$0x0];
	[tilespmem:s15+$0x0 ss:$0x81] =	vst.msk $0xffff, v1  }
0x37: {  	s15 =	sshra.s32 s19, $0x2;
	v1 =	vld [tilespmem:s18+$0xFFFFFFE0]  }
0x38: {  	s15 =	sadd.s32 s15, s16  }
0x39: {  	s18 =	sadd.s32 $0x40, s18;
	[tilespmem:s15+$0x1830 ss:$0x81] =	vst.msk $0xffff, v3  }
.Ltmp4:
0x3a: {  	_ = 	snop;
	(pc) =	sbr.rel .LBB1_4-.Ltmp4, $1  }
0x3b: {  	_ =	sdelay $0x3  }
.LBB1_6:
0x3c: {  	_ =	sfence.sel $0x180000  }
0x3d: {  	s2 =	simm.s32 $0x1;
	[bflag:$0x0] =	sbarrier.arrive $0xFFFF  }
0x3e: {  	s31 =	simm.s32 $0x2;
	[sflag:s2] =	ssyncpa.u1 $0x1  }
0x3f: {  	[sflag:s31] =	ssyncpa.u1 $0x1  }
0x40: {  	p0 =	sne.s32 s0, $0x0;
	_ =	strace $0x9000004A  }
0x41: {  	s0 =	sadd.s32 @!p0 $0x100000, s1;
	[bflag:$0x2] =	sbarrier.arrive $0xFFFF  }
0x42: {  	[sflag:s0] =	ssyncadd.tile.s32 @!p0 $0x1;
	_ =	shalt  }
.Lfunc_end1:
_tile_overlayer_lowered:
.L_overlay_start_2:
0x43: {  	(tag) =	ssettag $0x2  }
0x44: {  	s0 =	rddreg [dreg:$0x0];
	s2 =	stileid.u32  }
0x45: {  	s1 =	rddreg [dreg:$0x1];
	p0 =	sne.s32 s2, $0x0  }
0x46: {  	s3 =	rddreg [dreg:$0x2];
	[bflag:$0x3] =	sbarrier.arrive $0xFFFF;
	s2 =	simm.s32 @!p0 $0x1C01  }
0x47: {  	[timem:s3], [sflag:s2] =	dma.local @!p0 [hbm:s0], s1  }
0x48: {  	s0 =	simm.s32 @!p0 $0x1  }
0x49: {  	_ =	swait.ge @!p0 [sflag:s0], s1  }
0x4a: {  	s1 =	ssub.s32 @!p0 $0x0, s1;
	[sflag:s0] =	ssyncset.done @!p0 $0x0  }
0x4b: {  	[sflag:s0] =	ssyncadd.s32 @!p0 s1  }
0x4c: {  	[bflag:$0x3] =	sbarrier.arrive $0xFFFF  }
0x4d: {  	_ =	shalt  }

</sc_bundles>
